<compile_context>
chip_gen: v7x
topology: tpu7x:2x2x1
jax: 0.10.2.dev20260603
libtpu: 0.0.44.dev20260713+nightly
codegen_flags: <defaults>
</compile_context>

<pallas_src>
import functools

import jax
import jax.numpy as jnp
from jax import lax
from jax.experimental import pallas as pl
from jax.experimental.pallas import tpu as pltpu
from jax.experimental.pallas import tpu_sc as plsc

N = 10000
E = 320000
C = 128

NC = 2
NS = 16
NW = NC * NS
EPW = E // NW
SUB = 80
NPAD = 10240
NPT = NPAD // NS
BE = 2560

PART_CHUNKS = (125,)
PART_SIZES = tuple(a * SUB * NW for a in PART_CHUNKS)
assert sum(PART_SIZES) == E and all(p % BE == 0 for p in PART_SIZES)

_f32 = jnp.float32
_i32 = jnp.int32


def _wid():
    return lax.axis_index("c") * NS + lax.axis_index("s")


def _pingpong(nch, fire, drain):
    fire(0, 0)
    if nch % 2 == 1:
        h_iters = (nch - 1) // 2
    else:
        h_iters = (nch - 2) // 2

    def body(h, carry):
        g = h * 2
        fire(g + 1, 1)
        drain(g, 0)
        fire(g + 2, 0)
        drain(g + 1, 1)
        return carry

    lax.fori_loop(0, h_iters, body, 0)
    if nch % 2 == 1:
        drain(nch - 1, 0)
    else:
        g = nch - 2
        fire(g + 1, 1)
        drain(g, 0)
        drain(g + 1, 1)


def _tables_tc(nf, w1i, w1j):
    bn = 1000

    def body(nf_ref, wi_ref, wj_ref, ts_ref, tr_ref):
        nfb = nf_ref[...]
        ts_ref[...] = jnp.dot(nfb, wi_ref[...], preferred_element_type=_f32)
        tr_ref[...] = jnp.dot(nfb, wj_ref[...], preferred_element_type=_f32)

    return pl.pallas_call(
        body,
        grid=(N // bn,),
        in_specs=[
            pl.BlockSpec((bn, C), lambda i: (i, 0)),
            pl.BlockSpec((C, C), lambda i: (0, 0)),
            pl.BlockSpec((C, C), lambda i: (0, 0)),
        ],
        out_specs=[pl.BlockSpec((bn, C), lambda i: (i, 0))] * 2,
        out_shape=[jax.ShapeDtypeStruct((N, C), _f32)] * 2,
    )(nf, w1i, w1j)


def _sc_geo(cx_a, cy_a, cz_a, snd, rcv):
    mesh = plsc.VectorSubcoreMesh(core_axis_name="c", subcore_axis_name="s")

    @functools.partial(
        pl.kernel,
        out_type=jax.ShapeDtypeStruct((E * 4,), _f32),
        mesh=mesh,
        scratch_types=(
            pltpu.VMEM((N,), _f32),
            pltpu.VMEM((N,), _f32),
            pltpu.VMEM((N,), _f32),
            pltpu.VMEM((EPW,), _i32),
            pltpu.VMEM((EPW,), _i32),
            pltpu.VMEM((EPW * 4,), _f32),
        ),
        compiler_params=pltpu.CompilerParams(needs_layout_passes=False),
    )
    def k(cx_h, cy_h, cz_h, snd_h, rcv_h, rv_h, cx, cy, cz, ixs, ixr, rbuf):
        base = pl.multiple_of(_wid() * EPW, 8)
        pltpu.sync_copy(cx_h, cx)
        pltpu.sync_copy(cy_h, cy)
        pltpu.sync_copy(cz_h, cz)
        pltpu.sync_copy(snd_h.at[pl.ds(base, EPW)], ixs)
        pltpu.sync_copy(rcv_h.at[pl.ds(base, EPW)], ixr)
        lane = lax.iota(_i32, 16)

        def body(g, carry):
            o16 = pl.multiple_of(g * 16, 8)
            s16 = ixs[pl.ds(o16, 16)]
            r16 = ixr[pl.ds(o16, 16)]
            flat = (g * 64) + lane * 4
            for comp, cref in ((0, cx), (1, cy), (2, cz)):
                ci = plsc.load_gather(cref, [s16])
                cj = plsc.load_gather(cref, [r16])
                plsc.store_scatter(rbuf, [flat + comp], ci - cj)
            return carry

        lax.fori_loop(0, EPW // 16, body, 0)
        pltpu.sync_copy(rbuf, rv_h.at[pl.ds(base * 4, EPW * 4)])

    return k(cx_a, cy_a, cz_a, snd, rcv)


def _sc_gather(ts, tr, snd_p, rcv_p, ep):
    epw = ep // NW
    nch = epw // SUB
    mesh = plsc.VectorSubcoreMesh(core_axis_name="c", subcore_axis_name="s")

    @functools.partial(
        pl.kernel,
        out_type=(
            jax.ShapeDtypeStruct((ep, C), _f32),
            jax.ShapeDtypeStruct((ep, C), _f32),
        ),
        mesh=mesh,
        scratch_types=(
            pltpu.VMEM((epw,), _i32),
            pltpu.VMEM((epw,), _i32),
            pltpu.VMEM((SUB, C), _f32),
            pltpu.VMEM((SUB, C), _f32),
            pltpu.VMEM((SUB, C), _f32),
            pltpu.VMEM((SUB, C), _f32),
            pltpu.SemaphoreType.DMA,
            pltpu.SemaphoreType.DMA,
        ),
    )
    def k(ts_h, tr_h, snd_h, rcv_h, ga_h, gb_h, ixs, ixr, rs0, rr0, rs1, rr1,
          sem0, sem1):
        base = pl.multiple_of(_wid() * epw, 8)
        pltpu.sync_copy(snd_h.at[pl.ds(base, epw)], ixs)
        pltpu.sync_copy(rcv_h.at[pl.ds(base, epw)], ixr)
        slots = ((rs0, rr0, sem0), (rs1, rr1, sem1))

        def fire(g, slot):
            rs, rr, sem = slots[slot]
            isl = pl.ds(pl.multiple_of(g * SUB, 8), SUB)
            pltpu.async_copy(ts_h.at[ixs.at[isl]], rs, sem)
            pltpu.async_copy(tr_h.at[ixr.at[isl]], rr, sem)

        def drain(g, slot):
            rs, rr, sem = slots[slot]
            isl = pl.ds(pl.multiple_of(g * SUB, 8), SUB)
            pltpu.make_async_copy(ts_h.at[ixs.at[isl]], rs, sem).wait()
            pltpu.make_async_copy(tr_h.at[ixr.at[isl]], rr, sem).wait()
            off = pl.multiple_of(base + g * SUB, 8)
            pltpu.sync_copy(rs, ga_h.at[pl.ds(off, SUB)])
            pltpu.sync_copy(rr, gb_h.at[pl.ds(off, SUB)])

        _pingpong(nch, fire, drain)

    return k(ts, tr, snd_p, rcv_p)


_SINCOEF = (6.28318531, -41.34170217, 81.60524536, -76.70576095,
            42.05737007, -15.08455476, 3.77595755, -0.61505996)


def _sin2pi(f):
    f = f - jnp.round(f)
    x2 = f * f
    p = jnp.float32(_SINCOEF[-1])
    for coef in _SINCOEF[-2::-1]:
        p = p * x2 + jnp.float32(coef)
    return f * p


def _edge_tc(ga, gb, rv, zc16, w1g16, w_abs, b1, w2, b2, wax1, bax1, wax2,
             bax2, ep):
    def body(ga_ref, gb_ref, rv_ref, zc_ref, w1g_ref, wab_ref, b1_ref, w2_ref,
             b2_ref, wax1_ref, bax1_ref, wax2_ref, bax2_ref,
             msg_ref, dlt_ref, att_ref):
        r = rv_ref[:, :3]
        a = jnp.sqrt(jnp.sum(r * r, axis=1, keepdims=True))
        rbf16 = _sin2pi(a * zc_ref[...]) / a
        rbf16 = rbf16 + a * wab_ref[...] + b1_ref[...]
        geo = jnp.dot(rbf16, w1g_ref[...], preferred_element_type=_f32)
        h1 = jax.nn.silu(ga_ref[...] + gb_ref[...] + geo)
        m = jnp.dot(h1, w2_ref[...], preferred_element_type=_f32) + b2_ref[...]
        hax = jax.nn.silu(jnp.dot(m, wax1_ref[...], preferred_element_type=_f32)
                          + bax1_ref[...])
        out2 = jnp.dot(hax, wax2_ref[...], preferred_element_type=_f32) \
            + bax2_ref[...]
        att = jax.nn.sigmoid(out2[:, 0:1])
        px = out2[:, 1:2]
        msg_ref[...] = m * att
        dlt_ref[...] = rv_ref[...] * (px / (a + 1.0))
        att_ref[...] = att

    full = lambda shape: pl.BlockSpec(shape, lambda i: (0, 0))
    return pl.pallas_call(
        body,
        grid=(ep // BE,),
        in_specs=[
            pl.BlockSpec((BE, C), lambda i: (i, 0)),
            pl.BlockSpec((BE, C), lambda i: (i, 0)),
            pl.BlockSpec((BE, 4), lambda i: (i, 0)),
            full((1, 16)),
            full((16, C)),
            full((1, 16)),
            full((1, 16)),
            full((C, C)),
            full((1, C)),
            full((C, 2 * C)),
            full((1, 2 * C)),
            full((2 * C, C)),
            full((1, C)),
        ],
        out_specs=[
            pl.BlockSpec((BE, C), lambda i: (i, 0)),
            pl.BlockSpec((BE, 4), lambda i: (i, 0)),
            pl.BlockSpec((BE, 1), lambda i: (i, 0)),
        ],
        out_shape=[
            jax.ShapeDtypeStruct((ep, C), _f32),
            jax.ShapeDtypeStruct((ep, 4), _f32),
            jax.ShapeDtypeStruct((ep, 1), _f32),
        ],
    )(ga, gb, rv, zc16, w1g16, w_abs, b1, w2, b2, wax1, bax1, wax2, bax2)


def _sc_scatter_msg(msg_p, snd_p, zrows, ep):
    epw = ep // NW
    nch = epw // SUB
    mesh = plsc.VectorSubcoreMesh(core_axis_name="c", subcore_axis_name="s")

    @functools.partial(
        pl.kernel,
        out_type=jax.ShapeDtypeStruct((NC, NPAD, C), _f32),
        mesh=mesh,
        scratch_types=(
            pltpu.VMEM((SUB,), _i32),
            pltpu.VMEM((SUB,), _i32),
            pltpu.VMEM((SUB, C), _f32),
            pltpu.VMEM((SUB, C), _f32),
            pltpu.VMEM_SHARED((NPAD, C), _f32),
            pltpu.SemaphoreType.DMA,
            pltpu.SemaphoreType.DMA,
        ),
    )
    def k(msg_h, snd_h, z_h, outm_h, ix0, ix1, rows0, rows1, acc, sem0, sem1):
        c = lax.axis_index("c")
        s = lax.axis_index("s")
        roff = pl.multiple_of(s * NPT, 8)
        pltpu.sync_copy(z_h.at[pl.ds(roff, NPT)], acc.at[pl.ds(roff, NPT)])
        plsc.subcore_barrier()
        base = pl.multiple_of((c * NS + s) * epw, 8)
        slots = ((ix0, rows0, sem0), (ix1, rows1, sem1))

        def fire(g, slot):
            ix, rows, sem = slots[slot]
            off = pl.multiple_of(base + g * SUB, 8)
            pltpu.async_copy(snd_h.at[pl.ds(off, SUB)], ix, sem)
            pltpu.async_copy(msg_h.at[pl.ds(off, SUB)], rows, sem)

        def drain(g, slot):
            ix, rows, sem = slots[slot]
            off = pl.multiple_of(base + g * SUB, 8)
            pltpu.make_async_copy(snd_h.at[pl.ds(off, SUB)], ix, sem).wait()
            pltpu.make_async_copy(msg_h.at[pl.ds(off, SUB)], rows, sem).wait()
            pltpu.sync_copy(rows, acc.at[ix], add=True)

        _pingpong(nch, fire, drain)
        plsc.subcore_barrier()
        pltpu.sync_copy(acc.at[pl.ds(roff, NPT)], outm_h.at[c, pl.ds(roff, NPT)])

    return k(msg_p, snd_p, zrows)


def _sc_scatter_delta(dvec_p, snd_p, ep):
    epw = ep // NW
    nch = epw // SUB
    mesh = plsc.VectorSubcoreMesh(core_axis_name="c", subcore_axis_name="s")

    @functools.partial(
        pl.kernel,
        out_type=jax.ShapeDtypeStruct((NW * N * 4,), _f32),
        mesh=mesh,
        scratch_types=(
            pltpu.VMEM((SUB,), _i32),
            pltpu.VMEM((SUB,), _i32),
            pltpu.VMEM((SUB * 4,), _f32),
            pltpu.VMEM((SUB * 4,), _f32),
            pltpu.VMEM((N * 4,), _f32),
            pltpu.SemaphoreType.DMA,
            pltpu.SemaphoreType.DMA,
        ),
        compiler_params=pltpu.CompilerParams(needs_layout_passes=False),
    )
    def k(dv_h, snd_h, outd_h, ix0, ix1, dbuf0, dbuf1, dacc, sem0, sem1):
        wid = _wid()
        z16 = jnp.zeros((16,), _f32)

        def zbody(g, carry):
            dacc[pl.ds(pl.multiple_of(g * 16, 8), 16)] = z16
            return carry

        lax.fori_loop(0, N * 4 // 16, zbody, 0)
        base = pl.multiple_of(wid * epw, 8)
        lane = lax.iota(_i32, 16)
        slots = ((ix0, dbuf0, sem0), (ix1, dbuf1, sem1))

        def fire(g, slot):
            ix, dbuf, sem = slots[slot]
            off = pl.multiple_of(base + g * SUB, 8)
            pltpu.async_copy(snd_h.at[pl.ds(off, SUB)], ix, sem)
            pltpu.async_copy(dv_h.at[pl.ds(off * 4, SUB * 4)], dbuf, sem)

        def drain(g, slot):
            ix, dbuf, sem = slots[slot]
            off = pl.multiple_of(base + g * SUB, 8)
            pltpu.make_async_copy(snd_h.at[pl.ds(off, SUB)], ix, sem).wait()
            pltpu.make_async_copy(dv_h.at[pl.ds(off * 4, SUB * 4)], dbuf,
                                  sem).wait()
            for q in range(SUB // 16):
                s16 = ix[pl.ds(q * 16, 16)]
                src = q * 64 + lane * 4
                for comp in range(3):
                    vals = plsc.load_gather(dbuf, [src + comp])
                    plsc.addupdate_scatter(dacc, [s16 * 4 + comp], vals)

        _pingpong(nch, fire, drain)
        pltpu.sync_copy(dacc, outd_h.at[pl.ds(pl.multiple_of(wid * N * 4, 8),
                                              N * 4)])

    return k(dvec_p, snd_p)


def _delta_combine(dparts2d):
    ndp = dparts2d.shape[0]

    def body(dp_ref, out_ref):
        out_ref[...] = jnp.sum(dp_ref[...], axis=0, keepdims=True)

    return pl.pallas_call(
        body,
        grid=(1,),
        in_specs=[pl.BlockSpec((ndp, N * 4), lambda i: (0, 0))],
        out_specs=pl.BlockSpec((1, N * 4), lambda i: (0, 0)),
        out_shape=jax.ShapeDtypeStruct((1, N * 4), _f32),
    )(dparts2d)


def _node_tc(nf, coords, msg_parts, dsum, wn1a, wn1b, bn1, wn2, bn2):
    bn = 1000
    nparts = len(msg_parts)

    def body(nf_ref, co_ref, *refs):
        p_refs = refs[:nparts]
        dp_ref = refs[nparts]
        wa_ref, wb_ref, b1_ref, w2_ref, b2_ref, nfo_ref, coo_ref = refs[nparts + 1:]
        m = p_refs[0][...]
        for p in p_refs[1:]:
            m = m + p[...]
        delta = dp_ref[:, :3]
        nfb = nf_ref[...]
        h = jax.nn.silu(jnp.dot(nfb, wa_ref[...], preferred_element_type=_f32)
                        + jnp.dot(m, wb_ref[...], preferred_element_type=_f32)
                        + b1_ref[...])
        nfo_ref[...] = jnp.dot(h, w2_ref[...], preferred_element_type=_f32) \
            + b2_ref[...] + nfb
        coo_ref[...] = co_ref[...] + delta

    full = lambda shape: pl.BlockSpec(shape, lambda i: (0, 0))
    return pl.pallas_call(
        body,
        grid=(N // bn,),
        in_specs=[
            pl.BlockSpec((bn, C), lambda i: (i, 0)),
            pl.BlockSpec((bn, 3), lambda i: (i, 0)),
        ] + [pl.BlockSpec((bn, C), lambda i: (i, 0))] * nparts + [
            pl.BlockSpec((bn, 4), lambda i: (i, 0)),
            full((C, C)),
            full((C, C)),
            full((1, C)),
            full((C, C)),
            full((1, C)),
        ],
        out_specs=[
            pl.BlockSpec((bn, C), lambda i: (i, 0)),
            pl.BlockSpec((bn, 3), lambda i: (i, 0)),
        ],
        out_shape=[
            jax.ShapeDtypeStruct((N, C), _f32),
            jax.ShapeDtypeStruct((N, 3), _f32),
        ],
    )(nf, coords, *msg_parts, dsum, wn1a, wn1b, bn1, wn2, bn2)


def kernel(node_feats, coordinates, edge_index, params):
    pe, pn, pa, px = params["phi_e"], params["phi_n"], params["att"], params["phi_x"]
    w1 = pe["W1"]
    w1i = w1[:C]
    w1j = w1[C:2 * C]
    cut = params["bessel_cut_off"]
    amp = jnp.sqrt(2.0 / cut)
    zc16 = jnp.zeros((1, 16), _f32).at[0, :8].set(
        params["z_0k"] / (2.0 * jnp.pi * cut))
    w1g16 = jnp.zeros((16, C), _f32).at[:8].set(w1[2 * C + 1:] * amp)
    w1g16 = w1g16.at[8].set(w1[2 * C]).at[9].set(pe["b1"])
    w_abs = jnp.zeros((1, 16), _f32).at[0, 8].set(1.0)
    b1 = jnp.zeros((1, 16), _f32).at[0, 9].set(1.0)
    b2 = pe["b2"].reshape(1, C)
    wax1 = jnp.concatenate([pa["W1"], px["W1"]], axis=1)
    bax1 = jnp.concatenate([pa["b1"], px["b1"]]).reshape(1, 2 * C)
    wax2 = jnp.zeros((2 * C, C), _f32)
    wax2 = wax2.at[:C, 0].set(pa["W2"][:, 0]).at[C:, 1].set(px["W2"][:, 0])
    bax2 = jnp.zeros((1, C), _f32)
    bax2 = bax2.at[0, 0].set(pa["b2"][0]).at[0, 1].set(px["b2"][0])
    wn1 = pn["W1"]
    wn1a, wn1b = wn1[:C], wn1[C:]
    bn1 = pn["b1"].reshape(1, C)
    bn2 = pn["b2"].reshape(1, C)

    snd = edge_index[0]
    rcv = edge_index[1]
    cxyz = coordinates.T
    zrows = jnp.zeros((NPAD, C), _f32)

    ts, tr = _tables_tc(node_feats, w1i, w1j)
    rv = _sc_geo(cxyz[0], cxyz[1], cxyz[2], snd, rcv).reshape(E, 4)

    msg_parts, dparts_list, att_parts = [], [], []
    off = 0
    for ep in PART_SIZES:
        snd_p = lax.slice(snd, (off,), (off + ep,))
        rcv_p = lax.slice(rcv, (off,), (off + ep,))
        rv_p = lax.slice(rv, (off, 0), (off + ep, 4))
        ga, gb = _sc_gather(ts, tr, snd_p, rcv_p, ep)
        msg, dvec, att = _edge_tc(ga, gb, rv_p, zc16, w1g16, w_abs, b1,
                                  pe["W2"], b2, wax1, bax1, wax2, bax2, ep)
        partm = _sc_scatter_msg(msg, snd_p, zrows, ep)
        partd = _sc_scatter_delta(dvec.reshape(ep * 4), snd_p, ep)
        msg_parts.extend([partm[0], partm[1]])
        dparts_list.append(partd)
        att_parts.append(att)
        off += ep

    dparts2d = jnp.concatenate(dparts_list).reshape(len(PART_SIZES) * NW, N * 4)
    dsum = _delta_combine(dparts2d).reshape(N, 4)
    nf_new, co_new = _node_tc(node_feats, coordinates, msg_parts, dsum,
                              wn1a, wn1b, bn1, pn["W2"], bn2)
    att_full = jnp.concatenate(att_parts, axis=0)
    return nf_new, co_new, att_full

# --- scband reference (transcript-rebuilt; emitter-appended) ---
"""Pipeline reference for scband-egnnblock-17815524344040 (READ-ONLY COPY).

The authoritative reference and input builder live on the scoring server;
editing this copy changes nothing except your own understanding.
"""

import jax, jax.numpy as jnp
import numpy as np

N = 10000
E = 320000
C = 128
NUM_RBF = 8


def _init_mlp(key, c_in, c_hidden, c_out):
    k1, k2 = jax.random.split(key)
    return {
        "W1": (jax.random.normal(k1, (c_in, c_hidden), dtype=jnp.float32) / np.sqrt(c_in)),
        "b1": jnp.zeros((c_hidden,), dtype=jnp.float32),
        "W2": (jax.random.normal(k2, (c_hidden, c_out), dtype=jnp.float32) / np.sqrt(c_hidden)),
        "b2": jnp.zeros((c_out,), dtype=jnp.float32),
    }


def setup_inputs(seed: int = 0) -> dict:
    key = jax.random.key(seed)
    ks = jax.random.split(key, 7)
    node_feats = jax.random.normal(ks[0], (N, C), dtype=jnp.float32)
    coordinates = jax.random.normal(ks[1], (N, 3), dtype=jnp.float32)
    edge_index = jax.random.randint(ks[2], (2, E), 0, N, dtype=jnp.int32)
    params = {
        "phi_e": _init_mlp(ks[3], 2 * C + NUM_RBF + 1, C, C),
        "phi_n": _init_mlp(ks[4], 2 * C, C, C),
        "att": _init_mlp(ks[5], C, C, 1),
        "phi_x": _init_mlp(ks[6], C, C, 1),
        "bessel_cut_off": jnp.array([5.0], dtype=jnp.float32),
        "z_0k": np.pi * jnp.arange(NUM_RBF, dtype=jnp.float32),
    }
    return {
        "node_feats": node_feats,
        "coordinates": coordinates,
        "edge_index": edge_index,
        "params": params,
    }


def _mlp(p, x, out_act=None):
    # make_mlp with num_layers_phi=2: Linear -> SiLU -> Linear -> (output activation)
    h = jax.nn.silu(x @ p["W1"] + p["b1"])
    h = h @ p["W2"] + p["b2"]
    if out_act == "sigmoid":
        h = jax.nn.sigmoid(h)
    return h


def _forward(node_feats, coordinates, params, edge_index):
    num_nodes = node_feats.shape[0]
    # ---- EdgeOperation ----
    sender = edge_index[0]
    receiver = edge_index[1]
    nf_i = jnp.take(node_feats, sender, axis=0)
    nf_j = jnp.take(node_feats, receiver, axis=0)
    # compute_lengths_and_vectors (no cell / periodic shifts)
    r_ji = jnp.take(coordinates, sender, axis=0) - jnp.take(coordinates, receiver, axis=0)
    abs_r_ji = jnp.sqrt(jnp.sum(r_ji * r_ji, axis=-1, keepdims=True))  # [E, 1]
    cutoff = params["bessel_cut_off"]  # [1]
    z_0k = params["z_0k"]  # [NUM_RBF]
    rbf_ji = jnp.sqrt(2.0 / cutoff) * jnp.sin(z_0k * abs_r_ji / cutoff) / abs_r_ji  # [E, NUM_RBF]
    edge_in = jnp.concatenate([nf_i, nf_j, abs_r_ji, rbf_ji], axis=-1)
    m_ji = _mlp(params["phi_e"], edge_in)
    # ---- NodeOperation ---- (note: receiver = edge_indices[0] in NodeOperation)
    recv_n = edge_index[0]
    attention_ji = _mlp(params["att"], m_ji, out_act="sigmoid")  # [E, 1]
    m_i = jax.ops.segment_sum(m_ji * attention_ji, recv_n, num_segments=num_nodes)
    node_feats_new = _mlp(params["phi_n"], jnp.concatenate([node_feats, m_i], axis=-1)) + node_feats
    # modify_coords=True
    phi_x_out = _mlp(params["phi_x"], m_ji)  # [E, 1]
    delta_coords_ji = r_ji / (abs_r_ji + 1.0) * phi_x_out
    delta_coords_i = jax.ops.segment_sum(delta_coords_ji, recv_n, num_segments=num_nodes)
    coordinates_new = coordinates + delta_coords_i
    return (node_feats_new, coordinates_new, attention_ji)


def reference(node_feats, coordinates, edge_index, params):
    return _forward(node_feats, coordinates, params, edge_index)

if __name__ == "__main__":
    import jax
    _d = setup_inputs()
    print(jax.jit(kernel)(*tuple(_d.values())))

</pallas_src>

<mosaic_0001>
#map = affine_map<(d0, d1) -> (0)>
module attributes {stable_mosaic.version = 14 : i64} {
  func.func @k(%arg0: i32, %arg1: i32, %arg2: memref<1280000xf32, #tpu.memory_space<hbm>>, %arg3: memref<320000xi32, #tpu.memory_space<hbm>>, %arg4: memref<1280000xf32, #tpu.memory_space<hbm>>, %arg5: memref<80xi32, #tpu.memory_space<vmem>>, %arg6: memref<80xi32, #tpu.memory_space<vmem>>, %arg7: memref<320xf32, #tpu.memory_space<vmem>>, %arg8: memref<320xf32, #tpu.memory_space<vmem>>, %arg9: memref<40000xf32, #tpu.memory_space<vmem>>, %arg10: memref<!tpu.dma_semaphore, #tpu.memory_space<semaphore_mem>>, %arg11: memref<!tpu.dma_semaphore, #tpu.memory_space<semaphore_mem>>) attributes {dimension_semantics = [#tpu.dimension_semantics<core_parallel>, #tpu.dimension_semantics<subcore_parallel>], iteration_bounds = array<i64: 2, 16>, scalar_prefetch = 0 : i64, scratch_operands = 7 : i64, tpu.core_type = #tpu.core_type<sc_vector_subcore>, window_params = [{transform_indices = #map}, {transform_indices = #map}, {transform_indices = #map}]} {
    %mul3A = arith.constant 16 : i32
    %mul3A_0 = arith.muli %arg0, %mul3A : i32
    %add3A = arith.addi %mul3A_0, %arg1 : i32
    %broadcast_in_dim3A = arith.constant 0.000000e+00 : f32
    %broadcast_in_dim3A_1 = vector.broadcast %broadcast_in_dim3A : f32 to vector<16xf32>
    %scan3A = arith.constant 0 : i32
    %scan3A_2 = arith.constant 0 : i32
    %scan3A_3 = arith.constant 2500 : i32
    %scan3A_4 = arith.addi %scan3A_2, %scan3A_3 : i32
    %scan3A_5 = arith.constant 1 : i32
    scf.for %scan3A_224 = %scan3A_2 to %scan3A_4 step %scan3A_5  : i32 {
      %mul3A_225 = arith.constant 16 : i32
      %mul3A_226 = arith.muli %scan3A_224, %mul3A_225 : i32
      %multiple_of3A_227 = tpu.assume_multiple %mul3A_226, 8 : i32
      %swap3A = arith.index_cast %multiple_of3A_227 : i32 to index
      %swap3A_228 = tpu.vector_load %arg9[%swap3A] {strides = array<i32>} : memref<40000xf32, #tpu.memory_space<vmem>>, vector<16xf32>,
      tpu.vector_store %arg9[%swap3A], %broadcast_in_dim3A_1 {strides = array<i32>} : memref<40000xf32, #tpu.memory_space<vmem>>, vector<16xf32>,
    }
    %scan3A_6 = arith.constant 2500 : i32
    %mul3A_7 = arith.constant 10000 : i32
    %mul3A_8 = arith.muli %add3A, %mul3A_7 : i32
    %multiple_of3A = tpu.assume_multiple %mul3A_8, 8 : i32
    %iota3A = tpu.iota {dimensions = array<i32: 0>} : vector<16xi32>
    %add3A_9 = arith.constant 0 : i32
    %add3A_10 = arith.addi %multiple_of3A, %add3A_9 : i32
    %multiple_of3A_11 = tpu.assume_multiple %add3A_10, 8 : i32
    %dma_start3A = tpu.memref_slice %arg3[%multiple_of3A_11] : memref<320000xi32, #tpu.memory_space<hbm>> -> memref<80xi32, #tpu.memory_space<hbm>>
    %dma_start3A_12 = tpu.memref_slice %arg3[%multiple_of3A_11] : memref<320000xi32, #tpu.memory_space<hbm>> -> memref<80xi32, #tpu.memory_space<hbm>>
    tpu.enqueue_dma source(%dma_start3A_12 : memref<80xi32, #tpu.memory_space<hbm>>) target(%arg5 : memref<80xi32, #tpu.memory_space<vmem>>) target_semaphore(%arg10 : memref<!tpu.dma_semaphore, #tpu.memory_space<semaphore_mem>>)
    %mul3A_13 = arith.constant 4 : i32
    %mul3A_14 = arith.muli %multiple_of3A_11, %mul3A_13 : i32
    %dma_start3A_15 = tpu.memref_slice %arg2[%mul3A_14] : memref<1280000xf32, #tpu.memory_space<hbm>> -> memref<320xf32, #tpu.memory_space<hbm>>
    %dma_start3A_16 = tpu.memref_slice %arg2[%mul3A_14] : memref<1280000xf32, #tpu.memory_space<hbm>> -> memref<320xf32, #tpu.memory_space<hbm>>
    tpu.enqueue_dma source(%dma_start3A_16 : memref<320xf32, #tpu.memory_space<hbm>>) target(%arg7 : memref<320xf32, #tpu.memory_space<vmem>>) target_semaphore(%arg10 : memref<!tpu.dma_semaphore, #tpu.memory_space<semaphore_mem>>)
    %scan3A_17 = arith.constant 0 : i32
    %scan3A_18 = arith.constant 0 : i32
    %scan3A_19 = arith.constant 62 : i32
    %scan3A_20 = arith.addi %scan3A_18, %scan3A_19 : i32
    %scan3A_21 = arith.constant 1 : i32
    scf.for %scan3A_224 = %scan3A_18 to %scan3A_20 step %scan3A_21  : i32 {
      %mul3A_225 = arith.constant 2 : i32
      %mul3A_226 = arith.muli %scan3A_224, %mul3A_225 : i32
      %add3A_227 = arith.constant 1 : i32
      %add3A_228 = arith.addi %mul3A_226, %add3A_227 : i32
      %mul3A_229 = arith.constant 80 : i32
      %mul3A_230 = arith.muli %add3A_228, %mul3A_229 : i32
      %add3A_231 = arith.addi %multiple_of3A, %mul3A_230 : i32
      %multiple_of3A_232 = tpu.assume_multiple %add3A_231, 8 : i32
      %dma_start3A_233 = tpu.memref_slice %arg3[%multiple_of3A_232] : memref<320000xi32, #tpu.memory_space<hbm>> -> memref<80xi32, #tpu.memory_space<hbm>>
      %dma_start3A_234 = tpu.memref_slice %arg3[%multiple_of3A_232] : memref<320000xi32, #tpu.memory_space<hbm>> -> memref<80xi32, #tpu.memory_space<hbm>>
      tpu.enqueue_dma source(%dma_start3A_234 : memref<80xi32, #tpu.memory_space<hbm>>) target(%arg6 : memref<80xi32, #tpu.memory_space<vmem>>) target_semaphore(%arg11 : memref<!tpu.dma_semaphore, #tpu.memory_space<semaphore_mem>>)
      %mul3A_235 = arith.constant 4 : i32
      %mul3A_236 = arith.muli %multiple_of3A_232, %mul3A_235 : i32
      %dma_start3A_237 = tpu.memref_slice %arg2[%mul3A_236] : memref<1280000xf32, #tpu.memory_space<hbm>> -> memref<320xf32, #tpu.memory_space<hbm>>
      %dma_start3A_238 = tpu.memref_slice %arg2[%mul3A_236] : memref<1280000xf32, #tpu.memory_space<hbm>> -> memref<320xf32, #tpu.memory_space<hbm>>
      tpu.enqueue_dma source(%dma_start3A_238 : memref<320xf32, #tpu.memory_space<hbm>>) target(%arg8 : memref<320xf32, #tpu.memory_space<vmem>>) target_semaphore(%arg11 : memref<!tpu.dma_semaphore, #tpu.memory_space<semaphore_mem>>)
      %mul3A_239 = arith.constant 80 : i32
      %mul3A_240 = arith.muli %mul3A_226, %mul3A_239 : i32
      %add3A_241 = arith.addi %multiple_of3A, %mul3A_240 : i32
      %multiple_of3A_242 = tpu.assume_multiple %add3A_241, 8 : i32
      %dma_wait3A_243 = tpu.memref_slice %arg3[%multiple_of3A_242] : memref<320000xi32, #tpu.memory_space<hbm>> -> memref<80xi32, #tpu.memory_space<hbm>>
      %dma_wait3A_244 = tpu.memref_slice %arg3[%multiple_of3A_242] : memref<320000xi32, #tpu.memory_space<hbm>> -> memref<80xi32, #tpu.memory_space<hbm>>
      tpu.wait_dma2 semaphore(%arg10 : memref<!tpu.dma_semaphore, #tpu.memory_space<semaphore_mem>>) src(%dma_wait3A_244 : memref<80xi32, #tpu.memory_space<hbm>>) dst(%arg5 : memref<80xi32, #tpu.memory_space<vmem>>)
      %mul3A_245 = arith.constant 4 : i32
      %mul3A_246 = arith.muli %multiple_of3A_242, %mul3A_245 : i32
      %dma_wait3A_247 = tpu.memref_slice %arg2[%mul3A_246] : memref<1280000xf32, #tpu.memory_space<hbm>> -> memref<320xf32, #tpu.memory_space<hbm>>
      %dma_wait3A_248 = tpu.memref_slice %arg2[%mul3A_246] : memref<1280000xf32, #tpu.memory_space<hbm>> -> memref<320xf32, #tpu.memory_space<hbm>>
      tpu.wait_dma2 semaphore(%arg10 : memref<!tpu.dma_semaphore, #tpu.memory_space<semaphore_mem>>) src(%dma_wait3A_248 : memref<320xf32, #tpu.memory_space<hbm>>) dst(%arg7 : memref<320xf32, #tpu.memory_space<vmem>>)
      %get3A_249 = arith.constant 0 : index
      %get3A_250 = tpu.vector_load %arg5[%get3A_249] {strides = array<i32>} : memref<80xi32, #tpu.memory_space<vmem>>, vector<16xi32>,
      %mul3A_251 = arith.constant 4 : i32
      %mul3A_252 = vector.broadcast %mul3A_251 : i32 to vector<16xi32>
      %mul3A_253 = arith.muli %iota3A, %mul3A_252 : vector<16xi32>
      %add3A_254 = arith.constant 0 : i32
      %add3A_255 = vector.broadcast %add3A_254 : i32 to vector<16xi32>
      %add3A_256 = arith.addi %add3A_255, %mul3A_253 : vector<16xi32>
      %add3A_257 = arith.constant 0 : i32
      %add3A_258 = vector.broadcast %add3A_257 : i32 to vector<16xi32>
      %add3A_259 = arith.addi %add3A_256, %add3A_258 : vector<16xi32>
      %gather3A_260 = tpu.vector_load_idx %arg7[%add3A_259] : memref<320xf32, #tpu.memory_space<vmem>>[vector<16xi32>], vector<16xf32>,
      %mul3A_261 = arith.constant 4 : i32
      %mul3A_262 = vector.broadcast %mul3A_261 : i32 to vector<16xi32>
      %mul3A_263 = arith.muli %get3A_250, %mul3A_262 : vector<16xi32>
      %add3A_264 = arith.constant 0 : i32
      %add3A_265 = vector.broadcast %add3A_264 : i32 to vector<16xi32>
      %add3A_266 = arith.addi %mul3A_263, %add3A_265 : vector<16xi32>
      tpu.vector_store_idx %arg9[%add3A_266], %gather3A_260 {add = true} : memref<40000xf32, #tpu.memory_space<vmem>>[vector<16xi32>], vector<16xf32>,
      %add3A_267 = arith.constant 1 : i32
      %add3A_268 = vector.broadcast %add3A_267 : i32 to vector<16xi32>
      %add3A_269 = arith.addi %add3A_256, %add3A_268 : vector<16xi32>
      %gather3A_270 = tpu.vector_load_idx %arg7[%add3A_269] : memref<320xf32, #tpu.memory_space<vmem>>[vector<16xi32>], vector<16xf32>,
      %mul3A_271 = arith.constant 4 : i32
      %mul3A_272 = vector.broadcast %mul3A_271 : i32 to vector<16xi32>
      %mul3A_273 = arith.muli %get3A_250, %mul3A_272 : vector<16xi32>
      %add3A_274 = arith.constant 1 : i32
      %add3A_275 = vector.broadcast %add3A_274 : i32 to vector<16xi32>
      %add3A_276 = arith.addi %mul3A_273, %add3A_275 : vector<16xi32>
      tpu.vector_store_idx %arg9[%add3A_276], %gather3A_270 {add = true} : memref<40000xf32, #tpu.memory_space<vmem>>[vector<16xi32>], vector<16xf32>,
      %add3A_277 = arith.constant 2 : i32
      %add3A_278 = vector.broadcast %add3A_277 : i32 to vector<16xi32>
      %add3A_279 = arith.addi %add3A_256, %add3A_278 : vector<16xi32>
      %gather3A_280 = tpu.vector_load_idx %arg7[%add3A_279] : memref<320xf32, #tpu.memory_space<vmem>>[vector<16xi32>], vector<16xf32>,
      %mul3A_281 = arith.constant 4 : i32
      %mul3A_282 = vector.broadcast %mul3A_281 : i32 to vector<16xi32>
      %mul3A_283 = arith.muli %get3A_250, %mul3A_282 : vector<16xi32>
      %add3A_284 = arith.constant 2 : i32
      %add3A_285 = vector.broadcast %add3A_284 : i32 to vector<16xi32>
      %add3A_286 = arith.addi %mul3A_283, %add3A_285 : vector<16xi32>
      tpu.vector_store_idx %arg9[%add3A_286], %gather3A_280 {add = true} : memref<40000xf32, #tpu.memory_space<vmem>>[vector<16xi32>], vector<16xf32>,
      %get3A_287 = arith.constant 16 : index
      %get3A_288 = tpu.vector_load %arg5[%get3A_287] {strides = array<i32>} : memref<80xi32, #tpu.memory_space<vmem>>, vector<16xi32>,
      %mul3A_289 = arith.constant 4 : i32
      %mul3A_290 = vector.broadcast %mul3A_289 : i32 to vector<16xi32>
      %mul3A_291 = arith.muli %iota3A, %mul3A_290 : vector<16xi32>
      %add3A_292 = arith.constant 64 : i32
      %add3A_293 = vector.broadcast %add3A_292 : i32 to vector<16xi32>
      %add3A_294 = arith.addi %add3A_293, %mul3A_291 : vector<16xi32>
      %add3A_295 = arith.constant 0 : i32
      %add3A_296 = vector.broadcast %add3A_295 : i32 to vector<16xi32>
      %add3A_297 = arith.addi %add3A_294, %add3A_296 : vector<16xi32>
      %gather3A_298 = tpu.vector_load_idx %arg7[%add3A_297] : memref<320xf32, #tpu.memory_space<vmem>>[vector<16xi32>], vector<16xf32>,
      %mul3A_299 = arith.constant 4 : i32
      %mul3A_300 = vector.broadcast %mul3A_299 : i32 to vector<16xi32>
      %mul3A_301 = arith.muli %get3A_288, %mul3A_300 : vector<16xi32>
      %add3A_302 = arith.constant 0 : i32
      %add3A_303 = vector.broadcast %add3A_302 : i32 to vector<16xi32>
      %add3A_304 = arith.addi %mul3A_301, %add3A_303 : vector<16xi32>
      tpu.vector_store_idx %arg9[%add3A_304], %gather3A_298 {add = true} : memref<40000xf32, #tpu.memory_space<vmem>>[vector<16xi32>], vector<16xf32>,
      %add3A_305 = arith.constant 1 : i32
      %add3A_306 = vector.broadcast %add3A_305 : i32 to vector<16xi32>
      %add3A_307 = arith.addi %add3A_294, %add3A_306 : vector<16xi32>
      %gather3A_308 = tpu.vector_load_idx %arg7[%add3A_307] : memref<320xf32, #tpu.memory_space<vmem>>[vector<16xi32>], vector<16xf32>,
      %mul3A_309 = arith.constant 4 : i32
      %mul3A_310 = vector.broadcast %mul3A_309 : i32 to vector<16xi32>
      %mul3A_311 = arith.muli %get3A_288, %mul3A_310 : vector<16xi32>
      %add3A_312 = arith.constant 1 : i32
      %add3A_313 = vector.broadcast %add3A_312 : i32 to vector<16xi32>
      %add3A_314 = arith.addi %mul3A_311, %add3A_313 : vector<16xi32>
      tpu.vector_store_idx %arg9[%add3A_314], %gather3A_308 {add = true} : memref<40000xf32, #tpu.memory_space<vmem>>[vector<16xi32>], vector<16xf32>,
      %add3A_315 = arith.constant 2 : i32
      %add3A_316 = vector.broadcast %add3A_315 : i32 to vector<16xi32>
      %add3A_317 = arith.addi %add3A_294, %add3A_316 : vector<16xi32>
      %gather3A_318 = tpu.vector_load_idx %arg7[%add3A_317] : memref<320xf32, #tpu.memory_space<vmem>>[vector<16xi32>], vector<16xf32>,
      %mul3A_319 = arith.constant 4 : i32
      %mul3A_320 = vector.broadcast %mul3A_319 : i32 to vector<16xi32>
      %mul3A_321 = arith.muli %get3A_288, %mul3A_320 : vector<16xi32>
      %add3A_322 = arith.constant 2 : i32
      %add3A_323 = vector.broadcast %add3A_322 : i32 to vector<16xi32>
      %add3A_324 = arith.addi %mul3A_321, %add3A_323 : vector<16xi32>
      tpu.vector_store_idx %arg9[%add3A_324], %gather3A_318 {add = true} : memref<40000xf32, #tpu.memory_space<vmem>>[vector<16xi32>], vector<16xf32>,
      %get3A_325 = arith.constant 32 : index
      %get3A_326 = tpu.vector_load %arg5[%get3A_325] {strides = array<i32>} : memref<80xi32, #tpu.memory_space<vmem>>, vector<16xi32>,
      %mul3A_327 = arith.constant 4 : i32
      %mul3A_328 = vector.broadcast %mul3A_327 : i32 to vector<16xi32>
      %mul3A_329 = arith.muli %iota3A, %mul3A_328 : vector<16xi32>
      %add3A_330 = arith.constant 128 : i32
      %add3A_331 = vector.broadcast %add3A_330 : i32 to vector<16xi32>
      %add3A_332 = arith.addi %add3A_331, %mul3A_329 : vector<16xi32>
      %add3A_333 = arith.constant 0 : i32
      %add3A_334 = vector.broadcast %add3A_333 : i32 to vector<16xi32>
      %add3A_335 = arith.addi %add3A_332, %add3A_334 : vector<16xi32>
      %gather3A_336 = tpu.vector_load_idx %arg7[%add3A_335] : memref<320xf32, #tpu.memory_space<vmem>>[vector<16xi32>], vector<16xf32>,
      %mul3A_337 = arith.constant 4 : i32
      %mul3A_338 = vector.broadcast %mul3A_337 : i32 to vector<16xi32>
      %mul3A_339 = arith.muli %get3A_326, %mul3A_338 : vector<16xi32>
      %add3A_340 = arith.constant 0 : i32
      %add3A_341 = vector.broadcast %add3A_340 : i32 to vector<16xi32>
      %add3A_342 = arith.addi %mul3A_339, %add3A_341 : vector<16xi32>
      tpu.vector_store_idx %arg9[%add3A_342], %gather3A_336 {add = true} : memref<40000xf32, #tpu.memory_space<vmem>>[vector<16xi32>], vector<16xf32>,
      %add3A_343 = arith.constant 1 : i32
      %add3A_344 = vector.broadcast %add3A_343 : i32 to vector<16xi32>
      %add3A_345 = arith.addi %add3A_332, %add3A_344 : vector<16xi32>
      %gather3A_346 = tpu.vector_load_idx %arg7[%add3A_345] : memref<320xf32, #tpu.memory_space<vmem>>[vector<16xi32>], vector<16xf32>,
      %mul3A_347 = arith.constant 4 : i32
      %mul3A_348 = vector.broadcast %mul3A_347 : i32 to vector<16xi32>
      %mul3A_349 = arith.muli %get3A_326, %mul3A_348 : vector<16xi32>
      %add3A_350 = arith.constant 1 : i32
      %add3A_351 = vector.broadcast %add3A_350 : i32 to vector<16xi32>
      %add3A_352 = arith.addi %mul3A_349, %add3A_351 : vector<16xi32>
      tpu.vector_store_idx %arg9[%add3A_352], %gather3A_346 {add = true} : memref<40000xf32, #tpu.memory_space<vmem>>[vector<16xi32>], vector<16xf32>,
      %add3A_353 = arith.constant 2 : i32
      %add3A_354 = vector.broadcast %add3A_353 : i32 to vector<16xi32>
      %add3A_355 = arith.addi %add3A_332, %add3A_354 : vector<16xi32>
      %gather3A_356 = tpu.vector_load_idx %arg7[%add3A_355] : memref<320xf32, #tpu.memory_space<vmem>>[vector<16xi32>], vector<16xf32>,
      %mul3A_357 = arith.constant 4 : i32
      %mul3A_358 = vector.broadcast %mul3A_357 : i32 to vector<16xi32>
      %mul3A_359 = arith.muli %get3A_326, %mul3A_358 : vector<16xi32>
      %add3A_360 = arith.constant 2 : i32
      %add3A_361 = vector.broadcast %add3A_360 : i32 to vector<16xi32>
      %add3A_362 = arith.addi %mul3A_359, %add3A_361 : vector<16xi32>
      tpu.vector_store_idx %arg9[%add3A_362], %gather3A_356 {add = true} : memref<40000xf32, #tpu.memory_space<vmem>>[vector<16xi32>], vector<16xf32>,
      %get3A_363 = arith.constant 48 : index
      %get3A_364 = tpu.vector_load %arg5[%get3A_363] {strides = array<i32>} : memref<80xi32, #tpu.memory_space<vmem>>, vector<16xi32>,
      %mul3A_365 = arith.constant 4 : i32
      %mul3A_366 = vector.broadcast %mul3A_365 : i32 to vector<16xi32>
      %mul3A_367 = arith.muli %iota3A, %mul3A_366 : vector<16xi32>
      %add3A_368 = arith.constant 192 : i32
      %add3A_369 = vector.broadcast %add3A_368 : i32 to vector<16xi32>
      %add3A_370 = arith.addi %add3A_369, %mul3A_367 : vector<16xi32>
      %add3A_371 = arith.constant 0 : i32
      %add3A_372 = vector.broadcast %add3A_371 : i32 to vector<16xi32>
      %add3A_373 = arith.addi %add3A_370, %add3A_372 : vector<16xi32>
      %gather3A_374 = tpu.vector_load_idx %arg7[%add3A_373] : memref<320xf32, #tpu.memory_space<vmem>>[vector<16xi32>], vector<16xf32>,
      %mul3A_375 = arith.constant 4 : i32
      %mul3A_376 = vector.broadcast %mul3A_375 : i32 to vector<16xi32>
      %mul3A_377 = arith.muli %get3A_364, %mul3A_376 : vector<16xi32>
      %add3A_378 = arith.constant 0 : i32
      %add3A_379 = vector.broadcast %add3A_378 : i32 to vector<16xi32>
      %add3A_380 = arith.addi %mul3A_377, %add3A_379 : vector<16xi32>
      tpu.vector_store_idx %arg9[%add3A_380], %gather3A_374 {add = true} : memref<40000xf32, #tpu.memory_space<vmem>>[vector<16xi32>], vector<16xf32>,
      %add3A_381 = arith.constant 1 : i32
      %add3A_382 = vector.broadcast %add3A_381 : i32 to vector<16xi32>
      %add3A_383 = arith.addi %add3A_370, %add3A_382 : vector<16xi32>
      %gather3A_384 = tpu.vector_load_idx %arg7[%add3A_383] : memref<320xf32, #tpu.memory_space<vmem>>[vector<16xi32>], vector<16xf32>,
      %mul3A_385 = arith.constant 4 : i32
      %mul3A_386 = vector.broadcast %mul3A_385 : i32 to vector<16xi32>
      %mul3A_387 = arith.muli %get3A_364, %mul3A_386 : vector<16xi32>
      %add3A_388 = arith.constant 1 : i32
      %add3A_389 = vector.broadcast %add3A_388 : i32 to vector<16xi32>
      %add3A_390 = arith.addi %mul3A_387, %add3A_389 : vector<16xi32>
      tpu.vector_store_idx %arg9[%add3A_390], %gather3A_384 {add = true} : memref<40000xf32, #tpu.memory_space<vmem>>[vector<16xi32>], vector<16xf32>,
      %add3A_391 = arith.constant 2 : i32
      %add3A_392 = vector.broadcast %add3A_391 : i32 to vector<16xi32>
      %add3A_393 = arith.addi %add3A_370, %add3A_392 : vector<16xi32>
      %gather3A_394 = tpu.vector_load_idx %arg7[%add3A_393] : memref<320xf32, #tpu.memory_space<vmem>>[vector<16xi32>], vector<16xf32>,
      %mul3A_395 = arith.constant 4 : i32
      %mul3A_396 = vector.broadcast %mul3A_395 : i32 to vector<16xi32>
      %mul3A_397 = arith.muli %get3A_364, %mul3A_396 : vector<16xi32>
      %add3A_398 = arith.constant 2 : i32
      %add3A_399 = vector.broadcast %add3A_398 : i32 to vector<16xi32>
      %add3A_400 = arith.addi %mul3A_397, %add3A_399 : vector<16xi32>
      tpu.vector_store_idx %arg9[%add3A_400], %gather3A_394 {add = true} : memref<40000xf32, #tpu.memory_space<vmem>>[vector<16xi32>], vector<16xf32>,
      %get3A_401 = arith.constant 64 : index
      %get3A_402 = tpu.vector_load %arg5[%get3A_401] {strides = array<i32>} : memref<80xi32, #tpu.memory_space<vmem>>, vector<16xi32>,
      %mul3A_403 = arith.constant 4 : i32
      %mul3A_404 = vector.broadcast %mul3A_403 : i32 to vector<16xi32>
      %mul3A_405 = arith.muli %iota3A, %mul3A_404 : vector<16xi32>
      %add3A_406 = arith.constant 256 : i32
      %add3A_407 = vector.broadcast %add3A_406 : i32 to vector<16xi32>
      %add3A_408 = arith.addi %add3A_407, %mul3A_405 : vector<16xi32>
      %add3A_409 = arith.constant 0 : i32
      %add3A_410 = vector.broadcast %add3A_409 : i32 to vector<16xi32>
      %add3A_411 = arith.addi %add3A_408, %add3A_410 : vector<16xi32>
      %gather3A_412 = tpu.vector_load_idx %arg7[%add3A_411] : memref<320xf32, #tpu.memory_space<vmem>>[vector<16xi32>], vector<16xf32>,
      %mul3A_413 = arith.constant 4 : i32
      %mul3A_414 = vector.broadcast %mul3A_413 : i32 to vector<16xi32>
      %mul3A_415 = arith.muli %get3A_402, %mul3A_414 : vector<16xi32>
      %add3A_416 = arith.constant 0 : i32
      %add3A_417 = vector.broadcast %add3A_416 : i32 to vector<16xi32>
      %add3A_418 = arith.addi %mul3A_415, %add3A_417 : vector<16xi32>
      tpu.vector_store_idx %arg9[%add3A_418], %gather3A_412 {add = true} : memref<40000xf32, #tpu.memory_space<vmem>>[vector<16xi32>], vector<16xf32>,
      %add3A_419 = arith.constant 1 : i32
      %add3A_420 = vector.broadcast %add3A_419 : i32 to vector<16xi32>
      %add3A_421 = arith.addi %add3A_408, %add3A_420 : vector<16xi32>
      %gather3A_422 = tpu.vector_load_idx %arg7[%add3A_421] : memref<320xf32, #tpu.memory_space<vmem>>[vector<16xi32>], vector<16xf32>,
      %mul3A_423 = arith.constant 4 : i32
      %mul3A_424 = vector.broadcast %mul3A_423 : i32 to vector<16xi32>
      %mul3A_425 = arith.muli %get3A_402, %mul3A_424 : vector<16xi32>
      %add3A_426 = arith.constant 1 : i32
      %add3A_427 = vector.broadcast %add3A_426 : i32 to vector<16xi32>
      %add3A_428 = arith.addi %mul3A_425, %add3A_427 : vector<16xi32>
      tpu.vector_store_idx %arg9[%add3A_428], %gather3A_422 {add = true} : memref<40000xf32, #tpu.memory_space<vmem>>[vector<16xi32>], vector<16xf32>,
      %add3A_429 = arith.constant 2 : i32
      %add3A_430 = vector.broadcast %add3A_429 : i32 to vector<16xi32>
      %add3A_431 = arith.addi %add3A_408, %add3A_430 : vector<16xi32>
      %gather3A_432 = tpu.vector_load_idx %arg7[%add3A_431] : memref<320xf32, #tpu.memory_space<vmem>>[vector<16xi32>], vector<16xf32>,
      %mul3A_433 = arith.constant 4 : i32
      %mul3A_434 = vector.broadcast %mul3A_433 : i32 to vector<16xi32>
      %mul3A_435 = arith.muli %get3A_402, %mul3A_434 : vector<16xi32>
      %add3A_436 = arith.constant 2 : i32
      %add3A_437 = vector.broadcast %add3A_436 : i32 to vector<16xi32>
      %add3A_438 = arith.addi %mul3A_435, %add3A_437 : vector<16xi32>
      tpu.vector_store_idx %arg9[%add3A_438], %gather3A_432 {add = true} : memref<40000xf32, #tpu.memory_space<vmem>>[vector<16xi32>], vector<16xf32>,
      %add3A_439 = arith.constant 2 : i32
      %add3A_440 = arith.addi %mul3A_226, %add3A_439 : i32
      %mul3A_441 = arith.constant 80 : i32
      %mul3A_442 = arith.muli %add3A_440, %mul3A_441 : i32
      %add3A_443 = arith.addi %multiple_of3A, %mul3A_442 : i32
      %multiple_of3A_444 = tpu.assume_multiple %add3A_443, 8 : i32
      %dma_start3A_445 = tpu.memref_slice %arg3[%multiple_of3A_444] : memref<320000xi32, #tpu.memory_space<hbm>> -> memref<80xi32, #tpu.memory_space<hbm>>
      %dma_start3A_446 = tpu.memref_slice %arg3[%multiple_of3A_444] : memref<320000xi32, #tpu.memory_space<hbm>> -> memref<80xi32, #tpu.memory_space<hbm>>
      tpu.enqueue_dma source(%dma_start3A_446 : memref<80xi32, #tpu.memory_space<hbm>>) target(%arg5 : memref<80xi32, #tpu.memory_space<vmem>>) target_semaphore(%arg10 : memref<!tpu.dma_semaphore, #tpu.memory_space<semaphore_mem>>)
      %mul3A_447 = arith.constant 4 : i32
      %mul3A_448 = arith.muli %multiple_of3A_444, %mul3A_447 : i32
      %dma_start3A_449 = tpu.memref_slice %arg2[%mul3A_448] : memref<1280000xf32, #tpu.memory_space<hbm>> -> memref<320xf32, #tpu.memory_space<hbm>>
      %dma_start3A_450 = tpu.memref_slice %arg2[%mul3A_448] : memref<1280000xf32, #tpu.memory_space<hbm>> -> memref<320xf32, #tpu.memory_space<hbm>>
      tpu.enqueue_dma source(%dma_start3A_450 : memref<320xf32, #tpu.memory_space<hbm>>) target(%arg7 : memref<320xf32, #tpu.memory_space<vmem>>) target_semaphore(%arg10 : memref<!tpu.dma_semaphore, #tpu.memory_space<semaphore_mem>>)
      %add3A_451 = arith.constant 1 : i32
      %add3A_452 = arith.addi %mul3A_226, %add3A_451 : i32
      %mul3A_453 = arith.constant 80 : i32
      %mul3A_454 = arith.muli %add3A_452, %mul3A_453 : i32
      %add3A_455 = arith.addi %multiple_of3A, %mul3A_454 : i32
      %multiple_of3A_456 = tpu.assume_multiple %add3A_455, 8 : i32
      %dma_wait3A_457 = tpu.memref_slice %arg3[%multiple_of3A_456] : memref<320000xi32, #tpu.memory_space<hbm>> -> memref<80xi32, #tpu.memory_space<hbm>>
      %dma_wait3A_458 = tpu.memref_slice %arg3[%multiple_of3A_456] : memref<320000xi32, #tpu.memory_space<hbm>> -> memref<80xi32, #tpu.memory_space<hbm>>
      tpu.wait_dma2 semaphore(%arg11 : memref<!tpu.dma_semaphore, #tpu.memory_space<semaphore_mem>>) src(%dma_wait3A_458 : memref<80xi32, #tpu.memory_space<hbm>>) dst(%arg6 : memref<80xi32, #tpu.memory_space<vmem>>)
      %mul3A_459 = arith.constant 4 : i32
      %mul3A_460 = arith.muli %multiple_of3A_456, %mul3A_459 : i32
      %dma_wait3A_461 = tpu.memref_slice %arg2[%mul3A_460] : memref<1280000xf32, #tpu.memory_space<hbm>> -> memref<320xf32, #tpu.memory_space<hbm>>
      %dma_wait3A_462 = tpu.memref_slice %arg2[%mul3A_460] : memref<1280000xf32, #tpu.memory_space<hbm>> -> memref<320xf32, #tpu.memory_space<hbm>>
      tpu.wait_dma2 semaphore(%arg11 : memref<!tpu.dma_semaphore, #tpu.memory_space<semaphore_mem>>) src(%dma_wait3A_462 : memref<320xf32, #tpu.memory_space<hbm>>) dst(%arg8 : memref<320xf32, #tpu.memory_space<vmem>>)
      %get3A_463 = arith.constant 0 : index
      %get3A_464 = tpu.vector_load %arg6[%get3A_463] {strides = array<i32>} : memref<80xi32, #tpu.memory_space<vmem>>, vector<16xi32>,
      %mul3A_465 = arith.constant 4 : i32
      %mul3A_466 = vector.broadcast %mul3A_465 : i32 to vector<16xi32>
      %mul3A_467 = arith.muli %iota3A, %mul3A_466 : vector<16xi32>
      %add3A_468 = arith.constant 0 : i32
      %add3A_469 = vector.broadcast %add3A_468 : i32 to vector<16xi32>
      %add3A_470 = arith.addi %add3A_469, %mul3A_467 : vector<16xi32>
      %add3A_471 = arith.constant 0 : i32
      %add3A_472 = vector.broadcast %add3A_471 : i32 to vector<16xi32>
      %add3A_473 = arith.addi %add3A_470, %add3A_472 : vector<16xi32>
      %gather3A_474 = tpu.vector_load_idx %arg8[%add3A_473] : memref<320xf32, #tpu.memory_space<vmem>>[vector<16xi32>], vector<16xf32>,
      %mul3A_475 = arith.constant 4 : i32
      %mul3A_476 = vector.broadcast %mul3A_475 : i32 to vector<16xi32>
      %mul3A_477 = arith.muli %get3A_464, %mul3A_476 : vector<16xi32>
      %add3A_478 = arith.constant 0 : i32
      %add3A_479 = vector.broadcast %add3A_478 : i32 to vector<16xi32>
      %add3A_480 = arith.addi %mul3A_477, %add3A_479 : vector<16xi32>
      tpu.vector_store_idx %arg9[%add3A_480], %gather3A_474 {add = true} : memref<40000xf32, #tpu.memory_space<vmem>>[vector<16xi32>], vector<16xf32>,
      %add3A_481 = arith.constant 1 : i32
      %add3A_482 = vector.broadcast %add3A_481 : i32 to vector<16xi32>
      %add3A_483 = arith.addi %add3A_470, %add3A_482 : vector<16xi32>
      %gather3A_484 = tpu.vector_load_idx %arg8[%add3A_483] : memref<320xf32, #tpu.memory_space<vmem>>[vector<16xi32>], vector<16xf32>,
      %mul3A_485 = arith.constant 4 : i32
      %mul3A_486 = vector.broadcast %mul3A_485 : i32 to vector<16xi32>
      %mul3A_487 = arith.muli %get3A_464, %mul3A_486 : vector<16xi32>
      %add3A_488 = arith.constant 1 : i32
      %add3A_489 = vector.broadcast %add3A_488 : i32 to vector<16xi32>
      %add3A_490 = arith.addi %mul3A_487, %add3A_489 : vector<16xi32>
      tpu.vector_store_idx %arg9[%add3A_490], %gather3A_484 {add = true} : memref<40000xf32, #tpu.memory_space<vmem>>[vector<16xi32>], vector<16xf32>,
      %add3A_491 = arith.constant 2 : i32
      %add3A_492 = vector.broadcast %add3A_491 : i32 to vector<16xi32>
      %add3A_493 = arith.addi %add3A_470, %add3A_492 : vector<16xi32>
      %gather3A_494 = tpu.vector_load_idx %arg8[%add3A_493] : memref<320xf32, #tpu.memory_space<vmem>>[vector<16xi32>], vector<16xf32>,
      %mul3A_495 = arith.constant 4 : i32
      %mul3A_496 = vector.broadcast %mul3A_495 : i32 to vector<16xi32>
      %mul3A_497 = arith.muli %get3A_464, %mul3A_496 : vector<16xi32>
      %add3A_498 = arith.constant 2 : i32
      %add3A_499 = vector.broadcast %add3A_498 : i32 to vector<16xi32>
      %add3A_500 = arith.addi %mul3A_497, %add3A_499 : vector<16xi32>
      tpu.vector_store_idx %arg9[%add3A_500], %gather3A_494 {add = true} : memref<40000xf32, #tpu.memory_space<vmem>>[vector<16xi32>], vector<16xf32>,
      %get3A_501 = arith.constant 16 : index
      %get3A_502 = tpu.vector_load %arg6[%get3A_501] {strides = array<i32>} : memref<80xi32, #tpu.memory_space<vmem>>, vector<16xi32>,
      %mul3A_503 = arith.constant 4 : i32
      %mul3A_504 = vector.broadcast %mul3A_503 : i32 to vector<16xi32>
      %mul3A_505 = arith.muli %iota3A, %mul3A_504 : vector<16xi32>
      %add3A_506 = arith.constant 64 : i32
      %add3A_507 = vector.broadcast %add3A_506 : i32 to vector<16xi32>
      %add3A_508 = arith.addi %add3A_507, %mul3A_505 : vector<16xi32>
      %add3A_509 = arith.constant 0 : i32
      %add3A_510 = vector.broadcast %add3A_509 : i32 to vector<16xi32>
      %add3A_511 = arith.addi %add3A_508, %add3A_510 : vector<16xi32>
      %gather3A_512 = tpu.vector_load_idx %arg8[%add3A_511] : memref<320xf32, #tpu.memory_space<vmem>>[vector<16xi32>], vector<16xf32>,
      %mul3A_513 = arith.constant 4 : i32
      %mul3A_514 = vector.broadcast %mul3A_513 : i32 to vector<16xi32>
      %mul3A_515 = arith.muli %get3A_502, %mul3A_514 : vector<16xi32>
      %add3A_516 = arith.constant 0 : i32
      %add3A_517 = vector.broadcast %add3A_516 : i32 to vector<16xi32>
      %add3A_518 = arith.addi %mul3A_515, %add3A_517 : vector<16xi32>
      tpu.vector_store_idx %arg9[%add3A_518], %gather3A_512 {add = true} : memref<40000xf32, #tpu.memory_space<vmem>>[vector<16xi32>], vector<16xf32>,
      %add3A_519 = arith.constant 1 : i32
      %add3A_520 = vector.broadcast %add3A_519 : i32 to vector<16xi32>
      %add3A_521 = arith.addi %add3A_508, %add3A_520 : vector<16xi32>
      %gather3A_522 = tpu.vector_load_idx %arg8[%add3A_521] : memref<320xf32, #tpu.memory_space<vmem>>[vector<16xi32>], vector<16xf32>,
      %mul3A_523 = arith.constant 4 : i32
      %mul3A_524 = vector.broadcast %mul3A_523 : i32 to vector<16xi32>
      %mul3A_525 = arith.muli %get3A_502, %mul3A_524 : vector<16xi32>
      %add3A_526 = arith.constant 1 : i32
      %add3A_527 = vector.broadcast %add3A_526 : i32 to vector<16xi32>
      %add3A_528 = arith.addi %mul3A_525, %add3A_527 : vector<16xi32>
      tpu.vector_store_idx %arg9[%add3A_528], %gather3A_522 {add = true} : memref<40000xf32, #tpu.memory_space<vmem>>[vector<16xi32>], vector<16xf32>,
      %add3A_529 = arith.constant 2 : i32
      %add3A_530 = vector.broadcast %add3A_529 : i32 to vector<16xi32>
      %add3A_531 = arith.addi %add3A_508, %add3A_530 : vector<16xi32>
      %gather3A_532 = tpu.vector_load_idx %arg8[%add3A_531] : memref<320xf32, #tpu.memory_space<vmem>>[vector<16xi32>], vector<16xf32>,
      %mul3A_533 = arith.constant 4 : i32
      %mul3A_534 = vector.broadcast %mul3A_533 : i32 to vector<16xi32>
      %mul3A_535 = arith.muli %get3A_502, %mul3A_534 : vector<16xi32>
      %add3A_536 = arith.constant 2 : i32
      %add3A_537 = vector.broadcast %add3A_536 : i32 to vector<16xi32>
      %add3A_538 = arith.addi %mul3A_535, %add3A_537 : vector<16xi32>
      tpu.vector_store_idx %arg9[%add3A_538], %gather3A_532 {add = true} : memref<40000xf32, #tpu.memory_space<vmem>>[vector<16xi32>], vector<16xf32>,
      %get3A_539 = arith.constant 32 : index
      %get3A_540 = tpu.vector_load %arg6[%get3A_539] {strides = array<i32>} : memref<80xi32, #tpu.memory_space<vmem>>, vector<16xi32>,
      %mul3A_541 = arith.constant 4 : i32
      %mul3A_542 = vector.broadcast %mul3A_541 : i32 to vector<16xi32>
      %mul3A_543 = arith.muli %iota3A, %mul3A_542 : vector<16xi32>
      %add3A_544 = arith.constant 128 : i32
      %add3A_545 = vector.broadcast %add3A_544 : i32 to vector<16xi32>
      %add3A_546 = arith.addi %add3A_545, %mul3A_543 : vector<16xi32>
      %add3A_547 = arith.constant 0 : i32
      %add3A_548 = vector.broadcast %add3A_547 : i32 to vector<16xi32>
      %add3A_549 = arith.addi %add3A_546, %add3A_548 : vector<16xi32>
      %gather3A_550 = tpu.vector_load_idx %arg8[%add3A_549] : memref<320xf32, #tpu.memory_space<vmem>>[vector<16xi32>], vector<16xf32>,
      %mul3A_551 = arith.constant 4 : i32
      %mul3A_552 = vector.broadcast %mul3A_551 : i32 to vector<16xi32>
      %mul3A_553 = arith.muli %get3A_540, %mul3A_552 : vector<16xi32>
      %add3A_554 = arith.constant 0 : i32
      %add3A_555 = vector.broadcast %add3A_554 : i32 to vector<16xi32>
      %add3A_556 = arith.addi %mul3A_553, %add3A_555 : vector<16xi32>
      tpu.vector_store_idx %arg9[%add3A_556], %gather3A_550 {add = true} : memref<40000xf32, #tpu.memory_space<vmem>>[vector<16xi32>], vector<16xf32>,
      %add3A_557 = arith.constant 1 : i32
      %add3A_558 = vector.broadcast %add3A_557 : i32 to vector<16xi32>
      %add3A_559 = arith.addi %add3A_546, %add3A_558 : vector<16xi32>
      %gather3A_560 = tpu.vector_load_idx %arg8[%add3A_559] : memref<320xf32, #tpu.memory_space<vmem>>[vector<16xi32>], vector<16xf32>,
      %mul3A_561 = arith.constant 4 : i32
      %mul3A_562 = vector.broadcast %mul3A_561 : i32 to vector<16xi32>
      %mul3A_563 = arith.muli %get3A_540, %mul3A_562 : vector<16xi32>
      %add3A_564 = arith.constant 1 : i32
      %add3A_565 = vector.broadcast %add3A_564 : i32 to vector<16xi32>
      %add3A_566 = arith.addi %mul3A_563, %add3A_565 : vector<16xi32>
      tpu.vector_store_idx %arg9[%add3A_566], %gather3A_560 {add = true} : memref<40000xf32, #tpu.memory_space<vmem>>[vector<16xi32>], vector<16xf32>,
      %add3A_567 = arith.constant 2 : i32
      %add3A_568 = vector.broadcast %add3A_567 : i32 to vector<16xi32>
      %add3A_569 = arith.addi %add3A_546, %add3A_568 : vector<16xi32>
      %gather3A_570 = tpu.vector_load_idx %arg8[%add3A_569] : memref<320xf32, #tpu.memory_space<vmem>>[vector<16xi32>], vector<16xf32>,
      %mul3A_571 = arith.constant 4 : i32
      %mul3A_572 = vector.broadcast %mul3A_571 : i32 to vector<16xi32>
      %mul3A_573 = arith.muli %get3A_540, %mul3A_572 : vector<16xi32>
      %add3A_574 = arith.constant 2 : i32
      %add3A_575 = vector.broadcast %add3A_574 : i32 to vector<16xi32>
      %add3A_576 = arith.addi %mul3A_573, %add3A_575 : vector<16xi32>
      tpu.vector_store_idx %arg9[%add3A_576], %gather3A_570 {add = true} : memref<40000xf32, #tpu.memory_space<vmem>>[vector<16xi32>], vector<16xf32>,
      %get3A_577 = arith.constant 48 : index
      %get3A_578 = tpu.vector_load %arg6[%get3A_577] {strides = array<i32>} : memref<80xi32, #tpu.memory_space<vmem>>, vector<16xi32>,
      %mul3A_579 = arith.constant 4 : i32
      %mul3A_580 = vector.broadcast %mul3A_579 : i32 to vector<16xi32>
      %mul3A_581 = arith.muli %iota3A, %mul3A_580 : vector<16xi32>
      %add3A_582 = arith.constant 192 : i32
      %add3A_583 = vector.broadcast %add3A_582 : i32 to vector<16xi32>
      %add3A_584 = arith.addi %add3A_583, %mul3A_581 : vector<16xi32>
      %add3A_585 = arith.constant 0 : i32
      %add3A_586 = vector.broadcast %add3A_585 : i32 to vector<16xi32>
      %add3A_587 = arith.addi %add3A_584, %add3A_586 : vector<16xi32>
      %gather3A_588 = tpu.vector_load_idx %arg8[%add3A_587] : memref<320xf32, #tpu.memory_space<vmem>>[vector<16xi32>], vector<16xf32>,
      %mul3A_589 = arith.constant 4 : i32
      %mul3A_590 = vector.broadcast %mul3A_589 : i32 to vector<16xi32>
      %mul3A_591 = arith.muli %get3A_578, %mul3A_590 : vector<16xi32>
      %add3A_592 = arith.constant 0 : i32
      %add3A_593 = vector.broadcast %add3A_592 : i32 to vector<16xi32>
      %add3A_594 = arith.addi %mul3A_591, %add3A_593 : vector<16xi32>
      tpu.vector_store_idx %arg9[%add3A_594], %gather3A_588 {add = true} : memref<40000xf32, #tpu.memory_space<vmem>>[vector<16xi32>], vector<16xf32>,
      %add3A_595 = arith.constant 1 : i32
      %add3A_596 = vector.broadcast %add3A_595 : i32 to vector<16xi32>
      %add3A_597 = arith.addi %add3A_584, %add3A_596 : vector<16xi32>
      %gather3A_598 = tpu.vector_load_idx %arg8[%add3A_597] : memref<320xf32, #tpu.memory_space<vmem>>[vector<16xi32>], vector<16xf32>,
      %mul3A_599 = arith.constant 4 : i32
      %mul3A_600 = vector.broadcast %mul3A_599 : i32 to vector<16xi32>
      %mul3A_601 = arith.muli %get3A_578, %mul3A_600 : vector<16xi32>
      %add3A_602 = arith.constant 1 : i32
      %add3A_603 = vector.broadcast %add3A_602 : i32 to vector<16xi32>
      %add3A_604 = arith.addi %mul3A_601, %add3A_603 : vector<16xi32>
      tpu.vector_store_idx %arg9[%add3A_604], %gather3A_598 {add = true} : memref<40000xf32, #tpu.memory_space<vmem>>[vector<16xi32>], vector<16xf32>,
      %add3A_605 = arith.constant 2 : i32
      %add3A_606 = vector.broadcast %add3A_605 : i32 to vector<16xi32>
      %add3A_607 = arith.addi %add3A_584, %add3A_606 : vector<16xi32>
      %gather3A_608 = tpu.vector_load_idx %arg8[%add3A_607] : memref<320xf32, #tpu.memory_space<vmem>>[vector<16xi32>], vector<16xf32>,
      %mul3A_609 = arith.constant 4 : i32
      %mul3A_610 = vector.broadcast %mul3A_609 : i32 to vector<16xi32>
      %mul3A_611 = arith.muli %get3A_578, %mul3A_610 : vector<16xi32>
      %add3A_612 = arith.constant 2 : i32
      %add3A_613 = vector.broadcast %add3A_612 : i32 to vector<16xi32>
      %add3A_614 = arith.addi %mul3A_611, %add3A_613 : vector<16xi32>
      tpu.vector_store_idx %arg9[%add3A_614], %gather3A_608 {add = true} : memref<40000xf32, #tpu.memory_space<vmem>>[vector<16xi32>], vector<16xf32>,
      %get3A_615 = arith.constant 64 : index
      %get3A_616 = tpu.vector_load %arg6[%get3A_615] {strides = array<i32>} : memref<80xi32, #tpu.memory_space<vmem>>, vector<16xi32>,
      %mul3A_617 = arith.constant 4 : i32
      %mul3A_618 = vector.broadcast %mul3A_617 : i32 to vector<16xi32>
      %mul3A_619 = arith.muli %iota3A, %mul3A_618 : vector<16xi32>
      %add3A_620 = arith.constant 256 : i32
      %add3A_621 = vector.broadcast %add3A_620 : i32 to vector<16xi32>
      %add3A_622 = arith.addi %add3A_621, %mul3A_619 : vector<16xi32>
      %add3A_623 = arith.constant 0 : i32
      %add3A_624 = vector.broadcast %add3A_623 : i32 to vector<16xi32>
      %add3A_625 = arith.addi %add3A_622, %add3A_624 : vector<16xi32>
      %gather3A_626 = tpu.vector_load_idx %arg8[%add3A_625] : memref<320xf32, #tpu.memory_space<vmem>>[vector<16xi32>], vector<16xf32>,
      %mul3A_627 = arith.constant 4 : i32
      %mul3A_628 = vector.broadcast %mul3A_627 : i32 to vector<16xi32>
      %mul3A_629 = arith.muli %get3A_616, %mul3A_628 : vector<16xi32>
      %add3A_630 = arith.constant 0 : i32
      %add3A_631 = vector.broadcast %add3A_630 : i32 to vector<16xi32>
      %add3A_632 = arith.addi %mul3A_629, %add3A_631 : vector<16xi32>
      tpu.vector_store_idx %arg9[%add3A_632], %gather3A_626 {add = true} : memref<40000xf32, #tpu.memory_space<vmem>>[vector<16xi32>], vector<16xf32>,
      %add3A_633 = arith.constant 1 : i32
      %add3A_634 = vector.broadcast %add3A_633 : i32 to vector<16xi32>
      %add3A_635 = arith.addi %add3A_622, %add3A_634 : vector<16xi32>
      %gather3A_636 = tpu.vector_load_idx %arg8[%add3A_635] : memref<320xf32, #tpu.memory_space<vmem>>[vector<16xi32>], vector<16xf32>,
      %mul3A_637 = arith.constant 4 : i32
      %mul3A_638 = vector.broadcast %mul3A_637 : i32 to vector<16xi32>
      %mul3A_639 = arith.muli %get3A_616, %mul3A_638 : vector<16xi32>
      %add3A_640 = arith.constant 1 : i32
      %add3A_641 = vector.broadcast %add3A_640 : i32 to vector<16xi32>
      %add3A_642 = arith.addi %mul3A_639, %add3A_641 : vector<16xi32>
      tpu.vector_store_idx %arg9[%add3A_642], %gather3A_636 {add = true} : memref<40000xf32, #tpu.memory_space<vmem>>[vector<16xi32>], vector<16xf32>,
      %add3A_643 = arith.constant 2 : i32
      %add3A_644 = vector.broadcast %add3A_643 : i32 to vector<16xi32>
      %add3A_645 = arith.addi %add3A_622, %add3A_644 : vector<16xi32>
      %gather3A_646 = tpu.vector_load_idx %arg8[%add3A_645] : memref<320xf32, #tpu.memory_space<vmem>>[vector<16xi32>], vector<16xf32>,
      %mul3A_647 = arith.constant 4 : i32
      %mul3A_648 = vector.broadcast %mul3A_647 : i32 to vector<16xi32>
      %mul3A_649 = arith.muli %get3A_616, %mul3A_648 : vector<16xi32>
      %add3A_650 = arith.constant 2 : i32
      %add3A_651 = vector.broadcast %add3A_650 : i32 to vector<16xi32>
      %add3A_652 = arith.addi %mul3A_649, %add3A_651 : vector<16xi32>
      tpu.vector_store_idx %arg9[%add3A_652], %gather3A_646 {add = true} : memref<40000xf32, #tpu.memory_space<vmem>>[vector<16xi32>], vector<16xf32>,
    }
    %scan3A_22 = arith.constant 62 : i32
    %add3A_23 = arith.constant 9920 : i32
    %add3A_24 = arith.addi %multiple_of3A, %add3A_23 : i32
    %multiple_of3A_25 = tpu.assume_multiple %add3A_24, 8 : i32
    %dma_wait3A = tpu.memref_slice %arg3[%multiple_of3A_25] : memref<320000xi32, #tpu.memory_space<hbm>> -> memref<80xi32, #tpu.memory_space<hbm>>
    %dma_wait3A_26 = tpu.memref_slice %arg3[%multiple_of3A_25] : memref<320000xi32, #tpu.memory_space<hbm>> -> memref<80xi32, #tpu.memory_space<hbm>>
    tpu.wait_dma2 semaphore(%arg10 : memref<!tpu.dma_semaphore, #tpu.memory_space<semaphore_mem>>) src(%dma_wait3A_26 : memref<80xi32, #tpu.memory_space<hbm>>) dst(%arg5 : memref<80xi32, #tpu.memory_space<vmem>>)
    %mul3A_27 = arith.constant 4 : i32
    %mul3A_28 = arith.muli %multiple_of3A_25, %mul3A_27 : i32
    %dma_wait3A_29 = tpu.memref_slice %arg2[%mul3A_28] : memref<1280000xf32, #tpu.memory_space<hbm>> -> memref<320xf32, #tpu.memory_space<hbm>>
    %dma_wait3A_30 = tpu.memref_slice %arg2[%mul3A_28] : memref<1280000xf32, #tpu.memory_space<hbm>> -> memref<320xf32, #tpu.memory_space<hbm>>
    tpu.wait_dma2 semaphore(%arg10 : memref<!tpu.dma_semaphore, #tpu.memory_space<semaphore_mem>>) src(%dma_wait3A_30 : memref<320xf32, #tpu.memory_space<hbm>>) dst(%arg7 : memref<320xf32, #tpu.memory_space<vmem>>)
    %get3A = arith.constant 0 : index
    %get3A_31 = tpu.vector_load %arg5[%get3A] {strides = array<i32>} : memref<80xi32, #tpu.memory_space<vmem>>, vector<16xi32>,
    %mul3A_32 = arith.constant 4 : i32
    %mul3A_33 = vector.broadcast %mul3A_32 : i32 to vector<16xi32>
    %mul3A_34 = arith.muli %iota3A, %mul3A_33 : vector<16xi32>
    %add3A_35 = arith.constant 0 : i32
    %add3A_36 = vector.broadcast %add3A_35 : i32 to vector<16xi32>
    %add3A_37 = arith.addi %add3A_36, %mul3A_34 : vector<16xi32>
    %add3A_38 = arith.constant 0 : i32
    %add3A_39 = vector.broadcast %add3A_38 : i32 to vector<16xi32>
    %add3A_40 = arith.addi %add3A_37, %add3A_39 : vector<16xi32>
    %gather3A = tpu.vector_load_idx %arg7[%add3A_40] : memref<320xf32, #tpu.memory_space<vmem>>[vector<16xi32>], vector<16xf32>,
    %mul3A_41 = arith.constant 4 : i32
    %mul3A_42 = vector.broadcast %mul3A_41 : i32 to vector<16xi32>
    %mul3A_43 = arith.muli %get3A_31, %mul3A_42 : vector<16xi32>
    %add3A_44 = arith.constant 0 : i32
    %add3A_45 = vector.broadcast %add3A_44 : i32 to vector<16xi32>
    %add3A_46 = arith.addi %mul3A_43, %add3A_45 : vector<16xi32>
    tpu.vector_store_idx %arg9[%add3A_46], %gather3A {add = true} : memref<40000xf32, #tpu.memory_space<vmem>>[vector<16xi32>], vector<16xf32>,
    %add3A_47 = arith.constant 1 : i32
    %add3A_48 = vector.broadcast %add3A_47 : i32 to vector<16xi32>
    %add3A_49 = arith.addi %add3A_37, %add3A_48 : vector<16xi32>
    %gather3A_50 = tpu.vector_load_idx %arg7[%add3A_49] : memref<320xf32, #tpu.memory_space<vmem>>[vector<16xi32>], vector<16xf32>,
    %mul3A_51 = arith.constant 4 : i32
    %mul3A_52 = vector.broadcast %mul3A_51 : i32 to vector<16xi32>
    %mul3A_53 = arith.muli %get3A_31, %mul3A_52 : vector<16xi32>
    %add3A_54 = arith.constant 1 : i32
    %add3A_55 = vector.broadcast %add3A_54 : i32 to vector<16xi32>
    %add3A_56 = arith.addi %mul3A_53, %add3A_55 : vector<16xi32>
    tpu.vector_store_idx %arg9[%add3A_56], %gather3A_50 {add = true} : memref<40000xf32, #tpu.memory_space<vmem>>[vector<16xi32>], vector<16xf32>,
    %add3A_57 = arith.constant 2 : i32
    %add3A_58 = vector.broadcast %add3A_57 : i32 to vector<16xi32>
    %add3A_59 = arith.addi %add3A_37, %add3A_58 : vector<16xi32>
    %gather3A_60 = tpu.vector_load_idx %arg7[%add3A_59] : memref<320xf32, #tpu.memory_space<vmem>>[vector<16xi32>], vector<16xf32>,
    %mul3A_61 = arith.constant 4 : i32
    %mul3A_62 = vector.broadcast %mul3A_61 : i32 to vector<16xi32>
    %mul3A_63 = arith.muli %get3A_31, %mul3A_62 : vector<16xi32>
    %add3A_64 = arith.constant 2 : i32
    %add3A_65 = vector.broadcast %add3A_64 : i32 to vector<16xi32>
    %add3A_66 = arith.addi %mul3A_63, %add3A_65 : vector<16xi32>
    tpu.vector_store_idx %arg9[%add3A_66], %gather3A_60 {add = true} : memref<40000xf32, #tpu.memory_space<vmem>>[vector<16xi32>], vector<16xf32>,
    %get3A_67 = arith.constant 16 : index
    %get3A_68 = tpu.vector_load %arg5[%get3A_67] {strides = array<i32>} : memref<80xi32, #tpu.memory_space<vmem>>, vector<16xi32>,
    %mul3A_69 = arith.constant 4 : i32
    %mul3A_70 = vector.broadcast %mul3A_69 : i32 to vector<16xi32>
    %mul3A_71 = arith.muli %iota3A, %mul3A_70 : vector<16xi32>
    %add3A_72 = arith.constant 64 : i32
    %add3A_73 = vector.broadcast %add3A_72 : i32 to vector<16xi32>
    %add3A_74 = arith.addi %add3A_73, %mul3A_71 : vector<16xi32>
    %add3A_75 = arith.constant 0 : i32
    %add3A_76 = vector.broadcast %add3A_75 : i32 to vector<16xi32>
    %add3A_77 = arith.addi %add3A_74, %add3A_76 : vector<16xi32>
    %gather3A_78 = tpu.vector_load_idx %arg7[%add3A_77] : memref<320xf32, #tpu.memory_space<vmem>>[vector<16xi32>], vector<16xf32>,
    %mul3A_79 = arith.constant 4 : i32
    %mul3A_80 = vector.broadcast %mul3A_79 : i32 to vector<16xi32>
    %mul3A_81 = arith.muli %get3A_68, %mul3A_80 : vector<16xi32>
    %add3A_82 = arith.constant 0 : i32
    %add3A_83 = vector.broadcast %add3A_82 : i32 to vector<16xi32>
    %add3A_84 = arith.addi %mul3A_81, %add3A_83 : vector<16xi32>
    tpu.vector_store_idx %arg9[%add3A_84], %gather3A_78 {add = true} : memref<40000xf32, #tpu.memory_space<vmem>>[vector<16xi32>], vector<16xf32>,
    %add3A_85 = arith.constant 1 : i32
    %add3A_86 = vector.broadcast %add3A_85 : i32 to vector<16xi32>
    %add3A_87 = arith.addi %add3A_74, %add3A_86 : vector<16xi32>
    %gather3A_88 = tpu.vector_load_idx %arg7[%add3A_87] : memref<320xf32, #tpu.memory_space<vmem>>[vector<16xi32>], vector<16xf32>,
    %mul3A_89 = arith.constant 4 : i32
    %mul3A_90 = vector.broadcast %mul3A_89 : i32 to vector<16xi32>
    %mul3A_91 = arith.muli %get3A_68, %mul3A_90 : vector<16xi32>
    %add3A_92 = arith.constant 1 : i32
    %add3A_93 = vector.broadcast %add3A_92 : i32 to vector<16xi32>
    %add3A_94 = arith.addi %mul3A_91, %add3A_93 : vector<16xi32>
    tpu.vector_store_idx %arg9[%add3A_94], %gather3A_88 {add = true} : memref<40000xf32, #tpu.memory_space<vmem>>[vector<16xi32>], vector<16xf32>,
    %add3A_95 = arith.constant 2 : i32
    %add3A_96 = vector.broadcast %add3A_95 : i32 to vector<16xi32>
    %add3A_97 = arith.addi %add3A_74, %add3A_96 : vector<16xi32>
    %gather3A_98 = tpu.vector_load_idx %arg7[%add3A_97] : memref<320xf32, #tpu.memory_space<vmem>>[vector<16xi32>], vector<16xf32>,
    %mul3A_99 = arith.constant 4 : i32
    %mul3A_100 = vector.broadcast %mul3A_99 : i32 to vector<16xi32>
    %mul3A_101 = arith.muli %get3A_68, %mul3A_100 : vector<16xi32>
    %add3A_102 = arith.constant 2 : i32
    %add3A_103 = vector.broadcast %add3A_102 : i32 to vector<16xi32>
    %add3A_104 = arith.addi %mul3A_101, %add3A_103 : vector<16xi32>
    tpu.vector_store_idx %arg9[%add3A_104], %gather3A_98 {add = true} : memref<40000xf32, #tpu.memory_space<vmem>>[vector<16xi32>], vector<16xf32>,
    %get3A_105 = arith.constant 32 : index
    %get3A_106 = tpu.vector_load %arg5[%get3A_105] {strides = array<i32>} : memref<80xi32, #tpu.memory_space<vmem>>, vector<16xi32>,
    %mul3A_107 = arith.constant 4 : i32
    %mul3A_108 = vector.broadcast %mul3A_107 : i32 to vector<16xi32>
    %mul3A_109 = arith.muli %iota3A, %mul3A_108 : vector<16xi32>
    %add3A_110 = arith.constant 128 : i32
    %add3A_111 = vector.broadcast %add3A_110 : i32 to vector<16xi32>
    %add3A_112 = arith.addi %add3A_111, %mul3A_109 : vector<16xi32>
    %add3A_113 = arith.constant 0 : i32
    %add3A_114 = vector.broadcast %add3A_113 : i32 to vector<16xi32>
    %add3A_115 = arith.addi %add3A_112, %add3A_114 : vector<16xi32>
    %gather3A_116 = tpu.vector_load_idx %arg7[%add3A_115] : memref<320xf32, #tpu.memory_space<vmem>>[vector<16xi32>], vector<16xf32>,
    %mul3A_117 = arith.constant 4 : i32
    %mul3A_118 = vector.broadcast %mul3A_117 : i32 to vector<16xi32>
    %mul3A_119 = arith.muli %get3A_106, %mul3A_118 : vector<16xi32>
    %add3A_120 = arith.constant 0 : i32
    %add3A_121 = vector.broadcast %add3A_120 : i32 to vector<16xi32>
    %add3A_122 = arith.addi %mul3A_119, %add3A_121 : vector<16xi32>
    tpu.vector_store_idx %arg9[%add3A_122], %gather3A_116 {add = true} : memref<40000xf32, #tpu.memory_space<vmem>>[vector<16xi32>], vector<16xf32>,
    %add3A_123 = arith.constant 1 : i32
    %add3A_124 = vector.broadcast %add3A_123 : i32 to vector<16xi32>
    %add3A_125 = arith.addi %add3A_112, %add3A_124 : vector<16xi32>
    %gather3A_126 = tpu.vector_load_idx %arg7[%add3A_125] : memref<320xf32, #tpu.memory_space<vmem>>[vector<16xi32>], vector<16xf32>,
    %mul3A_127 = arith.constant 4 : i32
    %mul3A_128 = vector.broadcast %mul3A_127 : i32 to vector<16xi32>
    %mul3A_129 = arith.muli %get3A_106, %mul3A_128 : vector<16xi32>
    %add3A_130 = arith.constant 1 : i32
    %add3A_131 = vector.broadcast %add3A_130 : i32 to vector<16xi32>
    %add3A_132 = arith.addi %mul3A_129, %add3A_131 : vector<16xi32>
    tpu.vector_store_idx %arg9[%add3A_132], %gather3A_126 {add = true} : memref<40000xf32, #tpu.memory_space<vmem>>[vector<16xi32>], vector<16xf32>,
    %add3A_133 = arith.constant 2 : i32
    %add3A_134 = vector.broadcast %add3A_133 : i32 to vector<16xi32>
    %add3A_135 = arith.addi %add3A_112, %add3A_134 : vector<16xi32>
    %gather3A_136 = tpu.vector_load_idx %arg7[%add3A_135] : memref<320xf32, #tpu.memory_space<vmem>>[vector<16xi32>], vector<16xf32>,
    %mul3A_137 = arith.constant 4 : i32
    %mul3A_138 = vector.broadcast %mul3A_137 : i32 to vector<16xi32>
    %mul3A_139 = arith.muli %get3A_106, %mul3A_138 : vector<16xi32>
    %add3A_140 = arith.constant 2 : i32
    %add3A_141 = vector.broadcast %add3A_140 : i32 to vector<16xi32>
    %add3A_142 = arith.addi %mul3A_139, %add3A_141 : vector<16xi32>
    tpu.vector_store_idx %arg9[%add3A_142], %gather3A_136 {add = true} : memref<40000xf32, #tpu.memory_space<vmem>>[vector<16xi32>], vector<16xf32>,
    %get3A_143 = arith.constant 48 : index
    %get3A_144 = tpu.vector_load %arg5[%get3A_143] {strides = array<i32>} : memref<80xi32, #tpu.memory_space<vmem>>, vector<16xi32>,
    %mul3A_145 = arith.constant 4 : i32
    %mul3A_146 = vector.broadcast %mul3A_145 : i32 to vector<16xi32>
    %mul3A_147 = arith.muli %iota3A, %mul3A_146 : vector<16xi32>
    %add3A_148 = arith.constant 192 : i32
    %add3A_149 = vector.broadcast %add3A_148 : i32 to vector<16xi32>
    %add3A_150 = arith.addi %add3A_149, %mul3A_147 : vector<16xi32>
    %add3A_151 = arith.constant 0 : i32
    %add3A_152 = vector.broadcast %add3A_151 : i32 to vector<16xi32>
    %add3A_153 = arith.addi %add3A_150, %add3A_152 : vector<16xi32>
    %gather3A_154 = tpu.vector_load_idx %arg7[%add3A_153] : memref<320xf32, #tpu.memory_space<vmem>>[vector<16xi32>], vector<16xf32>,
    %mul3A_155 = arith.constant 4 : i32
    %mul3A_156 = vector.broadcast %mul3A_155 : i32 to vector<16xi32>
    %mul3A_157 = arith.muli %get3A_144, %mul3A_156 : vector<16xi32>
    %add3A_158 = arith.constant 0 : i32
    %add3A_159 = vector.broadcast %add3A_158 : i32 to vector<16xi32>
    %add3A_160 = arith.addi %mul3A_157, %add3A_159 : vector<16xi32>
    tpu.vector_store_idx %arg9[%add3A_160], %gather3A_154 {add = true} : memref<40000xf32, #tpu.memory_space<vmem>>[vector<16xi32>], vector<16xf32>,
    %add3A_161 = arith.constant 1 : i32
    %add3A_162 = vector.broadcast %add3A_161 : i32 to vector<16xi32>
    %add3A_163 = arith.addi %add3A_150, %add3A_162 : vector<16xi32>
    %gather3A_164 = tpu.vector_load_idx %arg7[%add3A_163] : memref<320xf32, #tpu.memory_space<vmem>>[vector<16xi32>], vector<16xf32>,
    %mul3A_165 = arith.constant 4 : i32
    %mul3A_166 = vector.broadcast %mul3A_165 : i32 to vector<16xi32>
    %mul3A_167 = arith.muli %get3A_144, %mul3A_166 : vector<16xi32>
    %add3A_168 = arith.constant 1 : i32
    %add3A_169 = vector.broadcast %add3A_168 : i32 to vector<16xi32>
    %add3A_170 = arith.addi %mul3A_167, %add3A_169 : vector<16xi32>
    tpu.vector_store_idx %arg9[%add3A_170], %gather3A_164 {add = true} : memref<40000xf32, #tpu.memory_space<vmem>>[vector<16xi32>], vector<16xf32>,
    %add3A_171 = arith.constant 2 : i32
    %add3A_172 = vector.broadcast %add3A_171 : i32 to vector<16xi32>
    %add3A_173 = arith.addi %add3A_150, %add3A_172 : vector<16xi32>
    %gather3A_174 = tpu.vector_load_idx %arg7[%add3A_173] : memref<320xf32, #tpu.memory_space<vmem>>[vector<16xi32>], vector<16xf32>,
    %mul3A_175 = arith.constant 4 : i32
    %mul3A_176 = vector.broadcast %mul3A_175 : i32 to vector<16xi32>
    %mul3A_177 = arith.muli %get3A_144, %mul3A_176 : vector<16xi32>
    %add3A_178 = arith.constant 2 : i32
    %add3A_179 = vector.broadcast %add3A_178 : i32 to vector<16xi32>
    %add3A_180 = arith.addi %mul3A_177, %add3A_179 : vector<16xi32>
    tpu.vector_store_idx %arg9[%add3A_180], %gather3A_174 {add = true} : memref<40000xf32, #tpu.memory_space<vmem>>[vector<16xi32>], vector<16xf32>,
    %get3A_181 = arith.constant 64 : index
    %get3A_182 = tpu.vector_load %arg5[%get3A_181] {strides = array<i32>} : memref<80xi32, #tpu.memory_space<vmem>>, vector<16xi32>,
    %mul3A_183 = arith.constant 4 : i32
    %mul3A_184 = vector.broadcast %mul3A_183 : i32 to vector<16xi32>
    %mul3A_185 = arith.muli %iota3A, %mul3A_184 : vector<16xi32>
    %add3A_186 = arith.constant 256 : i32
    %add3A_187 = vector.broadcast %add3A_186 : i32 to vector<16xi32>
    %add3A_188 = arith.addi %add3A_187, %mul3A_185 : vector<16xi32>
    %add3A_189 = arith.constant 0 : i32
    %add3A_190 = vector.broadcast %add3A_189 : i32 to vector<16xi32>
    %add3A_191 = arith.addi %add3A_188, %add3A_190 : vector<16xi32>
    %gather3A_192 = tpu.vector_load_idx %arg7[%add3A_191] : memref<320xf32, #tpu.memory_space<vmem>>[vector<16xi32>], vector<16xf32>,
    %mul3A_193 = arith.constant 4 : i32
    %mul3A_194 = vector.broadcast %mul3A_193 : i32 to vector<16xi32>
    %mul3A_195 = arith.muli %get3A_182, %mul3A_194 : vector<16xi32>
    %add3A_196 = arith.constant 0 : i32
    %add3A_197 = vector.broadcast %add3A_196 : i32 to vector<16xi32>
    %add3A_198 = arith.addi %mul3A_195, %add3A_197 : vector<16xi32>
    tpu.vector_store_idx %arg9[%add3A_198], %gather3A_192 {add = true} : memref<40000xf32, #tpu.memory_space<vmem>>[vector<16xi32>], vector<16xf32>,
    %add3A_199 = arith.constant 1 : i32
    %add3A_200 = vector.broadcast %add3A_199 : i32 to vector<16xi32>
    %add3A_201 = arith.addi %add3A_188, %add3A_200 : vector<16xi32>
    %gather3A_202 = tpu.vector_load_idx %arg7[%add3A_201] : memref<320xf32, #tpu.memory_space<vmem>>[vector<16xi32>], vector<16xf32>,
    %mul3A_203 = arith.constant 4 : i32
    %mul3A_204 = vector.broadcast %mul3A_203 : i32 to vector<16xi32>
    %mul3A_205 = arith.muli %get3A_182, %mul3A_204 : vector<16xi32>
    %add3A_206 = arith.constant 1 : i32
    %add3A_207 = vector.broadcast %add3A_206 : i32 to vector<16xi32>
    %add3A_208 = arith.addi %mul3A_205, %add3A_207 : vector<16xi32>
    tpu.vector_store_idx %arg9[%add3A_208], %gather3A_202 {add = true} : memref<40000xf32, #tpu.memory_space<vmem>>[vector<16xi32>], vector<16xf32>,
    %add3A_209 = arith.constant 2 : i32
    %add3A_210 = vector.broadcast %add3A_209 : i32 to vector<16xi32>
    %add3A_211 = arith.addi %add3A_188, %add3A_210 : vector<16xi32>
    %gather3A_212 = tpu.vector_load_idx %arg7[%add3A_211] : memref<320xf32, #tpu.memory_space<vmem>>[vector<16xi32>], vector<16xf32>,
    %mul3A_213 = arith.constant 4 : i32
    %mul3A_214 = vector.broadcast %mul3A_213 : i32 to vector<16xi32>
    %mul3A_215 = arith.muli %get3A_182, %mul3A_214 : vector<16xi32>
    %add3A_216 = arith.constant 2 : i32
    %add3A_217 = vector.broadcast %add3A_216 : i32 to vector<16xi32>
    %add3A_218 = arith.addi %mul3A_215, %add3A_217 : vector<16xi32>
    tpu.vector_store_idx %arg9[%add3A_218], %gather3A_212 {add = true} : memref<40000xf32, #tpu.memory_space<vmem>>[vector<16xi32>], vector<16xf32>,
    %mul3A_219 = arith.constant 10000 : i32
    %mul3A_220 = arith.muli %add3A, %mul3A_219 : i32
    %mul3A_221 = arith.constant 4 : i32
    %mul3A_222 = arith.muli %mul3A_220, %mul3A_221 : i32
    %multiple_of3A_223 = tpu.assume_multiple %mul3A_222, 8 : i32
    "tpu.region"() ({
      %run_scoped3A = tpu.sem_alloc : memref<!tpu.dma_semaphore, #tpu.memory_space<semaphore_mem>>
      %dma_start3A_224 = tpu.memref_slice %arg4[%multiple_of3A_223] : memref<1280000xf32, #tpu.memory_space<hbm>> -> memref<40000xf32, #tpu.memory_space<hbm>>
      %dma_start3A_225 = tpu.memref_slice %arg4[%multiple_of3A_223] : memref<1280000xf32, #tpu.memory_space<hbm>> -> memref<40000xf32, #tpu.memory_space<hbm>>
      tpu.enqueue_dma source(%arg9 : memref<40000xf32, #tpu.memory_space<vmem>>) target(%dma_start3A_225 : memref<40000xf32, #tpu.memory_space<hbm>>) target_semaphore(%run_scoped3A : memref<!tpu.dma_semaphore, #tpu.memory_space<semaphore_mem>>)
      %dma_wait3A_226 = tpu.memref_slice %arg4[%multiple_of3A_223] : memref<1280000xf32, #tpu.memory_space<hbm>> -> memref<40000xf32, #tpu.memory_space<hbm>>
      %dma_wait3A_227 = tpu.memref_slice %arg4[%multiple_of3A_223] : memref<1280000xf32, #tpu.memory_space<hbm>> -> memref<40000xf32, #tpu.memory_space<hbm>>
      tpu.wait_dma2 semaphore(%run_scoped3A : memref<!tpu.dma_semaphore, #tpu.memory_space<semaphore_mem>>) src(%arg9 : memref<40000xf32, #tpu.memory_space<vmem>>) dst(%dma_wait3A_227 : memref<40000xf32, #tpu.memory_space<hbm>>)
      tpu.yield
    }) : () -> ()
    return
  }
}

#map = affine_map<(d0, d1) -> (0)>
module attributes {stable_mosaic.version = 14 : i64} {
  func.func @k(%arg0: i32, %arg1: i32, %arg2: memref<10000xf32, #tpu.memory_space<hbm>>, %arg3: memref<10000xf32, #tpu.memory_space<hbm>>, %arg4: memref<10000xf32, #tpu.memory_space<hbm>>, %arg5: memref<320000xi32, #tpu.memory_space<hbm>>, %arg6: memref<320000xi32, #tpu.memory_space<hbm>>, %arg7: memref<1280000xf32, #tpu.memory_space<hbm>>, %arg8: memref<10000xf32, #tpu.memory_space<vmem>>, %arg9: memref<10000xf32, #tpu.memory_space<vmem>>, %arg10: memref<10000xf32, #tpu.memory_space<vmem>>, %arg11: memref<10000xi32, #tpu.memory_space<vmem>>, %arg12: memref<10000xi32, #tpu.memory_space<vmem>>, %arg13: memref<40000xf32, #tpu.memory_space<vmem>>) attributes {dimension_semantics = [#tpu.dimension_semantics<core_parallel>, #tpu.dimension_semantics<subcore_parallel>], iteration_bounds = array<i64: 2, 16>, scalar_prefetch = 0 : i64, scratch_operands = 6 : i64, tpu.core_type = #tpu.core_type<sc_vector_subcore>, window_params = [{transform_indices = #map}, {transform_indices = #map}, {transform_indices = #map}, {transform_indices = #map}, {transform_indices = #map}, {transform_indices = #map}]} {
    %mul3A = arith.constant 16 : i32
    %mul3A_0 = arith.muli %arg0, %mul3A : i32
    %add3A = arith.addi %mul3A_0, %arg1 : i32
    %mul3A_1 = arith.constant 10000 : i32
    %mul3A_2 = arith.muli %add3A, %mul3A_1 : i32
    %multiple_of3A = tpu.assume_multiple %mul3A_2, 8 : i32
    "tpu.region"() ({
      %run_scoped3A = tpu.sem_alloc : memref<!tpu.dma_semaphore, #tpu.memory_space<semaphore_mem>>
      tpu.enqueue_dma source(%arg2 : memref<10000xf32, #tpu.memory_space<hbm>>) target(%arg8 : memref<10000xf32, #tpu.memory_space<vmem>>) target_semaphore(%run_scoped3A : memref<!tpu.dma_semaphore, #tpu.memory_space<semaphore_mem>>)
      tpu.wait_dma2 semaphore(%run_scoped3A : memref<!tpu.dma_semaphore, #tpu.memory_space<semaphore_mem>>) src(%arg2 : memref<10000xf32, #tpu.memory_space<hbm>>) dst(%arg8 : memref<10000xf32, #tpu.memory_space<vmem>>)
      tpu.yield
    }) : () -> ()
    "tpu.region"() ({
      %run_scoped3A = tpu.sem_alloc : memref<!tpu.dma_semaphore, #tpu.memory_space<semaphore_mem>>
      tpu.enqueue_dma source(%arg3 : memref<10000xf32, #tpu.memory_space<hbm>>) target(%arg9 : memref<10000xf32, #tpu.memory_space<vmem>>) target_semaphore(%run_scoped3A : memref<!tpu.dma_semaphore, #tpu.memory_space<semaphore_mem>>)
      tpu.wait_dma2 semaphore(%run_scoped3A : memref<!tpu.dma_semaphore, #tpu.memory_space<semaphore_mem>>) src(%arg3 : memref<10000xf32, #tpu.memory_space<hbm>>) dst(%arg9 : memref<10000xf32, #tpu.memory_space<vmem>>)
      tpu.yield
    }) : () -> ()
    "tpu.region"() ({
      %run_scoped3A = tpu.sem_alloc : memref<!tpu.dma_semaphore, #tpu.memory_space<semaphore_mem>>
      tpu.enqueue_dma source(%arg4 : memref<10000xf32, #tpu.memory_space<hbm>>) target(%arg10 : memref<10000xf32, #tpu.memory_space<vmem>>) target_semaphore(%run_scoped3A : memref<!tpu.dma_semaphore, #tpu.memory_space<semaphore_mem>>)
      tpu.wait_dma2 semaphore(%run_scoped3A : memref<!tpu.dma_semaphore, #tpu.memory_space<semaphore_mem>>) src(%arg4 : memref<10000xf32, #tpu.memory_space<hbm>>) dst(%arg10 : memref<10000xf32, #tpu.memory_space<vmem>>)
      tpu.yield
    }) : () -> ()
    "tpu.region"() ({
      %run_scoped3A = tpu.sem_alloc : memref<!tpu.dma_semaphore, #tpu.memory_space<semaphore_mem>>
      %dma_start3A = tpu.memref_slice %arg5[%multiple_of3A] : memref<320000xi32, #tpu.memory_space<hbm>> -> memref<10000xi32, #tpu.memory_space<hbm>>
      %dma_start3A_10 = tpu.memref_slice %arg5[%multiple_of3A] : memref<320000xi32, #tpu.memory_space<hbm>> -> memref<10000xi32, #tpu.memory_space<hbm>>
      tpu.enqueue_dma source(%dma_start3A_10 : memref<10000xi32, #tpu.memory_space<hbm>>) target(%arg11 : memref<10000xi32, #tpu.memory_space<vmem>>) target_semaphore(%run_scoped3A : memref<!tpu.dma_semaphore, #tpu.memory_space<semaphore_mem>>)
      %dma_wait3A = tpu.memref_slice %arg5[%multiple_of3A] : memref<320000xi32, #tpu.memory_space<hbm>> -> memref<10000xi32, #tpu.memory_space<hbm>>
      %dma_wait3A_11 = tpu.memref_slice %arg5[%multiple_of3A] : memref<320000xi32, #tpu.memory_space<hbm>> -> memref<10000xi32, #tpu.memory_space<hbm>>
      tpu.wait_dma2 semaphore(%run_scoped3A : memref<!tpu.dma_semaphore, #tpu.memory_space<semaphore_mem>>) src(%dma_wait3A_11 : memref<10000xi32, #tpu.memory_space<hbm>>) dst(%arg11 : memref<10000xi32, #tpu.memory_space<vmem>>)
      tpu.yield
    }) : () -> ()
    "tpu.region"() ({
      %run_scoped3A = tpu.sem_alloc : memref<!tpu.dma_semaphore, #tpu.memory_space<semaphore_mem>>
      %dma_start3A = tpu.memref_slice %arg6[%multiple_of3A] : memref<320000xi32, #tpu.memory_space<hbm>> -> memref<10000xi32, #tpu.memory_space<hbm>>
      %dma_start3A_10 = tpu.memref_slice %arg6[%multiple_of3A] : memref<320000xi32, #tpu.memory_space<hbm>> -> memref<10000xi32, #tpu.memory_space<hbm>>
      tpu.enqueue_dma source(%dma_start3A_10 : memref<10000xi32, #tpu.memory_space<hbm>>) target(%arg12 : memref<10000xi32, #tpu.memory_space<vmem>>) target_semaphore(%run_scoped3A : memref<!tpu.dma_semaphore, #tpu.memory_space<semaphore_mem>>)
      %dma_wait3A = tpu.memref_slice %arg6[%multiple_of3A] : memref<320000xi32, #tpu.memory_space<hbm>> -> memref<10000xi32, #tpu.memory_space<hbm>>
      %dma_wait3A_11 = tpu.memref_slice %arg6[%multiple_of3A] : memref<320000xi32, #tpu.memory_space<hbm>> -> memref<10000xi32, #tpu.memory_space<hbm>>
      tpu.wait_dma2 semaphore(%run_scoped3A : memref<!tpu.dma_semaphore, #tpu.memory_space<semaphore_mem>>) src(%dma_wait3A_11 : memref<10000xi32, #tpu.memory_space<hbm>>) dst(%arg12 : memref<10000xi32, #tpu.memory_space<vmem>>)
      tpu.yield
    }) : () -> ()
    %iota3A = tpu.iota {dimensions = array<i32: 0>} : vector<16xi32>
    %scan3A = arith.constant 0 : i32
    %scan3A_3 = arith.constant 0 : i32
    %scan3A_4 = arith.constant 625 : i32
    %scan3A_5 = arith.addi %scan3A_3, %scan3A_4 : i32
    %scan3A_6 = arith.constant 1 : i32
    scf.for %scan3A_10 = %scan3A_3 to %scan3A_5 step %scan3A_6  : i32 {
      %mul3A_11 = arith.constant 16 : i32
      %mul3A_12 = arith.muli %scan3A_10, %mul3A_11 : i32
      %multiple_of3A_13 = tpu.assume_multiple %mul3A_12, 8 : i32
      %get3A = arith.index_cast %multiple_of3A_13 : i32 to index
      %get3A_14 = tpu.vector_load %arg11[%get3A] {strides = array<i32>} : memref<10000xi32, #tpu.memory_space<vmem>>, vector<16xi32>,
      %get3A_15 = arith.index_cast %multiple_of3A_13 : i32 to index
      %get3A_16 = tpu.vector_load %arg12[%get3A_15] {strides = array<i32>} : memref<10000xi32, #tpu.memory_space<vmem>>, vector<16xi32>,
      %mul3A_17 = arith.constant 64 : i32
      %mul3A_18 = arith.muli %scan3A_10, %mul3A_17 : i32
      %mul3A_19 = arith.constant 4 : i32
      %mul3A_20 = vector.broadcast %mul3A_19 : i32 to vector<16xi32>
      %mul3A_21 = arith.muli %iota3A, %mul3A_20 : vector<16xi32>
      %add3A_22 = vector.broadcast %mul3A_18 : i32 to vector<16xi32>
      %add3A_23 = arith.addi %add3A_22, %mul3A_21 : vector<16xi32>
      %gather3A = tpu.vector_load_idx %arg8[%get3A_14] : memref<10000xf32, #tpu.memory_space<vmem>>[vector<16xi32>], vector<16xf32>,
      %gather3A_24 = tpu.vector_load_idx %arg8[%get3A_16] : memref<10000xf32, #tpu.memory_space<vmem>>[vector<16xi32>], vector<16xf32>,
      %add3A_25 = arith.constant 0 : i32
      %add3A_26 = vector.broadcast %add3A_25 : i32 to vector<16xi32>
      %add3A_27 = arith.addi %add3A_23, %add3A_26 : vector<16xi32>
      %sub3A = arith.subf %gather3A, %gather3A_24 : vector<16xf32>
      tpu.vector_store_idx %arg13[%add3A_27], %sub3A : memref<40000xf32, #tpu.memory_space<vmem>>[vector<16xi32>], vector<16xf32>,
      %gather3A_28 = tpu.vector_load_idx %arg9[%get3A_14] : memref<10000xf32, #tpu.memory_space<vmem>>[vector<16xi32>], vector<16xf32>,
      %gather3A_29 = tpu.vector_load_idx %arg9[%get3A_16] : memref<10000xf32, #tpu.memory_space<vmem>>[vector<16xi32>], vector<16xf32>,
      %add3A_30 = arith.constant 1 : i32
      %add3A_31 = vector.broadcast %add3A_30 : i32 to vector<16xi32>
      %add3A_32 = arith.addi %add3A_23, %add3A_31 : vector<16xi32>
      %sub3A_33 = arith.subf %gather3A_28, %gather3A_29 : vector<16xf32>
      tpu.vector_store_idx %arg13[%add3A_32], %sub3A_33 : memref<40000xf32, #tpu.memory_space<vmem>>[vector<16xi32>], vector<16xf32>,
      %gather3A_34 = tpu.vector_load_idx %arg10[%get3A_14] : memref<10000xf32, #tpu.memory_space<vmem>>[vector<16xi32>], vector<16xf32>,
      %gather3A_35 = tpu.vector_load_idx %arg10[%get3A_16] : memref<10000xf32, #tpu.memory_space<vmem>>[vector<16xi32>], vector<16xf32>,
      %add3A_36 = arith.constant 2 : i32
      %add3A_37 = vector.broadcast %add3A_36 : i32 to vector<16xi32>
      %add3A_38 = arith.addi %add3A_23, %add3A_37 : vector<16xi32>
      %sub3A_39 = arith.subf %gather3A_34, %gather3A_35 : vector<16xf32>
      tpu.vector_store_idx %arg13[%add3A_38], %sub3A_39 : memref<40000xf32, #tpu.memory_space<vmem>>[vector<16xi32>], vector<16xf32>,
    }
    %scan3A_7 = arith.constant 625 : i32
    %mul3A_8 = arith.constant 4 : i32
    %mul3A_9 = arith.muli %multiple_of3A, %mul3A_8 : i32
    "tpu.region"() ({
      %run_scoped3A = tpu.sem_alloc : memref<!tpu.dma_semaphore, #tpu.memory_space<semaphore_mem>>
      %dma_start3A = tpu.memref_slice %arg7[%mul3A_9] : memref<1280000xf32, #tpu.memory_space<hbm>> -> memref<40000xf32, #tpu.memory_space<hbm>>
      %dma_start3A_10 = tpu.memref_slice %arg7[%mul3A_9] : memref<1280000xf32, #tpu.memory_space<hbm>> -> memref<40000xf32, #tpu.memory_space<hbm>>
      tpu.enqueue_dma source(%arg13 : memref<40000xf32, #tpu.memory_space<vmem>>) target(%dma_start3A_10 : memref<40000xf32, #tpu.memory_space<hbm>>) target_semaphore(%run_scoped3A : memref<!tpu.dma_semaphore, #tpu.memory_space<semaphore_mem>>)
      %dma_wait3A = tpu.memref_slice %arg7[%mul3A_9] : memref<1280000xf32, #tpu.memory_space<hbm>> -> memref<40000xf32, #tpu.memory_space<hbm>>
      %dma_wait3A_11 = tpu.memref_slice %arg7[%mul3A_9] : memref<1280000xf32, #tpu.memory_space<hbm>> -> memref<40000xf32, #tpu.memory_space<hbm>>
      tpu.wait_dma2 semaphore(%run_scoped3A : memref<!tpu.dma_semaphore, #tpu.memory_space<semaphore_mem>>) src(%arg13 : memref<40000xf32, #tpu.memory_space<vmem>>) dst(%dma_wait3A_11 : memref<40000xf32, #tpu.memory_space<hbm>>)
      tpu.yield
    }) : () -> ()
    return
  }
}

#map = affine_map<(d0, d1) -> (0, 0)>
#map1 = affine_map<(d0, d1) -> (0)>
module attributes {stable_mosaic.version = 14 : i64} {
  func.func @k(%arg0: i32, %arg1: i32, %arg2: memref<10000x128xf32, #tpu.memory_space<hbm>>, %arg3: memref<10000x128xf32, #tpu.memory_space<hbm>>, %arg4: memref<320000xi32, #tpu.memory_space<hbm>>, %arg5: memref<320000xi32, #tpu.memory_space<hbm>>, %arg6: memref<320000x128xf32, #tpu.memory_space<hbm>>, %arg7: memref<320000x128xf32, #tpu.memory_space<hbm>>, %arg8: memref<10000xi32, #tpu.memory_space<vmem>>, %arg9: memref<10000xi32, #tpu.memory_space<vmem>>, %arg10: memref<80x128xf32, #tpu.memory_space<vmem>>, %arg11: memref<80x128xf32, #tpu.memory_space<vmem>>, %arg12: memref<80x128xf32, #tpu.memory_space<vmem>>, %arg13: memref<80x128xf32, #tpu.memory_space<vmem>>, %arg14: memref<!tpu.dma_semaphore, #tpu.memory_space<semaphore_mem>>, %arg15: memref<!tpu.dma_semaphore, #tpu.memory_space<semaphore_mem>>) attributes {dimension_semantics = [#tpu.dimension_semantics<core_parallel>, #tpu.dimension_semantics<subcore_parallel>], iteration_bounds = array<i64: 2, 16>, scalar_prefetch = 0 : i64, scratch_operands = 8 : i64, tpu.core_type = #tpu.core_type<sc_vector_subcore>, window_params = [{transform_indices = #map}, {transform_indices = #map}, {transform_indices = #map1}, {transform_indices = #map1}, {transform_indices = #map}, {transform_indices = #map}]} {
    %mul3A = arith.constant 16 : i32
    %mul3A_0 = arith.muli %arg0, %mul3A : i32
    %add3A = arith.addi %mul3A_0, %arg1 : i32
    %mul3A_1 = arith.constant 10000 : i32
    %mul3A_2 = arith.muli %add3A, %mul3A_1 : i32
    %multiple_of3A = tpu.assume_multiple %mul3A_2, 8 : i32
    "tpu.region"() ({
      %run_scoped3A = tpu.sem_alloc : memref<!tpu.dma_semaphore, #tpu.memory_space<semaphore_mem>>
      %dma_start3A_29 = tpu.memref_slice %arg4[%multiple_of3A] : memref<320000xi32, #tpu.memory_space<hbm>> -> memref<10000xi32, #tpu.memory_space<hbm>>
      %dma_start3A_30 = tpu.memref_slice %arg4[%multiple_of3A] : memref<320000xi32, #tpu.memory_space<hbm>> -> memref<10000xi32, #tpu.memory_space<hbm>>
      tpu.enqueue_dma source(%dma_start3A_30 : memref<10000xi32, #tpu.memory_space<hbm>>) target(%arg8 : memref<10000xi32, #tpu.memory_space<vmem>>) target_semaphore(%run_scoped3A : memref<!tpu.dma_semaphore, #tpu.memory_space<semaphore_mem>>)
      %dma_wait3A_31 = tpu.memref_slice %arg4[%multiple_of3A] : memref<320000xi32, #tpu.memory_space<hbm>> -> memref<10000xi32, #tpu.memory_space<hbm>>
      %dma_wait3A_32 = tpu.memref_slice %arg4[%multiple_of3A] : memref<320000xi32, #tpu.memory_space<hbm>> -> memref<10000xi32, #tpu.memory_space<hbm>>
      tpu.wait_dma2 semaphore(%run_scoped3A : memref<!tpu.dma_semaphore, #tpu.memory_space<semaphore_mem>>) src(%dma_wait3A_32 : memref<10000xi32, #tpu.memory_space<hbm>>) dst(%arg8 : memref<10000xi32, #tpu.memory_space<vmem>>)
      tpu.yield
    }) : () -> ()
    "tpu.region"() ({
      %run_scoped3A = tpu.sem_alloc : memref<!tpu.dma_semaphore, #tpu.memory_space<semaphore_mem>>
      %dma_start3A_29 = tpu.memref_slice %arg5[%multiple_of3A] : memref<320000xi32, #tpu.memory_space<hbm>> -> memref<10000xi32, #tpu.memory_space<hbm>>
      %dma_start3A_30 = tpu.memref_slice %arg5[%multiple_of3A] : memref<320000xi32, #tpu.memory_space<hbm>> -> memref<10000xi32, #tpu.memory_space<hbm>>
      tpu.enqueue_dma source(%dma_start3A_30 : memref<10000xi32, #tpu.memory_space<hbm>>) target(%arg9 : memref<10000xi32, #tpu.memory_space<vmem>>) target_semaphore(%run_scoped3A : memref<!tpu.dma_semaphore, #tpu.memory_space<semaphore_mem>>)
      %dma_wait3A_31 = tpu.memref_slice %arg5[%multiple_of3A] : memref<320000xi32, #tpu.memory_space<hbm>> -> memref<10000xi32, #tpu.memory_space<hbm>>
      %dma_wait3A_32 = tpu.memref_slice %arg5[%multiple_of3A] : memref<320000xi32, #tpu.memory_space<hbm>> -> memref<10000xi32, #tpu.memory_space<hbm>>
      tpu.wait_dma2 semaphore(%run_scoped3A : memref<!tpu.dma_semaphore, #tpu.memory_space<semaphore_mem>>) src(%dma_wait3A_32 : memref<10000xi32, #tpu.memory_space<hbm>>) dst(%arg9 : memref<10000xi32, #tpu.memory_space<vmem>>)
      tpu.yield
    }) : () -> ()
    %multiple_of3A_3 = arith.constant 0 : i32
    %multiple_of3A_4 = tpu.assume_multiple %multiple_of3A_3, 8 : i32
    %dma_start3A = tpu.memref_slice %arg8[%multiple_of3A_4] : memref<10000xi32, #tpu.memory_space<vmem>> -> memref<80xi32, #tpu.memory_space<vmem>>
    %dma_start3A_5 = arith.constant 0 : i32
    %dma_start3A_6 = arith.constant 0 : i32
    %dma_start3A_7 = tpu.memref_slice %arg2[%dma_start3A_5, %dma_start3A_6] : memref<10000x128xf32, #tpu.memory_space<hbm>> -> memref<10000x128xf32, #tpu.memory_space<hbm>>
    tpu.enqueue_indirect_dma source(%dma_start3A_7 : memref<10000x128xf32, #tpu.memory_space<hbm>>) target(%arg10 : memref<80x128xf32, #tpu.memory_space<vmem>>) offsets(%dma_start3A : memref<80xi32, #tpu.memory_space<vmem>>) semaphore(%arg14 : memref<!tpu.dma_semaphore, #tpu.memory_space<semaphore_mem>>)
    %dma_start3A_8 = tpu.memref_slice %arg9[%multiple_of3A_4] : memref<10000xi32, #tpu.memory_space<vmem>> -> memref<80xi32, #tpu.memory_space<vmem>>
    %dma_start3A_9 = arith.constant 0 : i32
    %dma_start3A_10 = arith.constant 0 : i32
    %dma_start3A_11 = tpu.memref_slice %arg3[%dma_start3A_9, %dma_start3A_10] : memref<10000x128xf32, #tpu.memory_space<hbm>> -> memref<10000x128xf32, #tpu.memory_space<hbm>>
    tpu.enqueue_indirect_dma source(%dma_start3A_11 : memref<10000x128xf32, #tpu.memory_space<hbm>>) target(%arg11 : memref<80x128xf32, #tpu.memory_space<vmem>>) offsets(%dma_start3A_8 : memref<80xi32, #tpu.memory_space<vmem>>) semaphore(%arg14 : memref<!tpu.dma_semaphore, #tpu.memory_space<semaphore_mem>>)
    %scan3A = arith.constant 0 : i32
    %scan3A_12 = arith.constant 0 : i32
    %scan3A_13 = arith.constant 62 : i32
    %scan3A_14 = arith.addi %scan3A_12, %scan3A_13 : i32
    %scan3A_15 = arith.constant 1 : i32
    scf.for %scan3A_29 = %scan3A_12 to %scan3A_14 step %scan3A_15  : i32 {
      %mul3A_30 = arith.constant 2 : i32
      %mul3A_31 = arith.muli %scan3A_29, %mul3A_30 : i32
      %add3A_32 = arith.constant 1 : i32
      %add3A_33 = arith.addi %mul3A_31, %add3A_32 : i32
      %mul3A_34 = arith.constant 80 : i32
      %mul3A_35 = arith.muli %add3A_33, %mul3A_34 : i32
      %multiple_of3A_36 = tpu.assume_multiple %mul3A_35, 8 : i32
      %dma_start3A_37 = tpu.memref_slice %arg8[%multiple_of3A_36] : memref<10000xi32, #tpu.memory_space<vmem>> -> memref<80xi32, #tpu.memory_space<vmem>>
      %dma_start3A_38 = arith.constant 0 : i32
      %dma_start3A_39 = arith.constant 0 : i32
      %dma_start3A_40 = tpu.memref_slice %arg2[%dma_start3A_38, %dma_start3A_39] : memref<10000x128xf32, #tpu.memory_space<hbm>> -> memref<10000x128xf32, #tpu.memory_space<hbm>>
      tpu.enqueue_indirect_dma source(%dma_start3A_40 : memref<10000x128xf32, #tpu.memory_space<hbm>>) target(%arg12 : memref<80x128xf32, #tpu.memory_space<vmem>>) offsets(%dma_start3A_37 : memref<80xi32, #tpu.memory_space<vmem>>) semaphore(%arg15 : memref<!tpu.dma_semaphore, #tpu.memory_space<semaphore_mem>>)
      %dma_start3A_41 = tpu.memref_slice %arg9[%multiple_of3A_36] : memref<10000xi32, #tpu.memory_space<vmem>> -> memref<80xi32, #tpu.memory_space<vmem>>
      %dma_start3A_42 = arith.constant 0 : i32
      %dma_start3A_43 = arith.constant 0 : i32
      %dma_start3A_44 = tpu.memref_slice %arg3[%dma_start3A_42, %dma_start3A_43] : memref<10000x128xf32, #tpu.memory_space<hbm>> -> memref<10000x128xf32, #tpu.memory_space<hbm>>
      tpu.enqueue_indirect_dma source(%dma_start3A_44 : memref<10000x128xf32, #tpu.memory_space<hbm>>) target(%arg13 : memref<80x128xf32, #tpu.memory_space<vmem>>) offsets(%dma_start3A_41 : memref<80xi32, #tpu.memory_space<vmem>>) semaphore(%arg15 : memref<!tpu.dma_semaphore, #tpu.memory_space<semaphore_mem>>)
      %mul3A_45 = arith.constant 80 : i32
      %mul3A_46 = arith.muli %mul3A_31, %mul3A_45 : i32
      %multiple_of3A_47 = tpu.assume_multiple %mul3A_46, 8 : i32
      %dma_wait3A_48 = tpu.memref_slice %arg8[%multiple_of3A_47] : memref<10000xi32, #tpu.memory_space<vmem>> -> memref<80xi32, #tpu.memory_space<vmem>>
      %dma_wait3A_49 = arith.constant 0 : i32
      %dma_wait3A_50 = arith.constant 0 : i32
      %dma_wait3A_51 = tpu.memref_slice %arg2[%dma_wait3A_49, %dma_wait3A_50] : memref<10000x128xf32, #tpu.memory_space<hbm>> -> memref<10000x128xf32, #tpu.memory_space<hbm>>
      tpu.wait_indirect_dma semaphore(%arg14 : memref<!tpu.dma_semaphore, #tpu.memory_space<semaphore_mem>>) src(%dma_wait3A_51 : memref<10000x128xf32, #tpu.memory_space<hbm>>) dst(%arg10 : memref<80x128xf32, #tpu.memory_space<vmem>>)
      %dma_wait3A_52 = tpu.memref_slice %arg9[%multiple_of3A_47] : memref<10000xi32, #tpu.memory_space<vmem>> -> memref<80xi32, #tpu.memory_space<vmem>>
      %dma_wait3A_53 = arith.constant 0 : i32
      %dma_wait3A_54 = arith.constant 0 : i32
      %dma_wait3A_55 = tpu.memref_slice %arg3[%dma_wait3A_53, %dma_wait3A_54] : memref<10000x128xf32, #tpu.memory_space<hbm>> -> memref<10000x128xf32, #tpu.memory_space<hbm>>
      tpu.wait_indirect_dma semaphore(%arg14 : memref<!tpu.dma_semaphore, #tpu.memory_space<semaphore_mem>>) src(%dma_wait3A_55 : memref<10000x128xf32, #tpu.memory_space<hbm>>) dst(%arg11 : memref<80x128xf32, #tpu.memory_space<vmem>>)
      %mul3A_56 = arith.constant 80 : i32
      %mul3A_57 = arith.muli %mul3A_31, %mul3A_56 : i32
      %add3A_58 = arith.addi %multiple_of3A, %mul3A_57 : i32
      %multiple_of3A_59 = tpu.assume_multiple %add3A_58, 8 : i32
      "tpu.region"() ({
        %run_scoped3A = tpu.sem_alloc : memref<!tpu.dma_semaphore, #tpu.memory_space<semaphore_mem>>
        %dma_start3A_90 = arith.constant 0 : i32
        %dma_start3A_91 = tpu.memref_slice %arg6[%multiple_of3A_59, %dma_start3A_90] : memref<320000x128xf32, #tpu.memory_space<hbm>> -> memref<80x128xf32, #tpu.memory_space<hbm>>
        %dma_start3A_92 = arith.constant 0 : i32
        %dma_start3A_93 = tpu.memref_slice %arg6[%multiple_of3A_59, %dma_start3A_92] : memref<320000x128xf32, #tpu.memory_space<hbm>> -> memref<80x128xf32, #tpu.memory_space<hbm>>
        tpu.enqueue_dma source(%arg10 : memref<80x128xf32, #tpu.memory_space<vmem>>) target(%dma_start3A_93 : memref<80x128xf32, #tpu.memory_space<hbm>>) target_semaphore(%run_scoped3A : memref<!tpu.dma_semaphore, #tpu.memory_space<semaphore_mem>>)
        %dma_wait3A_94 = arith.constant 0 : i32
        %dma_wait3A_95 = tpu.memref_slice %arg6[%multiple_of3A_59, %dma_wait3A_94] : memref<320000x128xf32, #tpu.memory_space<hbm>> -> memref<80x128xf32, #tpu.memory_space<hbm>>
        %dma_wait3A_96 = arith.constant 0 : i32
        %dma_wait3A_97 = tpu.memref_slice %arg6[%multiple_of3A_59, %dma_wait3A_96] : memref<320000x128xf32, #tpu.memory_space<hbm>> -> memref<80x128xf32, #tpu.memory_space<hbm>>
        tpu.wait_dma2 semaphore(%run_scoped3A : memref<!tpu.dma_semaphore, #tpu.memory_space<semaphore_mem>>) src(%arg10 : memref<80x128xf32, #tpu.memory_space<vmem>>) dst(%dma_wait3A_97 : memref<80x128xf32, #tpu.memory_space<hbm>>)
        tpu.yield
      }) : () -> ()
      "tpu.region"() ({
        %run_scoped3A = tpu.sem_alloc : memref<!tpu.dma_semaphore, #tpu.memory_space<semaphore_mem>>
        %dma_start3A_90 = arith.constant 0 : i32
        %dma_start3A_91 = tpu.memref_slice %arg7[%multiple_of3A_59, %dma_start3A_90] : memref<320000x128xf32, #tpu.memory_space<hbm>> -> memref<80x128xf32, #tpu.memory_space<hbm>>
        %dma_start3A_92 = arith.constant 0 : i32
        %dma_start3A_93 = tpu.memref_slice %arg7[%multiple_of3A_59, %dma_start3A_92] : memref<320000x128xf32, #tpu.memory_space<hbm>> -> memref<80x128xf32, #tpu.memory_space<hbm>>
        tpu.enqueue_dma source(%arg11 : memref<80x128xf32, #tpu.memory_space<vmem>>) target(%dma_start3A_93 : memref<80x128xf32, #tpu.memory_space<hbm>>) target_semaphore(%run_scoped3A : memref<!tpu.dma_semaphore, #tpu.memory_space<semaphore_mem>>)
        %dma_wait3A_94 = arith.constant 0 : i32
        %dma_wait3A_95 = tpu.memref_slice %arg7[%multiple_of3A_59, %dma_wait3A_94] : memref<320000x128xf32, #tpu.memory_space<hbm>> -> memref<80x128xf32, #tpu.memory_space<hbm>>
        %dma_wait3A_96 = arith.constant 0 : i32
        %dma_wait3A_97 = tpu.memref_slice %arg7[%multiple_of3A_59, %dma_wait3A_96] : memref<320000x128xf32, #tpu.memory_space<hbm>> -> memref<80x128xf32, #tpu.memory_space<hbm>>
        tpu.wait_dma2 semaphore(%run_scoped3A : memref<!tpu.dma_semaphore, #tpu.memory_space<semaphore_mem>>) src(%arg11 : memref<80x128xf32, #tpu.memory_space<vmem>>) dst(%dma_wait3A_97 : memref<80x128xf32, #tpu.memory_space<hbm>>)
        tpu.yield
      }) : () -> ()
      %add3A_60 = arith.constant 2 : i32
      %add3A_61 = arith.addi %mul3A_31, %add3A_60 : i32
      %mul3A_62 = arith.constant 80 : i32
      %mul3A_63 = arith.muli %add3A_61, %mul3A_62 : i32
      %multiple_of3A_64 = tpu.assume_multiple %mul3A_63, 8 : i32
      %dma_start3A_65 = tpu.memref_slice %arg8[%multiple_of3A_64] : memref<10000xi32, #tpu.memory_space<vmem>> -> memref<80xi32, #tpu.memory_space<vmem>>
      %dma_start3A_66 = arith.constant 0 : i32
      %dma_start3A_67 = arith.constant 0 : i32
      %dma_start3A_68 = tpu.memref_slice %arg2[%dma_start3A_66, %dma_start3A_67] : memref<10000x128xf32, #tpu.memory_space<hbm>> -> memref<10000x128xf32, #tpu.memory_space<hbm>>
      tpu.enqueue_indirect_dma source(%dma_start3A_68 : memref<10000x128xf32, #tpu.memory_space<hbm>>) target(%arg10 : memref<80x128xf32, #tpu.memory_space<vmem>>) offsets(%dma_start3A_65 : memref<80xi32, #tpu.memory_space<vmem>>) semaphore(%arg14 : memref<!tpu.dma_semaphore, #tpu.memory_space<semaphore_mem>>)
      %dma_start3A_69 = tpu.memref_slice %arg9[%multiple_of3A_64] : memref<10000xi32, #tpu.memory_space<vmem>> -> memref<80xi32, #tpu.memory_space<vmem>>
      %dma_start3A_70 = arith.constant 0 : i32
      %dma_start3A_71 = arith.constant 0 : i32
      %dma_start3A_72 = tpu.memref_slice %arg3[%dma_start3A_70, %dma_start3A_71] : memref<10000x128xf32, #tpu.memory_space<hbm>> -> memref<10000x128xf32, #tpu.memory_space<hbm>>
      tpu.enqueue_indirect_dma source(%dma_start3A_72 : memref<10000x128xf32, #tpu.memory_space<hbm>>) target(%arg11 : memref<80x128xf32, #tpu.memory_space<vmem>>) offsets(%dma_start3A_69 : memref<80xi32, #tpu.memory_space<vmem>>) semaphore(%arg14 : memref<!tpu.dma_semaphore, #tpu.memory_space<semaphore_mem>>)
      %add3A_73 = arith.constant 1 : i32
      %add3A_74 = arith.addi %mul3A_31, %add3A_73 : i32
      %mul3A_75 = arith.constant 80 : i32
      %mul3A_76 = arith.muli %add3A_74, %mul3A_75 : i32
      %multiple_of3A_77 = tpu.assume_multiple %mul3A_76, 8 : i32
      %dma_wait3A_78 = tpu.memref_slice %arg8[%multiple_of3A_77] : memref<10000xi32, #tpu.memory_space<vmem>> -> memref<80xi32, #tpu.memory_space<vmem>>
      %dma_wait3A_79 = arith.constant 0 : i32
      %dma_wait3A_80 = arith.constant 0 : i32
      %dma_wait3A_81 = tpu.memref_slice %arg2[%dma_wait3A_79, %dma_wait3A_80] : memref<10000x128xf32, #tpu.memory_space<hbm>> -> memref<10000x128xf32, #tpu.memory_space<hbm>>
      tpu.wait_indirect_dma semaphore(%arg15 : memref<!tpu.dma_semaphore, #tpu.memory_space<semaphore_mem>>) src(%dma_wait3A_81 : memref<10000x128xf32, #tpu.memory_space<hbm>>) dst(%arg12 : memref<80x128xf32, #tpu.memory_space<vmem>>)
      %dma_wait3A_82 = tpu.memref_slice %arg9[%multiple_of3A_77] : memref<10000xi32, #tpu.memory_space<vmem>> -> memref<80xi32, #tpu.memory_space<vmem>>
      %dma_wait3A_83 = arith.constant 0 : i32
      %dma_wait3A_84 = arith.constant 0 : i32
      %dma_wait3A_85 = tpu.memref_slice %arg3[%dma_wait3A_83, %dma_wait3A_84] : memref<10000x128xf32, #tpu.memory_space<hbm>> -> memref<10000x128xf32, #tpu.memory_space<hbm>>
      tpu.wait_indirect_dma semaphore(%arg15 : memref<!tpu.dma_semaphore, #tpu.memory_space<semaphore_mem>>) src(%dma_wait3A_85 : memref<10000x128xf32, #tpu.memory_space<hbm>>) dst(%arg13 : memref<80x128xf32, #tpu.memory_space<vmem>>)
      %mul3A_86 = arith.constant 80 : i32
      %mul3A_87 = arith.muli %add3A_74, %mul3A_86 : i32
      %add3A_88 = arith.addi %multiple_of3A, %mul3A_87 : i32
      %multiple_of3A_89 = tpu.assume_multiple %add3A_88, 8 : i32
      "tpu.region"() ({
        %run_scoped3A = tpu.sem_alloc : memref<!tpu.dma_semaphore, #tpu.memory_space<semaphore_mem>>
        %dma_start3A_90 = arith.constant 0 : i32
        %dma_start3A_91 = tpu.memref_slice %arg6[%multiple_of3A_89, %dma_start3A_90] : memref<320000x128xf32, #tpu.memory_space<hbm>> -> memref<80x128xf32, #tpu.memory_space<hbm>>
        %dma_start3A_92 = arith.constant 0 : i32
        %dma_start3A_93 = tpu.memref_slice %arg6[%multiple_of3A_89, %dma_start3A_92] : memref<320000x128xf32, #tpu.memory_space<hbm>> -> memref<80x128xf32, #tpu.memory_space<hbm>>
        tpu.enqueue_dma source(%arg12 : memref<80x128xf32, #tpu.memory_space<vmem>>) target(%dma_start3A_93 : memref<80x128xf32, #tpu.memory_space<hbm>>) target_semaphore(%run_scoped3A : memref<!tpu.dma_semaphore, #tpu.memory_space<semaphore_mem>>)
        %dma_wait3A_94 = arith.constant 0 : i32
        %dma_wait3A_95 = tpu.memref_slice %arg6[%multiple_of3A_89, %dma_wait3A_94] : memref<320000x128xf32, #tpu.memory_space<hbm>> -> memref<80x128xf32, #tpu.memory_space<hbm>>
        %dma_wait3A_96 = arith.constant 0 : i32
        %dma_wait3A_97 = tpu.memref_slice %arg6[%multiple_of3A_89, %dma_wait3A_96] : memref<320000x128xf32, #tpu.memory_space<hbm>> -> memref<80x128xf32, #tpu.memory_space<hbm>>
        tpu.wait_dma2 semaphore(%run_scoped3A : memref<!tpu.dma_semaphore, #tpu.memory_space<semaphore_mem>>) src(%arg12 : memref<80x128xf32, #tpu.memory_space<vmem>>) dst(%dma_wait3A_97 : memref<80x128xf32, #tpu.memory_space<hbm>>)
        tpu.yield
      }) : () -> ()
      "tpu.region"() ({
        %run_scoped3A = tpu.sem_alloc : memref<!tpu.dma_semaphore, #tpu.memory_space<semaphore_mem>>
        %dma_start3A_90 = arith.constant 0 : i32
        %dma_start3A_91 = tpu.memref_slice %arg7[%multiple_of3A_89, %dma_start3A_90] : memref<320000x128xf32, #tpu.memory_space<hbm>> -> memref<80x128xf32, #tpu.memory_space<hbm>>
        %dma_start3A_92 = arith.constant 0 : i32
        %dma_start3A_93 = tpu.memref_slice %arg7[%multiple_of3A_89, %dma_start3A_92] : memref<320000x128xf32, #tpu.memory_space<hbm>> -> memref<80x128xf32, #tpu.memory_space<hbm>>
        tpu.enqueue_dma source(%arg13 : memref<80x128xf32, #tpu.memory_space<vmem>>) target(%dma_start3A_93 : memref<80x128xf32, #tpu.memory_space<hbm>>) target_semaphore(%run_scoped3A : memref<!tpu.dma_semaphore, #tpu.memory_space<semaphore_mem>>)
        %dma_wait3A_94 = arith.constant 0 : i32
        %dma_wait3A_95 = tpu.memref_slice %arg7[%multiple_of3A_89, %dma_wait3A_94] : memref<320000x128xf32, #tpu.memory_space<hbm>> -> memref<80x128xf32, #tpu.memory_space<hbm>>
        %dma_wait3A_96 = arith.constant 0 : i32
        %dma_wait3A_97 = tpu.memref_slice %arg7[%multiple_of3A_89, %dma_wait3A_96] : memref<320000x128xf32, #tpu.memory_space<hbm>> -> memref<80x128xf32, #tpu.memory_space<hbm>>
        tpu.wait_dma2 semaphore(%run_scoped3A : memref<!tpu.dma_semaphore, #tpu.memory_space<semaphore_mem>>) src(%arg13 : memref<80x128xf32, #tpu.memory_space<vmem>>) dst(%dma_wait3A_97 : memref<80x128xf32, #tpu.memory_space<hbm>>)
        tpu.yield
      }) : () -> ()
    }
    %scan3A_16 = arith.constant 62 : i32
    %multiple_of3A_17 = arith.constant 9920 : i32
    %multiple_of3A_18 = tpu.assume_multiple %multiple_of3A_17, 8 : i32
    %dma_wait3A = tpu.memref_slice %arg8[%multiple_of3A_18] : memref<10000xi32, #tpu.memory_space<vmem>> -> memref<80xi32, #tpu.memory_space<vmem>>
    %dma_wait3A_19 = arith.constant 0 : i32
    %dma_wait3A_20 = arith.constant 0 : i32
    %dma_wait3A_21 = tpu.memref_slice %arg2[%dma_wait3A_19, %dma_wait3A_20] : memref<10000x128xf32, #tpu.memory_space<hbm>> -> memref<10000x128xf32, #tpu.memory_space<hbm>>
    tpu.wait_indirect_dma semaphore(%arg14 : memref<!tpu.dma_semaphore, #tpu.memory_space<semaphore_mem>>) src(%dma_wait3A_21 : memref<10000x128xf32, #tpu.memory_space<hbm>>) dst(%arg10 : memref<80x128xf32, #tpu.memory_space<vmem>>)
    %dma_wait3A_22 = tpu.memref_slice %arg9[%multiple_of3A_18] : memref<10000xi32, #tpu.memory_space<vmem>> -> memref<80xi32, #tpu.memory_space<vmem>>
    %dma_wait3A_23 = arith.constant 0 : i32
    %dma_wait3A_24 = arith.constant 0 : i32
    %dma_wait3A_25 = tpu.memref_slice %arg3[%dma_wait3A_23, %dma_wait3A_24] : memref<10000x128xf32, #tpu.memory_space<hbm>> -> memref<10000x128xf32, #tpu.memory_space<hbm>>
    tpu.wait_indirect_dma semaphore(%arg14 : memref<!tpu.dma_semaphore, #tpu.memory_space<semaphore_mem>>) src(%dma_wait3A_25 : memref<10000x128xf32, #tpu.memory_space<hbm>>) dst(%arg11 : memref<80x128xf32, #tpu.memory_space<vmem>>)
    %add3A_26 = arith.constant 9920 : i32
    %add3A_27 = arith.addi %multiple_of3A, %add3A_26 : i32
    %multiple_of3A_28 = tpu.assume_multiple %add3A_27, 8 : i32
    "tpu.region"() ({
      %run_scoped3A = tpu.sem_alloc : memref<!tpu.dma_semaphore, #tpu.memory_space<semaphore_mem>>
      %dma_start3A_29 = arith.constant 0 : i32
      %dma_start3A_30 = tpu.memref_slice %arg6[%multiple_of3A_28, %dma_start3A_29] : memref<320000x128xf32, #tpu.memory_space<hbm>> -> memref<80x128xf32, #tpu.memory_space<hbm>>
      %dma_start3A_31 = arith.constant 0 : i32
      %dma_start3A_32 = tpu.memref_slice %arg6[%multiple_of3A_28, %dma_start3A_31] : memref<320000x128xf32, #tpu.memory_space<hbm>> -> memref<80x128xf32, #tpu.memory_space<hbm>>
      tpu.enqueue_dma source(%arg10 : memref<80x128xf32, #tpu.memory_space<vmem>>) target(%dma_start3A_32 : memref<80x128xf32, #tpu.memory_space<hbm>>) target_semaphore(%run_scoped3A : memref<!tpu.dma_semaphore, #tpu.memory_space<semaphore_mem>>)
      %dma_wait3A_33 = arith.constant 0 : i32
      %dma_wait3A_34 = tpu.memref_slice %arg6[%multiple_of3A_28, %dma_wait3A_33] : memref<320000x128xf32, #tpu.memory_space<hbm>> -> memref<80x128xf32, #tpu.memory_space<hbm>>
      %dma_wait3A_35 = arith.constant 0 : i32
      %dma_wait3A_36 = tpu.memref_slice %arg6[%multiple_of3A_28, %dma_wait3A_35] : memref<320000x128xf32, #tpu.memory_space<hbm>> -> memref<80x128xf32, #tpu.memory_space<hbm>>
      tpu.wait_dma2 semaphore(%run_scoped3A : memref<!tpu.dma_semaphore, #tpu.memory_space<semaphore_mem>>) src(%arg10 : memref<80x128xf32, #tpu.memory_space<vmem>>) dst(%dma_wait3A_36 : memref<80x128xf32, #tpu.memory_space<hbm>>)
      tpu.yield
    }) : () -> ()
    "tpu.region"() ({
      %run_scoped3A = tpu.sem_alloc : memref<!tpu.dma_semaphore, #tpu.memory_space<semaphore_mem>>
      %dma_start3A_29 = arith.constant 0 : i32
      %dma_start3A_30 = tpu.memref_slice %arg7[%multiple_of3A_28, %dma_start3A_29] : memref<320000x128xf32, #tpu.memory_space<hbm>> -> memref<80x128xf32, #tpu.memory_space<hbm>>
      %dma_start3A_31 = arith.constant 0 : i32
      %dma_start3A_32 = tpu.memref_slice %arg7[%multiple_of3A_28, %dma_start3A_31] : memref<320000x128xf32, #tpu.memory_space<hbm>> -> memref<80x128xf32, #tpu.memory_space<hbm>>
      tpu.enqueue_dma source(%arg11 : memref<80x128xf32, #tpu.memory_space<vmem>>) target(%dma_start3A_32 : memref<80x128xf32, #tpu.memory_space<hbm>>) target_semaphore(%run_scoped3A : memref<!tpu.dma_semaphore, #tpu.memory_space<semaphore_mem>>)
      %dma_wait3A_33 = arith.constant 0 : i32
      %dma_wait3A_34 = tpu.memref_slice %arg7[%multiple_of3A_28, %dma_wait3A_33] : memref<320000x128xf32, #tpu.memory_space<hbm>> -> memref<80x128xf32, #tpu.memory_space<hbm>>
      %dma_wait3A_35 = arith.constant 0 : i32
      %dma_wait3A_36 = tpu.memref_slice %arg7[%multiple_of3A_28, %dma_wait3A_35] : memref<320000x128xf32, #tpu.memory_space<hbm>> -> memref<80x128xf32, #tpu.memory_space<hbm>>
      tpu.wait_dma2 semaphore(%run_scoped3A : memref<!tpu.dma_semaphore, #tpu.memory_space<semaphore_mem>>) src(%arg11 : memref<80x128xf32, #tpu.memory_space<vmem>>) dst(%dma_wait3A_36 : memref<80x128xf32, #tpu.memory_space<hbm>>)
      tpu.yield
    }) : () -> ()
    return
  }
}

#map = affine_map<(d0, d1) -> (0, 0)>
#map1 = affine_map<(d0, d1) -> (0)>
#map2 = affine_map<(d0, d1) -> (0, 0, 0)>
module attributes {stable_mosaic.version = 14 : i64} {
  func.func @k(%arg0: i32, %arg1: i32, %arg2: memref<320000x128xf32, #tpu.memory_space<hbm>>, %arg3: memref<320000xi32, #tpu.memory_space<hbm>>, %arg4: memref<10240x128xf32, #tpu.memory_space<hbm>>, %arg5: memref<2x10240x128xf32, #tpu.memory_space<hbm>>, %arg6: memref<80xi32, #tpu.memory_space<vmem>>, %arg7: memref<80xi32, #tpu.memory_space<vmem>>, %arg8: memref<80x128xf32, #tpu.memory_space<vmem>>, %arg9: memref<80x128xf32, #tpu.memory_space<vmem>>, %arg10: memref<10240x128xf32, #tpu.memory_space<vmem_shared>>, %arg11: memref<!tpu.dma_semaphore, #tpu.memory_space<semaphore_mem>>, %arg12: memref<!tpu.dma_semaphore, #tpu.memory_space<semaphore_mem>>) attributes {dimension_semantics = [#tpu.dimension_semantics<core_parallel>, #tpu.dimension_semantics<subcore_parallel>], iteration_bounds = array<i64: 2, 16>, scalar_prefetch = 0 : i64, scratch_operands = 7 : i64, tpu.core_type = #tpu.core_type<sc_vector_subcore>, window_params = [{transform_indices = #map}, {transform_indices = #map1}, {transform_indices = #map}, {transform_indices = #map2}]} {
    %mul3A = arith.constant 640 : i32
    %mul3A_0 = arith.muli %arg1, %mul3A : i32
    %multiple_of3A = tpu.assume_multiple %mul3A_0, 8 : i32
    "tpu.region"() ({
      %run_scoped3A = tpu.sem_alloc : memref<!tpu.dma_semaphore, #tpu.memory_space<semaphore_mem>>
      %dma_start3A_28 = arith.constant 0 : i32
      %dma_start3A_29 = tpu.memref_slice %arg10[%multiple_of3A, %dma_start3A_28] : memref<10240x128xf32, #tpu.memory_space<vmem_shared>> -> memref<640x128xf32, #tpu.memory_space<vmem_shared>>
      %dma_start3A_30 = arith.constant 0 : i32
      %dma_start3A_31 = tpu.memref_slice %arg4[%multiple_of3A, %dma_start3A_30] : memref<10240x128xf32, #tpu.memory_space<hbm>> -> memref<640x128xf32, #tpu.memory_space<hbm>>
      tpu.enqueue_dma source(%dma_start3A_31 : memref<640x128xf32, #tpu.memory_space<hbm>>) target(%dma_start3A_29 : memref<640x128xf32, #tpu.memory_space<vmem_shared>>) target_semaphore(%run_scoped3A : memref<!tpu.dma_semaphore, #tpu.memory_space<semaphore_mem>>)
      %dma_wait3A_32 = arith.constant 0 : i32
      %dma_wait3A_33 = tpu.memref_slice %arg10[%multiple_of3A, %dma_wait3A_32] : memref<10240x128xf32, #tpu.memory_space<vmem_shared>> -> memref<640x128xf32, #tpu.memory_space<vmem_shared>>
      %dma_wait3A_34 = arith.constant 0 : i32
      %dma_wait3A_35 = tpu.memref_slice %arg4[%multiple_of3A, %dma_wait3A_34] : memref<10240x128xf32, #tpu.memory_space<hbm>> -> memref<640x128xf32, #tpu.memory_space<hbm>>
      tpu.wait_dma2 semaphore(%run_scoped3A : memref<!tpu.dma_semaphore, #tpu.memory_space<semaphore_mem>>) src(%dma_wait3A_35 : memref<640x128xf32, #tpu.memory_space<hbm>>) dst(%dma_wait3A_33 : memref<640x128xf32, #tpu.memory_space<vmem_shared>>)
      tpu.yield
    }) : () -> ()
    %barrier3A = arith.constant 0 : index
    tpu.barrier barrier_id(%barrier3A)
    %mul3A_1 = arith.constant 16 : i32
    %mul3A_2 = arith.muli %arg0, %mul3A_1 : i32
    %add3A = arith.addi %mul3A_2, %arg1 : i32
    %mul3A_3 = arith.constant 10000 : i32
    %mul3A_4 = arith.muli %add3A, %mul3A_3 : i32
    %multiple_of3A_5 = tpu.assume_multiple %mul3A_4, 8 : i32
    %add3A_6 = arith.constant 0 : i32
    %add3A_7 = arith.addi %multiple_of3A_5, %add3A_6 : i32
    %multiple_of3A_8 = tpu.assume_multiple %add3A_7, 8 : i32
    %dma_start3A = tpu.memref_slice %arg3[%multiple_of3A_8] : memref<320000xi32, #tpu.memory_space<hbm>> -> memref<80xi32, #tpu.memory_space<hbm>>
    %dma_start3A_9 = tpu.memref_slice %arg3[%multiple_of3A_8] : memref<320000xi32, #tpu.memory_space<hbm>> -> memref<80xi32, #tpu.memory_space<hbm>>
    tpu.enqueue_dma source(%dma_start3A_9 : memref<80xi32, #tpu.memory_space<hbm>>) target(%arg6 : memref<80xi32, #tpu.memory_space<vmem>>) target_semaphore(%arg11 : memref<!tpu.dma_semaphore, #tpu.memory_space<semaphore_mem>>)
    %dma_start3A_10 = arith.constant 0 : i32
    %dma_start3A_11 = tpu.memref_slice %arg2[%multiple_of3A_8, %dma_start3A_10] : memref<320000x128xf32, #tpu.memory_space<hbm>> -> memref<80x128xf32, #tpu.memory_space<hbm>>
    %dma_start3A_12 = arith.constant 0 : i32
    %dma_start3A_13 = tpu.memref_slice %arg2[%multiple_of3A_8, %dma_start3A_12] : memref<320000x128xf32, #tpu.memory_space<hbm>> -> memref<80x128xf32, #tpu.memory_space<hbm>>
    tpu.enqueue_dma source(%dma_start3A_13 : memref<80x128xf32, #tpu.memory_space<hbm>>) target(%arg8 : memref<80x128xf32, #tpu.memory_space<vmem>>) target_semaphore(%arg11 : memref<!tpu.dma_semaphore, #tpu.memory_space<semaphore_mem>>)
    %scan3A = arith.constant 0 : i32
    %scan3A_14 = arith.constant 0 : i32
    %scan3A_15 = arith.constant 62 : i32
    %scan3A_16 = arith.addi %scan3A_14, %scan3A_15 : i32
    %scan3A_17 = arith.constant 1 : i32
    scf.for %scan3A_28 = %scan3A_14 to %scan3A_16 step %scan3A_17  : i32 {
      %mul3A_29 = arith.constant 2 : i32
      %mul3A_30 = arith.muli %scan3A_28, %mul3A_29 : i32
      %add3A_31 = arith.constant 1 : i32
      %add3A_32 = arith.addi %mul3A_30, %add3A_31 : i32
      %mul3A_33 = arith.constant 80 : i32
      %mul3A_34 = arith.muli %add3A_32, %mul3A_33 : i32
      %add3A_35 = arith.addi %multiple_of3A_5, %mul3A_34 : i32
      %multiple_of3A_36 = tpu.assume_multiple %add3A_35, 8 : i32
      %dma_start3A_37 = tpu.memref_slice %arg3[%multiple_of3A_36] : memref<320000xi32, #tpu.memory_space<hbm>> -> memref<80xi32, #tpu.memory_space<hbm>>
      %dma_start3A_38 = tpu.memref_slice %arg3[%multiple_of3A_36] : memref<320000xi32, #tpu.memory_space<hbm>> -> memref<80xi32, #tpu.memory_space<hbm>>
      tpu.enqueue_dma source(%dma_start3A_38 : memref<80xi32, #tpu.memory_space<hbm>>) target(%arg7 : memref<80xi32, #tpu.memory_space<vmem>>) target_semaphore(%arg12 : memref<!tpu.dma_semaphore, #tpu.memory_space<semaphore_mem>>)
      %dma_start3A_39 = arith.constant 0 : i32
      %dma_start3A_40 = tpu.memref_slice %arg2[%multiple_of3A_36, %dma_start3A_39] : memref<320000x128xf32, #tpu.memory_space<hbm>> -> memref<80x128xf32, #tpu.memory_space<hbm>>
      %dma_start3A_41 = arith.constant 0 : i32
      %dma_start3A_42 = tpu.memref_slice %arg2[%multiple_of3A_36, %dma_start3A_41] : memref<320000x128xf32, #tpu.memory_space<hbm>> -> memref<80x128xf32, #tpu.memory_space<hbm>>
      tpu.enqueue_dma source(%dma_start3A_42 : memref<80x128xf32, #tpu.memory_space<hbm>>) target(%arg9 : memref<80x128xf32, #tpu.memory_space<vmem>>) target_semaphore(%arg12 : memref<!tpu.dma_semaphore, #tpu.memory_space<semaphore_mem>>)
      %mul3A_43 = arith.constant 80 : i32
      %mul3A_44 = arith.muli %mul3A_30, %mul3A_43 : i32
      %add3A_45 = arith.addi %multiple_of3A_5, %mul3A_44 : i32
      %multiple_of3A_46 = tpu.assume_multiple %add3A_45, 8 : i32
      %dma_wait3A_47 = tpu.memref_slice %arg3[%multiple_of3A_46] : memref<320000xi32, #tpu.memory_space<hbm>> -> memref<80xi32, #tpu.memory_space<hbm>>
      %dma_wait3A_48 = tpu.memref_slice %arg3[%multiple_of3A_46] : memref<320000xi32, #tpu.memory_space<hbm>> -> memref<80xi32, #tpu.memory_space<hbm>>
      tpu.wait_dma2 semaphore(%arg11 : memref<!tpu.dma_semaphore, #tpu.memory_space<semaphore_mem>>) src(%dma_wait3A_48 : memref<80xi32, #tpu.memory_space<hbm>>) dst(%arg6 : memref<80xi32, #tpu.memory_space<vmem>>)
      %dma_wait3A_49 = arith.constant 0 : i32
      %dma_wait3A_50 = tpu.memref_slice %arg2[%multiple_of3A_46, %dma_wait3A_49] : memref<320000x128xf32, #tpu.memory_space<hbm>> -> memref<80x128xf32, #tpu.memory_space<hbm>>
      %dma_wait3A_51 = arith.constant 0 : i32
      %dma_wait3A_52 = tpu.memref_slice %arg2[%multiple_of3A_46, %dma_wait3A_51] : memref<320000x128xf32, #tpu.memory_space<hbm>> -> memref<80x128xf32, #tpu.memory_space<hbm>>
      tpu.wait_dma2 semaphore(%arg11 : memref<!tpu.dma_semaphore, #tpu.memory_space<semaphore_mem>>) src(%dma_wait3A_52 : memref<80x128xf32, #tpu.memory_space<hbm>>) dst(%arg8 : memref<80x128xf32, #tpu.memory_space<vmem>>)
      "tpu.region"() ({
        %run_scoped3A = tpu.sem_alloc : memref<!tpu.dma_semaphore, #tpu.memory_space<semaphore_mem>>
        %dma_start3A_77 = arith.constant 0 : i32
        %dma_start3A_78 = arith.constant 0 : i32
        %dma_start3A_79 = tpu.memref_slice %arg10[%dma_start3A_77, %dma_start3A_78] : memref<10240x128xf32, #tpu.memory_space<vmem_shared>> -> memref<10240x128xf32, #tpu.memory_space<vmem_shared>>
        tpu.enqueue_indirect_dma source(%arg8 : memref<80x128xf32, #tpu.memory_space<vmem>>) target(%dma_start3A_79 : memref<10240x128xf32, #tpu.memory_space<vmem_shared>>) offsets(%arg6 : memref<80xi32, #tpu.memory_space<vmem>>) semaphore(%run_scoped3A : memref<!tpu.dma_semaphore, #tpu.memory_space<semaphore_mem>>) {add = true}
        %dma_wait3A_80 = arith.constant 0 : i32
        %dma_wait3A_81 = arith.constant 0 : i32
        %dma_wait3A_82 = tpu.memref_slice %arg10[%dma_wait3A_80, %dma_wait3A_81] : memref<10240x128xf32, #tpu.memory_space<vmem_shared>> -> memref<10240x128xf32, #tpu.memory_space<vmem_shared>>
        tpu.wait_indirect_dma semaphore(%run_scoped3A : memref<!tpu.dma_semaphore, #tpu.memory_space<semaphore_mem>>) src(%arg8 : memref<80x128xf32, #tpu.memory_space<vmem>>) dst(%dma_wait3A_82 : memref<10240x128xf32, #tpu.memory_space<vmem_shared>>)
        tpu.yield
      }) : () -> ()
      %add3A_53 = arith.constant 2 : i32
      %add3A_54 = arith.addi %mul3A_30, %add3A_53 : i32
      %mul3A_55 = arith.constant 80 : i32
      %mul3A_56 = arith.muli %add3A_54, %mul3A_55 : i32
      %add3A_57 = arith.addi %multiple_of3A_5, %mul3A_56 : i32
      %multiple_of3A_58 = tpu.assume_multiple %add3A_57, 8 : i32
      %dma_start3A_59 = tpu.memref_slice %arg3[%multiple_of3A_58] : memref<320000xi32, #tpu.memory_space<hbm>> -> memref<80xi32, #tpu.memory_space<hbm>>
      %dma_start3A_60 = tpu.memref_slice %arg3[%multiple_of3A_58] : memref<320000xi32, #tpu.memory_space<hbm>> -> memref<80xi32, #tpu.memory_space<hbm>>
      tpu.enqueue_dma source(%dma_start3A_60 : memref<80xi32, #tpu.memory_space<hbm>>) target(%arg6 : memref<80xi32, #tpu.memory_space<vmem>>) target_semaphore(%arg11 : memref<!tpu.dma_semaphore, #tpu.memory_space<semaphore_mem>>)
      %dma_start3A_61 = arith.constant 0 : i32
      %dma_start3A_62 = tpu.memref_slice %arg2[%multiple_of3A_58, %dma_start3A_61] : memref<320000x128xf32, #tpu.memory_space<hbm>> -> memref<80x128xf32, #tpu.memory_space<hbm>>
      %dma_start3A_63 = arith.constant 0 : i32
      %dma_start3A_64 = tpu.memref_slice %arg2[%multiple_of3A_58, %dma_start3A_63] : memref<320000x128xf32, #tpu.memory_space<hbm>> -> memref<80x128xf32, #tpu.memory_space<hbm>>
      tpu.enqueue_dma source(%dma_start3A_64 : memref<80x128xf32, #tpu.memory_space<hbm>>) target(%arg8 : memref<80x128xf32, #tpu.memory_space<vmem>>) target_semaphore(%arg11 : memref<!tpu.dma_semaphore, #tpu.memory_space<semaphore_mem>>)
      %add3A_65 = arith.constant 1 : i32
      %add3A_66 = arith.addi %mul3A_30, %add3A_65 : i32
      %mul3A_67 = arith.constant 80 : i32
      %mul3A_68 = arith.muli %add3A_66, %mul3A_67 : i32
      %add3A_69 = arith.addi %multiple_of3A_5, %mul3A_68 : i32
      %multiple_of3A_70 = tpu.assume_multiple %add3A_69, 8 : i32
      %dma_wait3A_71 = tpu.memref_slice %arg3[%multiple_of3A_70] : memref<320000xi32, #tpu.memory_space<hbm>> -> memref<80xi32, #tpu.memory_space<hbm>>
      %dma_wait3A_72 = tpu.memref_slice %arg3[%multiple_of3A_70] : memref<320000xi32, #tpu.memory_space<hbm>> -> memref<80xi32, #tpu.memory_space<hbm>>
      tpu.wait_dma2 semaphore(%arg12 : memref<!tpu.dma_semaphore, #tpu.memory_space<semaphore_mem>>) src(%dma_wait3A_72 : memref<80xi32, #tpu.memory_space<hbm>>) dst(%arg7 : memref<80xi32, #tpu.memory_space<vmem>>)
      %dma_wait3A_73 = arith.constant 0 : i32
      %dma_wait3A_74 = tpu.memref_slice %arg2[%multiple_of3A_70, %dma_wait3A_73] : memref<320000x128xf32, #tpu.memory_space<hbm>> -> memref<80x128xf32, #tpu.memory_space<hbm>>
      %dma_wait3A_75 = arith.constant 0 : i32
      %dma_wait3A_76 = tpu.memref_slice %arg2[%multiple_of3A_70, %dma_wait3A_75] : memref<320000x128xf32, #tpu.memory_space<hbm>> -> memref<80x128xf32, #tpu.memory_space<hbm>>
      tpu.wait_dma2 semaphore(%arg12 : memref<!tpu.dma_semaphore, #tpu.memory_space<semaphore_mem>>) src(%dma_wait3A_76 : memref<80x128xf32, #tpu.memory_space<hbm>>) dst(%arg9 : memref<80x128xf32, #tpu.memory_space<vmem>>)
      "tpu.region"() ({
        %run_scoped3A = tpu.sem_alloc : memref<!tpu.dma_semaphore, #tpu.memory_space<semaphore_mem>>
        %dma_start3A_77 = arith.constant 0 : i32
        %dma_start3A_78 = arith.constant 0 : i32
        %dma_start3A_79 = tpu.memref_slice %arg10[%dma_start3A_77, %dma_start3A_78] : memref<10240x128xf32, #tpu.memory_space<vmem_shared>> -> memref<10240x128xf32, #tpu.memory_space<vmem_shared>>
        tpu.enqueue_indirect_dma source(%arg9 : memref<80x128xf32, #tpu.memory_space<vmem>>) target(%dma_start3A_79 : memref<10240x128xf32, #tpu.memory_space<vmem_shared>>) offsets(%arg7 : memref<80xi32, #tpu.memory_space<vmem>>) semaphore(%run_scoped3A : memref<!tpu.dma_semaphore, #tpu.memory_space<semaphore_mem>>) {add = true}
        %dma_wait3A_80 = arith.constant 0 : i32
        %dma_wait3A_81 = arith.constant 0 : i32
        %dma_wait3A_82 = tpu.memref_slice %arg10[%dma_wait3A_80, %dma_wait3A_81] : memref<10240x128xf32, #tpu.memory_space<vmem_shared>> -> memref<10240x128xf32, #tpu.memory_space<vmem_shared>>
        tpu.wait_indirect_dma semaphore(%run_scoped3A : memref<!tpu.dma_semaphore, #tpu.memory_space<semaphore_mem>>) src(%arg9 : memref<80x128xf32, #tpu.memory_space<vmem>>) dst(%dma_wait3A_82 : memref<10240x128xf32, #tpu.memory_space<vmem_shared>>)
        tpu.yield
      }) : () -> ()
    }
    %scan3A_18 = arith.constant 62 : i32
    %add3A_19 = arith.constant 9920 : i32
    %add3A_20 = arith.addi %multiple_of3A_5, %add3A_19 : i32
    %multiple_of3A_21 = tpu.assume_multiple %add3A_20, 8 : i32
    %dma_wait3A = tpu.memref_slice %arg3[%multiple_of3A_21] : memref<320000xi32, #tpu.memory_space<hbm>> -> memref<80xi32, #tpu.memory_space<hbm>>
    %dma_wait3A_22 = tpu.memref_slice %arg3[%multiple_of3A_21] : memref<320000xi32, #tpu.memory_space<hbm>> -> memref<80xi32, #tpu.memory_space<hbm>>
    tpu.wait_dma2 semaphore(%arg11 : memref<!tpu.dma_semaphore, #tpu.memory_space<semaphore_mem>>) src(%dma_wait3A_22 : memref<80xi32, #tpu.memory_space<hbm>>) dst(%arg6 : memref<80xi32, #tpu.memory_space<vmem>>)
    %dma_wait3A_23 = arith.constant 0 : i32
    %dma_wait3A_24 = tpu.memref_slice %arg2[%multiple_of3A_21, %dma_wait3A_23] : memref<320000x128xf32, #tpu.memory_space<hbm>> -> memref<80x128xf32, #tpu.memory_space<hbm>>
    %dma_wait3A_25 = arith.constant 0 : i32
    %dma_wait3A_26 = tpu.memref_slice %arg2[%multiple_of3A_21, %dma_wait3A_25] : memref<320000x128xf32, #tpu.memory_space<hbm>> -> memref<80x128xf32, #tpu.memory_space<hbm>>
    tpu.wait_dma2 semaphore(%arg11 : memref<!tpu.dma_semaphore, #tpu.memory_space<semaphore_mem>>) src(%dma_wait3A_26 : memref<80x128xf32, #tpu.memory_space<hbm>>) dst(%arg8 : memref<80x128xf32, #tpu.memory_space<vmem>>)
    "tpu.region"() ({
      %run_scoped3A = tpu.sem_alloc : memref<!tpu.dma_semaphore, #tpu.memory_space<semaphore_mem>>
      %dma_start3A_28 = arith.constant 0 : i32
      %dma_start3A_29 = arith.constant 0 : i32
      %dma_start3A_30 = tpu.memref_slice %arg10[%dma_start3A_28, %dma_start3A_29] : memref<10240x128xf32, #tpu.memory_space<vmem_shared>> -> memref<10240x128xf32, #tpu.memory_space<vmem_shared>>
      tpu.enqueue_indirect_dma source(%arg8 : memref<80x128xf32, #tpu.memory_space<vmem>>) target(%dma_start3A_30 : memref<10240x128xf32, #tpu.memory_space<vmem_shared>>) offsets(%arg6 : memref<80xi32, #tpu.memory_space<vmem>>) semaphore(%run_scoped3A : memref<!tpu.dma_semaphore, #tpu.memory_space<semaphore_mem>>) {add = true}
      %dma_wait3A_31 = arith.constant 0 : i32
      %dma_wait3A_32 = arith.constant 0 : i32
      %dma_wait3A_33 = tpu.memref_slice %arg10[%dma_wait3A_31, %dma_wait3A_32] : memref<10240x128xf32, #tpu.memory_space<vmem_shared>> -> memref<10240x128xf32, #tpu.memory_space<vmem_shared>>
      tpu.wait_indirect_dma semaphore(%run_scoped3A : memref<!tpu.dma_semaphore, #tpu.memory_space<semaphore_mem>>) src(%arg8 : memref<80x128xf32, #tpu.memory_space<vmem>>) dst(%dma_wait3A_33 : memref<10240x128xf32, #tpu.memory_space<vmem_shared>>)
      tpu.yield
    }) : () -> ()
    %barrier3A_27 = arith.constant 0 : index
    tpu.barrier barrier_id(%barrier3A_27)
    "tpu.region"() ({
      %run_scoped3A = tpu.sem_alloc : memref<!tpu.dma_semaphore, #tpu.memory_space<semaphore_mem>>
      %dma_start3A_28 = arith.constant 0 : i32
      %dma_start3A_29 = tpu.memref_slice %arg5[%arg0, %multiple_of3A, %dma_start3A_28] : memref<2x10240x128xf32, #tpu.memory_space<hbm>> -> memref<1x640x128xf32, #tpu.memory_space<hbm>>
      %dma_start3A_30 = tpu.memref_squeeze %dma_start3A_29 : memref<1x640x128xf32, #tpu.memory_space<hbm>> -> memref<640x128xf32, #tpu.memory_space<hbm>>
      %dma_start3A_31 = arith.constant 0 : i32
      %dma_start3A_32 = tpu.memref_slice %arg10[%multiple_of3A, %dma_start3A_31] : memref<10240x128xf32, #tpu.memory_space<vmem_shared>> -> memref<640x128xf32, #tpu.memory_space<vmem_shared>>
      tpu.enqueue_dma source(%dma_start3A_32 : memref<640x128xf32, #tpu.memory_space<vmem_shared>>) target(%dma_start3A_30 : memref<640x128xf32, #tpu.memory_space<hbm>>) target_semaphore(%run_scoped3A : memref<!tpu.dma_semaphore, #tpu.memory_space<semaphore_mem>>)
      %dma_wait3A_33 = arith.constant 0 : i32
      %dma_wait3A_34 = tpu.memref_slice %arg5[%arg0, %multiple_of3A, %dma_wait3A_33] : memref<2x10240x128xf32, #tpu.memory_space<hbm>> -> memref<1x640x128xf32, #tpu.memory_space<hbm>>
      %dma_wait3A_35 = tpu.memref_squeeze %dma_wait3A_34 : memref<1x640x128xf32, #tpu.memory_space<hbm>> -> memref<640x128xf32, #tpu.memory_space<hbm>>
      %dma_wait3A_36 = arith.constant 0 : i32
      %dma_wait3A_37 = tpu.memref_slice %arg10[%multiple_of3A, %dma_wait3A_36] : memref<10240x128xf32, #tpu.memory_space<vmem_shared>> -> memref<640x128xf32, #tpu.memory_space<vmem_shared>>
      tpu.wait_dma2 semaphore(%run_scoped3A : memref<!tpu.dma_semaphore, #tpu.memory_space<semaphore_mem>>) src(%dma_wait3A_37 : memref<640x128xf32, #tpu.memory_space<vmem_shared>>) dst(%dma_wait3A_35 : memref<640x128xf32, #tpu.memory_space<hbm>>)
      tpu.yield
    }) : () -> ()
    return
  }
}

module attributes {stable_mosaic.version = 14 : i64} {
  func.func @body(%arg0: i32, %arg1: memref<1000x128xf32, #tpu.memory_space<vmem>>, %arg2: memref<128x128xf32, #tpu.memory_space<vmem>>, %arg3: memref<128x128xf32, #tpu.memory_space<vmem>>, %arg4: memref<1000x128xf32, #tpu.memory_space<vmem>>, %arg5: memref<1000x128xf32, #tpu.memory_space<vmem>>) attributes {dimension_semantics = [#tpu.dimension_semantics<arbitrary>], iteration_bounds = array<i64: 10>, scalar_prefetch = 0 : i64, scratch_operands = 0 : i64, tpu.core_type = #tpu.core_type<tc>, window_params = [{transform_indices = @transform_0, window_bounds = array<i64: 1000, 128>}, {pipeline_mode = #tpu.pipeline_mode<synchronous>, transform_indices = @transform_1, window_bounds = array<i64: 128, 128>}, {pipeline_mode = #tpu.pipeline_mode<synchronous>, transform_indices = @transform_2, window_bounds = array<i64: 128, 128>}, {transform_indices = @transform_3, window_bounds = array<i64: 1000, 128>}, {transform_indices = @transform_4, window_bounds = array<i64: 1000, 128>}]} {
    %get3A = arith.constant 0 : index
    %get3A_0 = arith.constant 0 : index
    %get3A_1 = vector.load %arg1[%get3A, %get3A_0] : memref<1000x128xf32, #tpu.memory_space<vmem>>, vector<1000x128xf32>
    %get3A_2 = arith.constant 0 : index
    %get3A_3 = arith.constant 0 : index
    %get3A_4 = vector.load %arg2[%get3A_2, %get3A_3] : memref<128x128xf32, #tpu.memory_space<vmem>>, vector<128x128xf32>
    %dot_general3A = arith.constant dense<0.000000e+00> : vector<1000x128xf32>
    %dot_general3A_5 = tpu.matmul %get3A_1, %get3A_4, %dot_general3A {dimension_numbers = #tpu.dot_dimension_numbers<[1], [0], [0], [1], [0, 0, 1, 1], [], []>, transpose_lhs_hint = false} : vector<1000x128xf32>, vector<128x128xf32>, vector<1000x128xf32> -> vector<1000x128xf32>
    %swap3A = arith.constant 0 : index
    %swap3A_6 = arith.constant 0 : index
    %swap3A_7 = vector.load %arg4[%swap3A, %swap3A_6] : memref<1000x128xf32, #tpu.memory_space<vmem>>, vector<1000x128xf32>
    tpu.vector_store %arg4[%swap3A, %swap3A_6], %dot_general3A_5 {strides = array<i32>} : memref<1000x128xf32, #tpu.memory_space<vmem>>, vector<1000x128xf32>,
    %get3A_8 = arith.constant 0 : index
    %get3A_9 = arith.constant 0 : index
    %get3A_10 = vector.load %arg3[%get3A_8, %get3A_9] : memref<128x128xf32, #tpu.memory_space<vmem>>, vector<128x128xf32>
    %dot_general3A_11 = arith.constant dense<0.000000e+00> : vector<1000x128xf32>
    %dot_general3A_12 = tpu.matmul %get3A_1, %get3A_10, %dot_general3A_11 {dimension_numbers = #tpu.dot_dimension_numbers<[1], [0], [0], [1], [0, 0, 1, 1], [], []>, transpose_lhs_hint = false} : vector<1000x128xf32>, vector<128x128xf32>, vector<1000x128xf32> -> vector<1000x128xf32>
    %swap3A_13 = arith.constant 0 : index
    %swap3A_14 = arith.constant 0 : index
    %swap3A_15 = vector.load %arg5[%swap3A_13, %swap3A_14] : memref<1000x128xf32, #tpu.memory_space<vmem>>, vector<1000x128xf32>
    tpu.vector_store %arg5[%swap3A_13, %swap3A_14], %dot_general3A_12 {strides = array<i32>} : memref<1000x128xf32, #tpu.memory_space<vmem>>, vector<1000x128xf32>,
    return
  }
  func.func @transform_0(%arg0: i32) -> (i32, i32) {
    %c0_i32 = arith.constant 0 : i32
    %c0_i32_0 = arith.constant 0 : i32
    return %arg0, %c0_i32 : i32, i32
  }
  func.func @transform_1(%arg0: i32) -> (i32, i32) {
    %c0_i32 = arith.constant 0 : i32
    %c0_i32_0 = arith.constant 0 : i32
    %c0_i32_1 = arith.constant 0 : i32
    return %c0_i32, %c0_i32_0 : i32, i32
  }
  func.func @transform_2(%arg0: i32) -> (i32, i32) {
    %c0_i32 = arith.constant 0 : i32
    %c0_i32_0 = arith.constant 0 : i32
    %c0_i32_1 = arith.constant 0 : i32
    return %c0_i32, %c0_i32_0 : i32, i32
  }
  func.func @transform_3(%arg0: i32) -> (i32, i32) {
    %c0_i32 = arith.constant 0 : i32
    %c0_i32_0 = arith.constant 0 : i32
    return %arg0, %c0_i32 : i32, i32
  }
  func.func @transform_4(%arg0: i32) -> (i32, i32) {
    %c0_i32 = arith.constant 0 : i32
    %c0_i32_0 = arith.constant 0 : i32
    return %arg0, %c0_i32 : i32, i32
  }
}

module attributes {stable_mosaic.version = 14 : i64} {
  func.func @body(%arg0: i32, %arg1: memref<2560x128xf32, #tpu.memory_space<vmem>>, %arg2: memref<2560x128xf32, #tpu.memory_space<vmem>>, %arg3: memref<2560x4xf32, #tpu.memory_space<vmem>>, %arg4: memref<1x16xf32, #tpu.memory_space<vmem>>, %arg5: memref<16x128xf32, #tpu.memory_space<vmem>>, %arg6: memref<1x16xf32, #tpu.memory_space<vmem>>, %arg7: memref<1x16xf32, #tpu.memory_space<vmem>>, %arg8: memref<128x128xf32, #tpu.memory_space<vmem>>, %arg9: memref<1x128xf32, #tpu.memory_space<vmem>>, %arg10: memref<128x256xf32, #tpu.memory_space<vmem>>, %arg11: memref<1x256xf32, #tpu.memory_space<vmem>>, %arg12: memref<256x128xf32, #tpu.memory_space<vmem>>, %arg13: memref<1x128xf32, #tpu.memory_space<vmem>>, %arg14: memref<2560x128xf32, #tpu.memory_space<vmem>>, %arg15: memref<2560x4xf32, #tpu.memory_space<vmem>>, %arg16: memref<2560x1xf32, #tpu.memory_space<vmem>>) attributes {dimension_semantics = [#tpu.dimension_semantics<arbitrary>], iteration_bounds = array<i64: 125>, scalar_prefetch = 0 : i64, scratch_operands = 0 : i64, tpu.core_type = #tpu.core_type<tc>, window_params = [{transform_indices = @transform_0, window_bounds = array<i64: 2560, 128>}, {transform_indices = @transform_1, window_bounds = array<i64: 2560, 128>}, {transform_indices = @transform_2, window_bounds = array<i64: 2560, 4>}, {pipeline_mode = #tpu.pipeline_mode<synchronous>, transform_indices = @transform_3, window_bounds = array<i64: 1, 16>}, {pipeline_mode = #tpu.pipeline_mode<synchronous>, transform_indices = @transform_4, window_bounds = array<i64: 16, 128>}, {pipeline_mode = #tpu.pipeline_mode<synchronous>, transform_indices = @transform_5, window_bounds = array<i64: 1, 16>}, {pipeline_mode = #tpu.pipeline_mode<synchronous>, transform_indices = @transform_6, window_bounds = array<i64: 1, 16>}, {pipeline_mode = #tpu.pipeline_mode<synchronous>, transform_indices = @transform_7, window_bounds = array<i64: 128, 128>}, {pipeline_mode = #tpu.pipeline_mode<synchronous>, transform_indices = @transform_8, window_bounds = array<i64: 1, 128>}, {pipeline_mode = #tpu.pipeline_mode<synchronous>, transform_indices = @transform_9, window_bounds = array<i64: 128, 256>}, {pipeline_mode = #tpu.pipeline_mode<synchronous>, transform_indices = @transform_10, window_bounds = array<i64: 1, 256>}, {pipeline_mode = #tpu.pipeline_mode<synchronous>, transform_indices = @transform_11, window_bounds = array<i64: 256, 128>}, {pipeline_mode = #tpu.pipeline_mode<synchronous>, transform_indices = @transform_12, window_bounds = array<i64: 1, 128>}, {transform_indices = @transform_13, window_bounds = array<i64: 2560, 128>}, {transform_indices = @transform_14, window_bounds = array<i64: 2560, 4>}, {transform_indices = @transform_15, window_bounds = array<i64: 2560, 1>}]} {
    %get3A = arith.constant 0 : index
    %get3A_0 = arith.constant 0 : index
    %get3A_1 = vector.load %arg3[%get3A, %get3A_0] : memref<2560x4xf32, #tpu.memory_space<vmem>>, vector<2560x3xf32>
    %mul3A = arith.mulf %get3A_1, %get3A_1 : vector<2560x3xf32>
    %reduce_sum3A = arith.constant dense<0.000000e+00> : vector<2560xf32>
    %reduce_sum3A_2 = vector.multi_reduction <add>, %mul3A, %reduce_sum3A [1] : vector<2560x3xf32> to vector<2560xf32>
    %broadcast_in_dim3A = vector.shape_cast %reduce_sum3A_2 : vector<2560xf32> to vector<2560x1xf32>
    %sqrt3A = math.sqrt %broadcast_in_dim3A : vector<2560x1xf32>
    %get3A_3 = arith.constant 0 : index
    %get3A_4 = arith.constant 0 : index
    %get3A_5 = vector.load %arg4[%get3A_3, %get3A_4] : memref<1x16xf32, #tpu.memory_space<vmem>>, vector<1x16xf32>
    %mul3A_6 = vector.broadcast %sqrt3A : vector<2560x1xf32> to vector<2560x16xf32>
    %mul3A_7 = vector.broadcast %get3A_5 : vector<1x16xf32> to vector<2560x16xf32>
    %mul3A_8 = arith.mulf %mul3A_6, %mul3A_7 : vector<2560x16xf32>
    %round3A = math.roundeven %mul3A_8 : vector<2560x16xf32>
    %sub3A = arith.subf %mul3A_8, %round3A : vector<2560x16xf32>
    %mul3A_9 = arith.mulf %sub3A, %sub3A : vector<2560x16xf32>
    %mul3A_10 = arith.constant -6.150600e-01 : f32
    %mul3A_11 = vector.broadcast %mul3A_10 : f32 to vector<2560x16xf32>
    %mul3A_12 = arith.mulf %mul3A_11, %mul3A_9 : vector<2560x16xf32>
    %add3A = arith.constant 3.77595758 : f32
    %add3A_13 = vector.broadcast %add3A : f32 to vector<2560x16xf32>
    %add3A_14 = arith.addf %mul3A_12, %add3A_13 : vector<2560x16xf32>
    %mul3A_15 = arith.mulf %add3A_14, %mul3A_9 : vector<2560x16xf32>
    %add3A_16 = arith.constant -15.0845547 : f32
    %add3A_17 = vector.broadcast %add3A_16 : f32 to vector<2560x16xf32>
    %add3A_18 = arith.addf %mul3A_15, %add3A_17 : vector<2560x16xf32>
    %mul3A_19 = arith.mulf %add3A_18, %mul3A_9 : vector<2560x16xf32>
    %add3A_20 = arith.constant 42.0573692 : f32
    %add3A_21 = vector.broadcast %add3A_20 : f32 to vector<2560x16xf32>
    %add3A_22 = arith.addf %mul3A_19, %add3A_21 : vector<2560x16xf32>
    %mul3A_23 = arith.mulf %add3A_22, %mul3A_9 : vector<2560x16xf32>
    %add3A_24 = arith.constant -76.7057571 : f32
    %add3A_25 = vector.broadcast %add3A_24 : f32 to vector<2560x16xf32>
    %add3A_26 = arith.addf %mul3A_23, %add3A_25 : vector<2560x16xf32>
    %mul3A_27 = arith.mulf %add3A_26, %mul3A_9 : vector<2560x16xf32>
    %add3A_28 = arith.constant 81.6052475 : f32
    %add3A_29 = vector.broadcast %add3A_28 : f32 to vector<2560x16xf32>
    %add3A_30 = arith.addf %mul3A_27, %add3A_29 : vector<2560x16xf32>
    %mul3A_31 = arith.mulf %add3A_30, %mul3A_9 : vector<2560x16xf32>
    %add3A_32 = arith.constant -4.134170e+01 : f32
    %add3A_33 = vector.broadcast %add3A_32 : f32 to vector<2560x16xf32>
    %add3A_34 = arith.addf %mul3A_31, %add3A_33 : vector<2560x16xf32>
    %mul3A_35 = arith.mulf %add3A_34, %mul3A_9 : vector<2560x16xf32>
    %add3A_36 = arith.constant 6.28318548 : f32
    %add3A_37 = vector.broadcast %add3A_36 : f32 to vector<2560x16xf32>
    %add3A_38 = arith.addf %mul3A_35, %add3A_37 : vector<2560x16xf32>
    %mul3A_39 = arith.mulf %sub3A, %add3A_38 : vector<2560x16xf32>
    %div3A = vector.broadcast %sqrt3A : vector<2560x1xf32> to vector<2560x16xf32>
    %div3A_40 = arith.divf %mul3A_39, %div3A : vector<2560x16xf32>
    %get3A_41 = arith.constant 0 : index
    %get3A_42 = arith.constant 0 : index
    %get3A_43 = vector.load %arg6[%get3A_41, %get3A_42] : memref<1x16xf32, #tpu.memory_space<vmem>>, vector<1x16xf32>
    %mul3A_44 = vector.broadcast %sqrt3A : vector<2560x1xf32> to vector<2560x16xf32>
    %mul3A_45 = vector.broadcast %get3A_43 : vector<1x16xf32> to vector<2560x16xf32>
    %mul3A_46 = arith.mulf %mul3A_44, %mul3A_45 : vector<2560x16xf32>
    %add3A_47 = arith.addf %div3A_40, %mul3A_46 : vector<2560x16xf32>
    %get3A_48 = arith.constant 0 : index
    %get3A_49 = arith.constant 0 : index
    %get3A_50 = vector.load %arg7[%get3A_48, %get3A_49] : memref<1x16xf32, #tpu.memory_space<vmem>>, vector<1x16xf32>
    %add3A_51 = vector.broadcast %get3A_50 : vector<1x16xf32> to vector<2560x16xf32>
    %add3A_52 = arith.addf %add3A_47, %add3A_51 : vector<2560x16xf32>
    %get3A_53 = arith.constant 0 : index
    %get3A_54 = arith.constant 0 : index
    %get3A_55 = vector.load %arg5[%get3A_53, %get3A_54] : memref<16x128xf32, #tpu.memory_space<vmem>>, vector<16x128xf32>
    %dot_general3A = arith.constant dense<0.000000e+00> : vector<2560x128xf32>
    %dot_general3A_56 = tpu.matmul %add3A_52, %get3A_55, %dot_general3A {dimension_numbers = #tpu.dot_dimension_numbers<[1], [0], [0], [1], [0, 0, 1, 1], [], []>, transpose_lhs_hint = false} : vector<2560x16xf32>, vector<16x128xf32>, vector<2560x128xf32> -> vector<2560x128xf32>
    %get3A_57 = arith.constant 0 : index
    %get3A_58 = arith.constant 0 : index
    %get3A_59 = vector.load %arg1[%get3A_57, %get3A_58] : memref<2560x128xf32, #tpu.memory_space<vmem>>, vector<2560x128xf32>
    %get3A_60 = arith.constant 0 : index
    %get3A_61 = arith.constant 0 : index
    %get3A_62 = vector.load %arg2[%get3A_60, %get3A_61] : memref<2560x128xf32, #tpu.memory_space<vmem>>, vector<2560x128xf32>
    %add3A_63 = arith.addf %get3A_59, %get3A_62 : vector<2560x128xf32>
    %add3A_64 = arith.addf %add3A_63, %dot_general3A_56 : vector<2560x128xf32>
    %logistic3A = arith.negf %add3A_64 : vector<2560x128xf32>
    %logistic3A_65 = math.exp %logistic3A : vector<2560x128xf32>
    %logistic3A_66 = arith.constant 1.000000e+00 : f32
    %logistic3A_67 = vector.broadcast %logistic3A_66 : f32 to vector<2560x128xf32>
    %logistic3A_68 = arith.addf %logistic3A_67, %logistic3A_65 : vector<2560x128xf32>
    %logistic3A_69 = arith.divf %logistic3A_67, %logistic3A_68 : vector<2560x128xf32>
    %mul3A_70 = arith.mulf %add3A_64, %logistic3A_69 : vector<2560x128xf32>
    %get3A_71 = arith.constant 0 : index
    %get3A_72 = arith.constant 0 : index
    %get3A_73 = vector.load %arg8[%get3A_71, %get3A_72] : memref<128x128xf32, #tpu.memory_space<vmem>>, vector<128x128xf32>
    %dot_general3A_74 = arith.constant dense<0.000000e+00> : vector<2560x128xf32>
    %dot_general3A_75 = tpu.matmul %mul3A_70, %get3A_73, %dot_general3A_74 {dimension_numbers = #tpu.dot_dimension_numbers<[1], [0], [0], [1], [0, 0, 1, 1], [], []>, transpose_lhs_hint = false} : vector<2560x128xf32>, vector<128x128xf32>, vector<2560x128xf32> -> vector<2560x128xf32>
    %get3A_76 = arith.constant 0 : index
    %get3A_77 = arith.constant 0 : index
    %get3A_78 = vector.load %arg9[%get3A_76, %get3A_77] : memref<1x128xf32, #tpu.memory_space<vmem>>, vector<1x128xf32>
    %add3A_79 = vector.broadcast %get3A_78 : vector<1x128xf32> to vector<2560x128xf32>
    %add3A_80 = arith.addf %dot_general3A_75, %add3A_79 : vector<2560x128xf32>
    %get3A_81 = arith.constant 0 : index
    %get3A_82 = arith.constant 0 : index
    %get3A_83 = vector.load %arg10[%get3A_81, %get3A_82] : memref<128x256xf32, #tpu.memory_space<vmem>>, vector<128x256xf32>
    %dot_general3A_84 = arith.constant dense<0.000000e+00> : vector<2560x256xf32>
    %dot_general3A_85 = tpu.matmul %add3A_80, %get3A_83, %dot_general3A_84 {dimension_numbers = #tpu.dot_dimension_numbers<[1], [0], [0], [1], [0, 0, 1, 1], [], []>, transpose_lhs_hint = false} : vector<2560x128xf32>, vector<128x256xf32>, vector<2560x256xf32> -> vector<2560x256xf32>
    %get3A_86 = arith.constant 0 : index
    %get3A_87 = arith.constant 0 : index
    %get3A_88 = vector.load %arg11[%get3A_86, %get3A_87] : memref<1x256xf32, #tpu.memory_space<vmem>>, vector<1x256xf32>
    %add3A_89 = vector.broadcast %get3A_88 : vector<1x256xf32> to vector<2560x256xf32>
    %add3A_90 = arith.addf %dot_general3A_85, %add3A_89 : vector<2560x256xf32>
    %logistic3A_91 = arith.negf %add3A_90 : vector<2560x256xf32>
    %logistic3A_92 = math.exp %logistic3A_91 : vector<2560x256xf32>
    %logistic3A_93 = arith.constant 1.000000e+00 : f32
    %logistic3A_94 = vector.broadcast %logistic3A_93 : f32 to vector<2560x256xf32>
    %logistic3A_95 = arith.addf %logistic3A_94, %logistic3A_92 : vector<2560x256xf32>
    %logistic3A_96 = arith.divf %logistic3A_94, %logistic3A_95 : vector<2560x256xf32>
    %mul3A_97 = arith.mulf %add3A_90, %logistic3A_96 : vector<2560x256xf32>
    %get3A_98 = arith.constant 0 : index
    %get3A_99 = arith.constant 0 : index
    %get3A_100 = vector.load %arg12[%get3A_98, %get3A_99] : memref<256x128xf32, #tpu.memory_space<vmem>>, vector<256x128xf32>
    %dot_general3A_101 = arith.constant dense<0.000000e+00> : vector<2560x128xf32>
    %dot_general3A_102 = tpu.matmul %mul3A_97, %get3A_100, %dot_general3A_101 {dimension_numbers = #tpu.dot_dimension_numbers<[1], [0], [0], [1], [0, 0, 1, 1], [], []>, transpose_lhs_hint = false} : vector<2560x256xf32>, vector<256x128xf32>, vector<2560x128xf32> -> vector<2560x128xf32>
    %get3A_103 = arith.constant 0 : index
    %get3A_104 = arith.constant 0 : index
    %get3A_105 = vector.load %arg13[%get3A_103, %get3A_104] : memref<1x128xf32, #tpu.memory_space<vmem>>, vector<1x128xf32>
    %add3A_106 = vector.broadcast %get3A_105 : vector<1x128xf32> to vector<2560x128xf32>
    %add3A_107 = arith.addf %dot_general3A_102, %add3A_106 : vector<2560x128xf32>
    %slice3A = vector.extract_strided_slice %add3A_107 {offsets = [0, 0], sizes = [2560, 1], strides = [1, 1]} : vector<2560x128xf32> to vector<2560x1xf32>
    %logistic3A_108 = arith.negf %slice3A : vector<2560x1xf32>
    %logistic3A_109 = math.exp %logistic3A_108 : vector<2560x1xf32>
    %logistic3A_110 = arith.constant 1.000000e+00 : f32
    %logistic3A_111 = vector.broadcast %logistic3A_110 : f32 to vector<2560x1xf32>
    %logistic3A_112 = arith.addf %logistic3A_111, %logistic3A_109 : vector<2560x1xf32>
    %logistic3A_113 = arith.divf %logistic3A_111, %logistic3A_112 : vector<2560x1xf32>
    %slice3A_114 = vector.extract_strided_slice %add3A_107 {offsets = [0, 1], sizes = [2560, 1], strides = [1, 1]} : vector<2560x128xf32> to vector<2560x1xf32>
    %mul3A_115 = vector.broadcast %logistic3A_113 : vector<2560x1xf32> to vector<2560x128xf32>
    %mul3A_116 = arith.mulf %add3A_80, %mul3A_115 : vector<2560x128xf32>
    %swap3A = arith.constant 0 : index
    %swap3A_117 = arith.constant 0 : index
    %swap3A_118 = vector.load %arg14[%swap3A, %swap3A_117] : memref<2560x128xf32, #tpu.memory_space<vmem>>, vector<2560x128xf32>
    tpu.vector_store %arg14[%swap3A, %swap3A_117], %mul3A_116 {strides = array<i32>} : memref<2560x128xf32, #tpu.memory_space<vmem>>, vector<2560x128xf32>,
    %get3A_119 = arith.constant 0 : index
    %get3A_120 = arith.constant 0 : index
    %get3A_121 = vector.load %arg3[%get3A_119, %get3A_120] : memref<2560x4xf32, #tpu.memory_space<vmem>>, vector<2560x4xf32>
    %add3A_122 = arith.constant 1.000000e+00 : f32
    %add3A_123 = vector.broadcast %add3A_122 : f32 to vector<2560x1xf32>
    %add3A_124 = arith.addf %sqrt3A, %add3A_123 : vector<2560x1xf32>
    %div3A_125 = arith.divf %slice3A_114, %add3A_124 : vector<2560x1xf32>
    %mul3A_126 = vector.broadcast %div3A_125 : vector<2560x1xf32> to vector<2560x4xf32>
    %mul3A_127 = arith.mulf %get3A_121, %mul3A_126 : vector<2560x4xf32>
    %swap3A_128 = arith.constant 0 : index
    %swap3A_129 = arith.constant 0 : index
    %swap3A_130 = vector.load %arg15[%swap3A_128, %swap3A_129] : memref<2560x4xf32, #tpu.memory_space<vmem>>, vector<2560x4xf32>
    tpu.vector_store %arg15[%swap3A_128, %swap3A_129], %mul3A_127 {strides = array<i32>} : memref<2560x4xf32, #tpu.memory_space<vmem>>, vector<2560x4xf32>,
    %swap3A_131 = arith.constant 0 : index
    %swap3A_132 = arith.constant 0 : index
    %swap3A_133 = vector.load %arg16[%swap3A_131, %swap3A_132] : memref<2560x1xf32, #tpu.memory_space<vmem>>, vector<2560x1xf32>
    tpu.vector_store %arg16[%swap3A_131, %swap3A_132], %logistic3A_113 {strides = array<i32>} : memref<2560x1xf32, #tpu.memory_space<vmem>>, vector<2560x1xf32>,
    return
  }
  func.func @transform_0(%arg0: i32) -> (i32, i32) {
    %c0_i32 = arith.constant 0 : i32
    %c0_i32_0 = arith.constant 0 : i32
    return %arg0, %c0_i32 : i32, i32
  }
  func.func @transform_1(%arg0: i32) -> (i32, i32) {
    %c0_i32 = arith.constant 0 : i32
    %c0_i32_0 = arith.constant 0 : i32
    return %arg0, %c0_i32 : i32, i32
  }
  func.func @transform_2(%arg0: i32) -> (i32, i32) {
    %c0_i32 = arith.constant 0 : i32
    %c0_i32_0 = arith.constant 0 : i32
    return %arg0, %c0_i32 : i32, i32
  }
  func.func @transform_3(%arg0: i32) -> (i32, i32) {
    %c0_i32 = arith.constant 0 : i32
    %c0_i32_0 = arith.constant 0 : i32
    %c0_i32_1 = arith.constant 0 : i32
    return %c0_i32, %c0_i32_0 : i32, i32
  }
  func.func @transform_4(%arg0: i32) -> (i32, i32) {
    %c0_i32 = arith.constant 0 : i32
    %c0_i32_0 = arith.constant 0 : i32
    %c0_i32_1 = arith.constant 0 : i32
    return %c0_i32, %c0_i32_0 : i32, i32
  }
  func.func @transform_5(%arg0: i32) -> (i32, i32) {
    %c0_i32 = arith.constant 0 : i32
    %c0_i32_0 = arith.constant 0 : i32
    %c0_i32_1 = arith.constant 0 : i32
    return %c0_i32, %c0_i32_0 : i32, i32
  }
  func.func @transform_6(%arg0: i32) -> (i32, i32) {
    %c0_i32 = arith.constant 0 : i32
    %c0_i32_0 = arith.constant 0 : i32
    %c0_i32_1 = arith.constant 0 : i32
    return %c0_i32, %c0_i32_0 : i32, i32
  }
  func.func @transform_7(%arg0: i32) -> (i32, i32) {
    %c0_i32 = arith.constant 0 : i32
    %c0_i32_0 = arith.constant 0 : i32
    %c0_i32_1 = arith.constant 0 : i32
    return %c0_i32, %c0_i32_0 : i32, i32
  }
  func.func @transform_8(%arg0: i32) -> (i32, i32) {
    %c0_i32 = arith.constant 0 : i32
    %c0_i32_0 = arith.constant 0 : i32
    %c0_i32_1 = arith.constant 0 : i32
    return %c0_i32, %c0_i32_0 : i32, i32
  }
  func.func @transform_9(%arg0: i32) -> (i32, i32) {
    %c0_i32 = arith.constant 0 : i32
    %c0_i32_0 = arith.constant 0 : i32
    %c0_i32_1 = arith.constant 0 : i32
    return %c0_i32, %c0_i32_0 : i32, i32
  }
  func.func @transform_10(%arg0: i32) -> (i32, i32) {
    %c0_i32 = arith.constant 0 : i32
    %c0_i32_0 = arith.constant 0 : i32
    %c0_i32_1 = arith.constant 0 : i32
    return %c0_i32, %c0_i32_0 : i32, i32
  }
  func.func @transform_11(%arg0: i32) -> (i32, i32) {
    %c0_i32 = arith.constant 0 : i32
    %c0_i32_0 = arith.constant 0 : i32
    %c0_i32_1 = arith.constant 0 : i32
    return %c0_i32, %c0_i32_0 : i32, i32
  }
  func.func @transform_12(%arg0: i32) -> (i32, i32) {
    %c0_i32 = arith.constant 0 : i32
    %c0_i32_0 = arith.constant 0 : i32
    %c0_i32_1 = arith.constant 0 : i32
    return %c0_i32, %c0_i32_0 : i32, i32
  }
  func.func @transform_13(%arg0: i32) -> (i32, i32) {
    %c0_i32 = arith.constant 0 : i32
    %c0_i32_0 = arith.constant 0 : i32
    return %arg0, %c0_i32 : i32, i32
  }
  func.func @transform_14(%arg0: i32) -> (i32, i32) {
    %c0_i32 = arith.constant 0 : i32
    %c0_i32_0 = arith.constant 0 : i32
    return %arg0, %c0_i32 : i32, i32
  }
  func.func @transform_15(%arg0: i32) -> (i32, i32) {
    %c0_i32 = arith.constant 0 : i32
    %c0_i32_0 = arith.constant 0 : i32
    return %arg0, %c0_i32 : i32, i32
  }
}

module attributes {stable_mosaic.version = 14 : i64} {
  func.func @body(%arg0: i32, %arg1: memref<32x40000xf32, #tpu.memory_space<vmem>>, %arg2: memref<1x40000xf32, #tpu.memory_space<vmem>>) attributes {dimension_semantics = [#tpu.dimension_semantics<arbitrary>], iteration_bounds = array<i64: 1>, scalar_prefetch = 0 : i64, scratch_operands = 0 : i64, tpu.core_type = #tpu.core_type<tc>, window_params = [{pipeline_mode = #tpu.pipeline_mode<synchronous>, transform_indices = @transform_0, window_bounds = array<i64: 32, 40000>}, {pipeline_mode = #tpu.pipeline_mode<synchronous>, transform_indices = @transform_1, window_bounds = array<i64: 1, 40000>}]} {
    %get3A = arith.constant 0 : index
    %get3A_0 = arith.constant 0 : index
    %get3A_1 = vector.load %arg1[%get3A, %get3A_0] : memref<32x40000xf32, #tpu.memory_space<vmem>>, vector<32x40000xf32>
    %reduce_sum3A = arith.constant dense<0.000000e+00> : vector<40000xf32>
    %reduce_sum3A_2 = vector.multi_reduction <add>, %get3A_1, %reduce_sum3A [0] : vector<32x40000xf32> to vector<40000xf32>
    %broadcast_in_dim3A = vector.shape_cast %reduce_sum3A_2 : vector<40000xf32> to vector<1x40000xf32>
    %swap3A = arith.constant 0 : index
    %swap3A_3 = arith.constant 0 : index
    %swap3A_4 = vector.load %arg2[%swap3A, %swap3A_3] : memref<1x40000xf32, #tpu.memory_space<vmem>>, vector<1x40000xf32>
    tpu.vector_store %arg2[%swap3A, %swap3A_3], %broadcast_in_dim3A {strides = array<i32>} : memref<1x40000xf32, #tpu.memory_space<vmem>>, vector<1x40000xf32>,
    return
  }
  func.func @transform_0(%arg0: i32) -> (i32, i32) {
    %c0_i32 = arith.constant 0 : i32
    %c0_i32_0 = arith.constant 0 : i32
    %c0_i32_1 = arith.constant 0 : i32
    return %c0_i32, %c0_i32_0 : i32, i32
  }
  func.func @transform_1(%arg0: i32) -> (i32, i32) {
    %c0_i32 = arith.constant 0 : i32
    %c0_i32_0 = arith.constant 0 : i32
    %c0_i32_1 = arith.constant 0 : i32
    return %c0_i32, %c0_i32_0 : i32, i32
  }
}

module attributes {stable_mosaic.version = 14 : i64} {
  func.func @body(%arg0: i32, %arg1: memref<1000x128xf32, #tpu.memory_space<vmem>>, %arg2: memref<1000x3xf32, #tpu.memory_space<vmem>>, %arg3: memref<1000x128xf32, #tpu.memory_space<vmem>>, %arg4: memref<1000x128xf32, #tpu.memory_space<vmem>>, %arg5: memref<1000x4xf32, #tpu.memory_space<vmem>>, %arg6: memref<128x128xf32, #tpu.memory_space<vmem>>, %arg7: memref<128x128xf32, #tpu.memory_space<vmem>>, %arg8: memref<1x128xf32, #tpu.memory_space<vmem>>, %arg9: memref<128x128xf32, #tpu.memory_space<vmem>>, %arg10: memref<1x128xf32, #tpu.memory_space<vmem>>, %arg11: memref<1000x128xf32, #tpu.memory_space<vmem>>, %arg12: memref<1000x3xf32, #tpu.memory_space<vmem>>) attributes {dimension_semantics = [#tpu.dimension_semantics<arbitrary>], iteration_bounds = array<i64: 10>, scalar_prefetch = 0 : i64, scratch_operands = 0 : i64, tpu.core_type = #tpu.core_type<tc>, window_params = [{transform_indices = @transform_0, window_bounds = array<i64: 1000, 128>}, {transform_indices = @transform_1, window_bounds = array<i64: 1000, 3>}, {transform_indices = @transform_2, window_bounds = array<i64: 1000, 128>}, {transform_indices = @transform_3, window_bounds = array<i64: 1000, 128>}, {transform_indices = @transform_4, window_bounds = array<i64: 1000, 4>}, {pipeline_mode = #tpu.pipeline_mode<synchronous>, transform_indices = @transform_5, window_bounds = array<i64: 128, 128>}, {pipeline_mode = #tpu.pipeline_mode<synchronous>, transform_indices = @transform_6, window_bounds = array<i64: 128, 128>}, {pipeline_mode = #tpu.pipeline_mode<synchronous>, transform_indices = @transform_7, window_bounds = array<i64: 1, 128>}, {pipeline_mode = #tpu.pipeline_mode<synchronous>, transform_indices = @transform_8, window_bounds = array<i64: 128, 128>}, {pipeline_mode = #tpu.pipeline_mode<synchronous>, transform_indices = @transform_9, window_bounds = array<i64: 1, 128>}, {transform_indices = @transform_10, window_bounds = array<i64: 1000, 128>}, {transform_indices = @transform_11, window_bounds = array<i64: 1000, 3>}]} {
    %get3A = arith.constant 0 : index
    %get3A_0 = arith.constant 0 : index
    %get3A_1 = vector.load %arg3[%get3A, %get3A_0] : memref<1000x128xf32, #tpu.memory_space<vmem>>, vector<1000x128xf32>
    %get3A_2 = arith.constant 0 : index
    %get3A_3 = arith.constant 0 : index
    %get3A_4 = vector.load %arg4[%get3A_2, %get3A_3] : memref<1000x128xf32, #tpu.memory_space<vmem>>, vector<1000x128xf32>
    %add3A = arith.addf %get3A_1, %get3A_4 : vector<1000x128xf32>
    %get3A_5 = arith.constant 0 : index
    %get3A_6 = arith.constant 0 : index
    %get3A_7 = vector.load %arg5[%get3A_5, %get3A_6] : memref<1000x4xf32, #tpu.memory_space<vmem>>, vector<1000x3xf32>
    %get3A_8 = arith.constant 0 : index
    %get3A_9 = arith.constant 0 : index
    %get3A_10 = vector.load %arg1[%get3A_8, %get3A_9] : memref<1000x128xf32, #tpu.memory_space<vmem>>, vector<1000x128xf32>
    %get3A_11 = arith.constant 0 : index
    %get3A_12 = arith.constant 0 : index
    %get3A_13 = vector.load %arg6[%get3A_11, %get3A_12] : memref<128x128xf32, #tpu.memory_space<vmem>>, vector<128x128xf32>
    %dot_general3A = arith.constant dense<0.000000e+00> : vector<1000x128xf32>
    %dot_general3A_14 = tpu.matmul %get3A_10, %get3A_13, %dot_general3A {dimension_numbers = #tpu.dot_dimension_numbers<[1], [0], [0], [1], [0, 0, 1, 1], [], []>, transpose_lhs_hint = false} : vector<1000x128xf32>, vector<128x128xf32>, vector<1000x128xf32> -> vector<1000x128xf32>
    %get3A_15 = arith.constant 0 : index
    %get3A_16 = arith.constant 0 : index
    %get3A_17 = vector.load %arg7[%get3A_15, %get3A_16] : memref<128x128xf32, #tpu.memory_space<vmem>>, vector<128x128xf32>
    %dot_general3A_18 = arith.constant dense<0.000000e+00> : vector<1000x128xf32>
    %dot_general3A_19 = tpu.matmul %add3A, %get3A_17, %dot_general3A_18 {dimension_numbers = #tpu.dot_dimension_numbers<[1], [0], [0], [1], [0, 0, 1, 1], [], []>, transpose_lhs_hint = false} : vector<1000x128xf32>, vector<128x128xf32>, vector<1000x128xf32> -> vector<1000x128xf32>
    %add3A_20 = arith.addf %dot_general3A_14, %dot_general3A_19 : vector<1000x128xf32>
    %get3A_21 = arith.constant 0 : index
    %get3A_22 = arith.constant 0 : index
    %get3A_23 = vector.load %arg8[%get3A_21, %get3A_22] : memref<1x128xf32, #tpu.memory_space<vmem>>, vector<1x128xf32>
    %add3A_24 = vector.broadcast %get3A_23 : vector<1x128xf32> to vector<1000x128xf32>
    %add3A_25 = arith.addf %add3A_20, %add3A_24 : vector<1000x128xf32>
    %logistic3A = arith.negf %add3A_25 : vector<1000x128xf32>
    %logistic3A_26 = math.exp %logistic3A : vector<1000x128xf32>
    %logistic3A_27 = arith.constant 1.000000e+00 : f32
    %logistic3A_28 = vector.broadcast %logistic3A_27 : f32 to vector<1000x128xf32>
    %logistic3A_29 = arith.addf %logistic3A_28, %logistic3A_26 : vector<1000x128xf32>
    %logistic3A_30 = arith.divf %logistic3A_28, %logistic3A_29 : vector<1000x128xf32>
    %mul3A = arith.mulf %add3A_25, %logistic3A_30 : vector<1000x128xf32>
    %get3A_31 = arith.constant 0 : index
    %get3A_32 = arith.constant 0 : index
    %get3A_33 = vector.load %arg9[%get3A_31, %get3A_32] : memref<128x128xf32, #tpu.memory_space<vmem>>, vector<128x128xf32>
    %dot_general3A_34 = arith.constant dense<0.000000e+00> : vector<1000x128xf32>
    %dot_general3A_35 = tpu.matmul %mul3A, %get3A_33, %dot_general3A_34 {dimension_numbers = #tpu.dot_dimension_numbers<[1], [0], [0], [1], [0, 0, 1, 1], [], []>, transpose_lhs_hint = false} : vector<1000x128xf32>, vector<128x128xf32>, vector<1000x128xf32> -> vector<1000x128xf32>
    %get3A_36 = arith.constant 0 : index
    %get3A_37 = arith.constant 0 : index
    %get3A_38 = vector.load %arg10[%get3A_36, %get3A_37] : memref<1x128xf32, #tpu.memory_space<vmem>>, vector<1x128xf32>
    %add3A_39 = vector.broadcast %get3A_38 : vector<1x128xf32> to vector<1000x128xf32>
    %add3A_40 = arith.addf %dot_general3A_35, %add3A_39 : vector<1000x128xf32>
    %add3A_41 = arith.addf %add3A_40, %get3A_10 : vector<1000x128xf32>
    %swap3A = arith.constant 0 : index
    %swap3A_42 = arith.constant 0 : index
    %swap3A_43 = vector.load %arg11[%swap3A, %swap3A_42] : memref<1000x128xf32, #tpu.memory_space<vmem>>, vector<1000x128xf32>
    tpu.vector_store %arg11[%swap3A, %swap3A_42], %add3A_41 {strides = array<i32>} : memref<1000x128xf32, #tpu.memory_space<vmem>>, vector<1000x128xf32>,
    %get3A_44 = arith.constant 0 : index
    %get3A_45 = arith.constant 0 : index
    %get3A_46 = vector.load %arg2[%get3A_44, %get3A_45] : memref<1000x3xf32, #tpu.memory_space<vmem>>, vector<1000x3xf32>
    %add3A_47 = arith.addf %get3A_46, %get3A_7 : vector<1000x3xf32>
    %swap3A_48 = arith.constant 0 : index
    %swap3A_49 = arith.constant 0 : index
    %swap3A_50 = vector.load %arg12[%swap3A_48, %swap3A_49] : memref<1000x3xf32, #tpu.memory_space<vmem>>, vector<1000x3xf32>
    tpu.vector_store %arg12[%swap3A_48, %swap3A_49], %add3A_47 {strides = array<i32>} : memref<1000x3xf32, #tpu.memory_space<vmem>>, vector<1000x3xf32>,
    return
  }
  func.func @transform_0(%arg0: i32) -> (i32, i32) {
    %c0_i32 = arith.constant 0 : i32
    %c0_i32_0 = arith.constant 0 : i32
    return %arg0, %c0_i32 : i32, i32
  }
  func.func @transform_1(%arg0: i32) -> (i32, i32) {
    %c0_i32 = arith.constant 0 : i32
    %c0_i32_0 = arith.constant 0 : i32
    return %arg0, %c0_i32 : i32, i32
  }
  func.func @transform_2(%arg0: i32) -> (i32, i32) {
    %c0_i32 = arith.constant 0 : i32
    %c0_i32_0 = arith.constant 0 : i32
    return %arg0, %c0_i32 : i32, i32
  }
  func.func @transform_3(%arg0: i32) -> (i32, i32) {
    %c0_i32 = arith.constant 0 : i32
    %c0_i32_0 = arith.constant 0 : i32
    return %arg0, %c0_i32 : i32, i32
  }
  func.func @transform_4(%arg0: i32) -> (i32, i32) {
    %c0_i32 = arith.constant 0 : i32
    %c0_i32_0 = arith.constant 0 : i32
    return %arg0, %c0_i32 : i32, i32
  }
  func.func @transform_5(%arg0: i32) -> (i32, i32) {
    %c0_i32 = arith.constant 0 : i32
    %c0_i32_0 = arith.constant 0 : i32
    %c0_i32_1 = arith.constant 0 : i32
    return %c0_i32, %c0_i32_0 : i32, i32
  }
  func.func @transform_6(%arg0: i32) -> (i32, i32) {
    %c0_i32 = arith.constant 0 : i32
    %c0_i32_0 = arith.constant 0 : i32
    %c0_i32_1 = arith.constant 0 : i32
    return %c0_i32, %c0_i32_0 : i32, i32
  }
  func.func @transform_7(%arg0: i32) -> (i32, i32) {
    %c0_i32 = arith.constant 0 : i32
    %c0_i32_0 = arith.constant 0 : i32
    %c0_i32_1 = arith.constant 0 : i32
    return %c0_i32, %c0_i32_0 : i32, i32
  }
  func.func @transform_8(%arg0: i32) -> (i32, i32) {
    %c0_i32 = arith.constant 0 : i32
    %c0_i32_0 = arith.constant 0 : i32
    %c0_i32_1 = arith.constant 0 : i32
    return %c0_i32, %c0_i32_0 : i32, i32
  }
  func.func @transform_9(%arg0: i32) -> (i32, i32) {
    %c0_i32 = arith.constant 0 : i32
    %c0_i32_0 = arith.constant 0 : i32
    %c0_i32_1 = arith.constant 0 : i32
    return %c0_i32, %c0_i32_0 : i32, i32
  }
  func.func @transform_10(%arg0: i32) -> (i32, i32) {
    %c0_i32 = arith.constant 0 : i32
    %c0_i32_0 = arith.constant 0 : i32
    return %arg0, %c0_i32 : i32, i32
  }
  func.func @transform_11(%arg0: i32) -> (i32, i32) {
    %c0_i32 = arith.constant 0 : i32
    %c0_i32_0 = arith.constant 0 : i32
    return %arg0, %c0_i32 : i32, i32
  }
}

</mosaic_0001>

<sc_bundles>
// kernel: kernel.10.cloned.1.call-start
scs
__scs_entry_jumppad:
0x0: {  	(pc) =	sbr.rel $0x88, $3  }
0x1: {  	(tag) =	ssettag $0x0;
	lr =	simm.s32 $0x1  }
0x2: {  	[smem:$0x3F8C] =	sst lr;
	_ =	strace $0xD0000000  }
0x3: {  	_ = 	snop  }
0x4: {  	_ = 	snop  }
0x5: {  	_ = 	snop  }
0x6: {  	_ = 	snop  }
0x7: {  	_ = 	snop  }
__scs_overlays_trampoline_lowered:
0x8: {  	[smem:$0x3F9B] =	sst s0  }
0x9: {  	[smem:$0x3F9C] =	sst s1  }
0xa: {  	[smem:$0x3F9D] =	sst s2  }
0xb: {  	[smem:$0x3F9E] =	sst s3  }
0xc: {  	[smem:$0x3F9F] =	sst s4  }
0xd: {  	[smem:$0x3FA0] =	sst s5  }
0xe: {  	[smem:$0x3FA1] =	sst s6  }
0xf: {  	[smem:$0x3FA2] =	sst s7  }
0x10: {  	[smem:$0x3FA3] =	sst s8  }
0x11: {  	[smem:$0x3FA4] =	sst s9;
	s0 =	simm.s32 @!p0 $0x0  }
0x12: {  	s1 =	sld [smem:$0x3F8A];
	s0 =	simm.s32 @p0 $0x1  }
0x13: {  	[smem:$0x3FA5] =	sst s0;
	s0 =	simm.s32 @!p1 $0x0  }
0x14: {  	s2 =	sld [smem:$0x3F89];
	s0 =	simm.s32 @p1 $0x1  }
0x15: {  	[smem:$0x3FA6] =	sst s0;
	s0 =	simm.s32 @!p2 $0x0  }
0x16: {  	s3 =	sld [smem:$0x3FDB];
	s0 =	simm.s32 @p2 $0x1  }
0x17: {  	s4 =	simm.s32 $0x1BF5;
	[smem:$0x3FA8] =	sst s0  }
0x18: {  	s0 =	sld [smem:$0x3F8B];
	_ =	swait.ge [sflag:s4], $0x0  }
0x19: {  	s7 =	sld [smem:$0x3F8C]  }
0x1a: {  	s8 =	sadd.s32 $0xFFFFE003, lr  }
0x1b: {  	s9 =	sadd.s32 $0xFFFFFEF7, lr;
	s5 =	simm.s32 $0xFFFFFFFF;
	p2 =	slt.u32 s8, $0xFFFFF086  }
0x1c: {  	p1 =	slt.u32 s9, $0xF7A;
	s5 =	simm.s32 @!p2 $0x0  }
0x1d: {  	s5 =	simm.s32 @p1 $0x1;
	p0 =	seq.s32 s7, s2  }
0x1e: {  	s7 =	smul.u32 @!p0 $0xF7A, s2;
	p2 =	seq.s32 @!p0 s5, $0x0  }
0x1f: {  	s9 =	smul.u32 $0xF7A, s1;
	s8 =	simm.s32 @!p0 $0x1BF5;
	p2 =	por !p2, p0  }
0x20: {  	[sflag:s8] =	ssyncset.s32 @!p0 $0xFFFFF086;
	s6 =	sadd.s32 @!p0 s3, s7;
	s7 =	simm.s32 @!p0 $0x108  }
0x21: {  	s3 =	sadd.s32 s3, s9;
	s6 =	sadd.s32 @!p0 $0x88, s6;
	s7 =	simm.s32 @p2 $0x1082  }
0x22: {  	[simem:s7], [sflag:s8] =	dma.local @!p0 [hbm:s6], $0xF7A  }
0x23: {  	s9 =	sor.u32 $0xD0000000, s2;
	s6 =	simm.s32 $0x108;
	_ =	swait.ge @!p0 [sflag:s8], $0x0  }
0x24: {  	s3 =	sadd.s32 $0x88, s3;
	s6 =	simm.s32 @!p1 $0x1082;
	[sflag:s4] =	ssyncset.s32 $0xFFFFF086  }
0x25: {  	[simem:s6], [sflag:s4] =	dma.local [hbm:s3], $0xF7A  }
0x26: {  	[smem:$0x3F8C] =	sst s1;
	(tag) =	ssettag s2;
	_ =	strace s9  }
0x27: {  	s1 =	sld [smem:$0x3F9C]  }
0x28: {  	s2 =	sld [smem:$0x3F9D]  }
0x29: {  	s4 =	sld [smem:$0x3F9F]  }
0x2a: {  	p0 =	seq.s32 s5, $0x0;
	s5 =	sld [smem:$0x3FA0]  }
0x2b: {  	s6 =	sld [smem:$0x3FA1]  }
0x2c: {  	s7 =	sld [smem:$0x3FA2]  }
0x2d: {  	s3 =	simm.s32 $0x108;
	s8 =	sld [smem:$0x3FA3]  }
0x2e: {  	s3 =	simm.s32 @!p0 $0x1082;
	s9 =	sld [smem:$0x3FA4]  }
0x2f: {  	lr =	sadd.s32 s0, s3;
	s0 =	sld [smem:$0x3F9B]  }
0x30: {  	s3 =	sld [smem:$0x3F9E]  }
0x31: {  	[smem:$0x3FA7] =	sst s10  }
0x32: {  	s10 =	sld [smem:$0x3FA5];
	_ =	sdelay $0x3  }
0x33: {  	p0 =	seq.s32 s10, $0x1;
	s10 =	sld [smem:$0x3FA7];
	_ =	sdelay $0x3  }
0x34: {  	[smem:$0x3FA7] =	sst s10  }
0x35: {  	s10 =	sld [smem:$0x3FA6];
	_ =	sdelay $0x3  }
0x36: {  	p1 =	seq.s32 s10, $0x1;
	s10 =	sld [smem:$0x3FA7];
	_ =	sdelay $0x3  }
0x37: {  	[smem:$0x3FA7] =	sst s10  }
0x38: {  	s10 =	sld [smem:$0x3FA8]  }
0x39: {  	_ = 	snop;
	(pc) =	sbr.ind lr, $3  }
0x3a: {  	_ = 	snop  }
0x3b: {  	_ = 	snop  }
0x3c: {  	p2 =	seq.s32 s10, $0x1;
	s10 =	sld [smem:$0x3FA7]  }
0x3d: {  	_ =	shalt  }
0x3e: {  	_ =	shalt  }
0x3f: {  	_ =	shalt  }
0x40: {  	_ =	shalt  }
0x41: {  	_ =	shalt  }
0x42: {  	_ =	shalt  }
0x43: {  	_ =	shalt  }
0x44: {  	_ =	shalt  }
0x45: {  	_ =	shalt  }
0x46: {  	_ =	shalt  }
0x47: {  	_ =	shalt  }
0x48: {  	_ =	shalt  }
0x49: {  	_ =	shalt  }
0x4a: {  	_ =	shalt  }
0x4b: {  	_ =	shalt  }
0x4c: {  	_ =	shalt  }
0x4d: {  	_ =	shalt  }
0x4e: {  	_ =	shalt  }
0x4f: {  	_ =	shalt  }
0x50: {  	_ =	shalt  }
0x51: {  	_ =	shalt  }
0x52: {  	_ =	shalt  }
0x53: {  	_ =	shalt  }
0x54: {  	_ =	shalt  }
0x55: {  	_ =	shalt  }
0x56: {  	_ =	shalt  }
0x57: {  	_ =	shalt  }
0x58: {  	_ =	shalt  }
0x59: {  	_ =	shalt  }
0x5a: {  	_ =	shalt  }
0x5b: {  	_ =	shalt  }
0x5c: {  	_ =	shalt  }
0x5d: {  	_ =	shalt  }
0x5e: {  	_ =	shalt  }
0x5f: {  	_ =	shalt  }
0x60: {  	_ =	shalt  }
0x61: {  	_ =	shalt  }
0x62: {  	_ =	shalt  }
0x63: {  	_ =	shalt  }
0x64: {  	_ =	shalt  }
0x65: {  	_ =	shalt  }
0x66: {  	_ =	shalt  }
0x67: {  	_ =	shalt  }
0x68: {  	_ =	shalt  }
0x69: {  	_ =	shalt  }
0x6a: {  	_ =	shalt  }
0x6b: {  	_ =	shalt  }
0x6c: {  	_ =	shalt  }
0x6d: {  	_ =	shalt  }
0x6e: {  	_ =	shalt  }
0x6f: {  	_ =	shalt  }
0x70: {  	_ =	shalt  }
0x71: {  	_ =	shalt  }
0x72: {  	_ =	shalt  }
0x73: {  	_ =	shalt  }
0x74: {  	_ =	shalt  }
0x75: {  	_ =	shalt  }
0x76: {  	_ =	shalt  }
0x77: {  	_ =	shalt  }
0x78: {  	_ =	shalt  }
0x79: {  	_ =	shalt  }
0x7a: {  	_ =	shalt  }
0x7b: {  	_ =	shalt  }
0x7c: {  	_ =	shalt  }
0x7d: {  	_ =	shalt  }
0x7e: {  	_ =	shalt  }
0x7f: {  	_ =	shalt  }
0x80: {  	_ =	shalt  }
0x81: {  	_ =	shalt  }
0x82: {  	_ =	shalt  }
0x83: {  	_ =	shalt  }
0x84: {  	_ =	shalt  }
0x85: {  	_ =	shalt  }
0x86: {  	_ =	shalt  }
0x87: {  	_ =	shalt  }
.Lfunc_end0:
.L_simem_size_0:
called_computation_lowered:
.L_overlay_start_0:
0x88: {  	s2 =	sld [smem:$0x3FD9]  }
0x89: {  	s3 =	sld [smem:$0x3FFE];
	_ =	sdelay $0x1  }
0x8a: {  	s1 =	srdreg.scid  }
0x8b: {  	s0 =	sand.u32 $0x1, s1  }
0x8c: {  	s14 =	sshll.u32 s0, $0xA;
	s2 =	sadd.s32 s3, s2  }
0x8d: {  	s2 =	sadd.s32 s2, s14  }
0x8e: {  	[smem:$0x3FB3] =	sst s2  }
0x8f: {  	_ = 	snop  }
0x90: {  	s2 =	sld [smem:$0x3FD0];
	_ =	sdelay $0x2  }
0x91: {  	s15 =	simm.s32 $0xB;
	s4 =	simm.s32 $0x10  }
0x92: {  	[smem:s4], [sflag:s15] =	dma.local [hbm:s2], $0x1  }
0x93: {  	_ =	swait.eq [sflag:s15], $0x1  }
0x94: {  	[sflag:s15] =	ssyncset.done $0x0  }
0x95: {  	s16 =	sld [smem:$0x11];
	[sflag:s15] =	ssyncadd.s32 $0xFFFFFFFF  }
0x96: {  	s17 =	sld [smem:$0x12];
	(tm) =	ssettm $0x1  }
0x97: {  	s18 =	sld [smem:$0x3FFB];
	_ =	sdelay $0x3  }
0x98: {  	_ =	strace s18  }
0x99: {  	s4 =	sld [smem:$0x3FFC];
	_ =	sdelay $0x3  }
0x9a: {  	_ =	strace s4  }
0x9b: {  	s4 =	sld [smem:$0x3FFD];
	_ =	sdelay $0x3  }
0x9c: {  	_ =	strace s4  }
0x9d: {  	_ =	strace $0x8FFFFFFF  }
0x9e: {  	s19 =	sld [smem:$0x3FDB];
	_ =	sdelay $0x1  }
0x9f: {  	s5 =	simm.s32 $_scs_section_size  }
0xa0: {  	s6 =	simm.s32 $_size__tile_overlayer_lowered;
	s7 =	simm.s32 $_tile_overlayer_lowered  }
0xa1: {  	s22 =	simm.s32 $0x1BFF;
	s21 =	sshll.u32 s7, $0x1;
	s4 =	sadd.s32 s5, s19  }
0xa2: {  	s8 =	simm.s32 $0x0;
	s20 =	sshll.u32 s6, $0x1;
	s6 =	sadd.s32 s21, s4  }
0xa3: {  	[timem:s8], [sflag:s22] =	dma.local [hbm:s6], s20  }
0xa4: {  	_ =	swait.ge [sflag:s22], s20  }
0xa5: {  	s5 =	ssub.s32 $0x0, s20;
	[sflag:s22] =	ssyncset.done $0x0  }
0xa6: {  	[sflag:s22] =	ssyncadd.s32 s5;
	_ =	sdelay $0x1  }
0xa7: {  	s23 =	simm.s32 $0x1B8B  }
0xa8: {  	_ =	swait.ge [sflag:s23], $0x1  }
0xa9: {  	[sflag:s23] =	ssyncset.done $0x0  }
0xaa: {  	s25 =	simm.s32 $0x1B8E;
	s24 =	sld [smem:$0x3FFE];
	[sflag:s23] =	ssyncadd.s32 $0xFFFFFFFF  }
0xab: {  	s26 =	simm.s32 $execute0_lowered;
	[smem:$0x3FD2] =	sst s25  }
0xac: {  	s6 =	sshll.u32 s26, $0x1;
	_ =	strace $0x80000046;
	[dreg:$0x1] =	wrdreg $0xFFFFFFFF  }
0xad: {  	s28 =	simm.s32 $_size_execute0_lowered;
	s4 =	sadd.s32 s4, s6;
	[dreg:$0x0] =	wrdreg $0x0  }
0xae: {  	s6 =	sshll.u32 s28, $0x1;
	[dreg:$0x2] =	wrdreg s4  }
0xaf: {  	[dreg:$0x3] =	wrdreg s6  }
0xb0: {  	[dreg:$0x4] =	wrdreg $0xC0  }
0xb1: {  	_ =	task [dreg:s8], $0x5FFFF  }
0xb2: {  	[dreg:$0x1] =	wrdreg $0xFFFFFFFF  }
0xb3: {  	[dreg:$0x0] =	wrdreg $0x60  }
0xb4: {  	[dreg:$0x2] =	wrdreg s24  }
0xb5: {  	[dreg:$0x3] =	wrdreg s17  }
0xb6: {  	[dreg:$0x4] =	wrdreg s16  }
0xb7: {  	[dreg:$0x5] =	wrdreg $0x9  }
0xb8: {  	_ =	task.clear_ibuf [dreg:s8], $0x6FFFF;
	_ =	strace $0x90000046  }
0xb9: {  	s29 =	simm.s32 $0x9;
	_ =	strace $0x80000048  }
0xba: {  	_ =	swait.ge [sflag:s29], $0x1  }
0xbb: {  	[sflag:s29] =	ssyncadd.s32 $0xFFFFFFFF  }
0xbc: {  	_ =	strace $0x90000048  }
0xbd: {  	_ =	sfence  }
0xbe: {  	s30 =	sld [smem:$0x0];
	_ =	sdelay $0x2  }
0xbf: {  	s31 =	sshll.u32 s1, $0xD;
	s1 =	sshrl.u32 s1, $0x2  }
0xc0: {  	s3 =	sand.u32 $0x4000, s31;
	s1 =	sadd.s32 s1, s30  }
0xc1: {  	s0 =	sor.u32 s3, s0;
	s1 =	sshll.u32 s1, $0x11  }
0xc2: {  	s0 =	sor.u32 s1, s0  }
0xc3: {  	s0 =	sadd.s32 $0x8F2B, s0  }
0xc4: {  	[sflag:s0] =	ssyncadd.remote.s32 $0x1  }
0xc5: {  	_ =	sfence.sel $0xFFFF  }
0xc6: {  	[dreg:$0x0] =	wrdreg $0xFFFFFFFF;
	(pc) =	sbr.abs _section_cstart, $3  }
0xc7: {  	[dreg:$0x1] =	wrdreg $0xFFFFFFFF  }
0xc8: {  	_ =	task.clear_ibuf [dreg:s8], $0x2FFFF;
	_ =	strace $0x9FFFFFFF  }
0xc9: {  	(tm) =	ssettm $0x7FFFFFFF  }
tec
execute0_lowered:
.L_overlay_start_1:
0x0: {  	(tag) =	ssettag $0x1  }
0x1: {  	s6 =	rddreg [dreg:$0x0]  }
0x2: {  	s2 =	rddreg [dreg:$0x1]  }
0x3: {  	s0 =	srdreg.scid;
	s3 =	rddreg [dreg:$0x2]  }
0x4: {  	s4 =	simm.s32 $0x0;
	s11 =	simm.s32 $0x2780;
	s12 =	simm.s32 $0x4F00  }
0x5: {  	s13 =	simm.s32 $0x7680;
	s14 =	simm.s32 $0x9E00;
	s7 =	sand.u32 $0x1, s0  }
0x6: {  	s15 =	simm.s32 $0xC580;
	s0 =	stileid.u32;
	s1 =	sshll.u32 s7, $0x4  }
0x7: {  	s16 =	simm.s32 $0x0;
	[smem:$0x7FF] =	sst s4;
	s5 =	sor.u32 s0, s1  }
0x8: {  	s7 =	ssub.s32 $0x2, s7;
	s1 =	rddreg [dreg:$0x3];
	s8 =	smul.u32 $0x4E2, s5  }
0x9: {  	v0 =	vlaneseq.u32;
	_ =	strace $0x80000047;
	s31 =	sshrl.u32 s7, $0x1;
	s9 =	smul.u32 $0x1388, s5  }
0xa: {  	v0 =	vmul.u32 $0x4, v0;
	s5 =	sadd.s32 $0x15A00, s6;
	s10 =	ssub.s32 s7, s31;
	s8 =	sadd.s32 s8, s6  }
0xb: {  	s9 =	sadd.s32 s9, s6;
	s6 =	sadd.s32 $0xBC00, s8;
	s7 =	sadd.s32 $0x1E00, s8  }
0xc: {  	v1 =	vor.u32 $0x1, v0;
	v2 =	vor.u32 $0x2, v0;
	s8 =	sadd.s32 $0x16000, s9;
	s9 =	smax.u32 s10, $0x1;
	s10 =	simm.s32 $0x1  }
.LBB2_1:
0xd: {  	[tilespmem:s4], [sflag:$0x1] =	stream.linear.gather [hbm4b:s5+s4], $0x2780, $0x38;
	[tilespmem:$0x16200] =	vst v63  }
0xe: {  	_ =	swait.ge [sflag:s10], $0x2780  }
0xf: {  	[sflag:s10] =	ssyncset.done $0x0  }
0x10: {  	[sflag:s10] =	ssyncadd.s32 $0xFFFFD880  }
0x11: {  	[tilespmem:s11], [sflag:$0x1] =	stream.linear.gather [hbm4b:s2+s4], $0x2780, $0x38;
	[tilespmem:$0x16200] =	vst v63  }
0x12: {  	_ =	swait.ge [sflag:s10], $0x2780  }
0x13: {  	[sflag:s10] =	ssyncset.done $0x0  }
0x14: {  	[sflag:s10] =	ssyncadd.s32 $0xFFFFD880  }
0x15: {  	[tilespmem:s12], [sflag:$0x1] =	stream.linear.gather [hbm4b:s3+s4], $0x2780, $0x38;
	[tilespmem:$0x16200] =	vst v63  }
0x16: {  	_ =	swait.ge [sflag:s10], $0x2780  }
0x17: {  	[sflag:s10] =	ssyncset.done $0x0  }
0x18: {  	[sflag:s10] =	ssyncadd.s32 $0xFFFFD880  }
0x19: {  	[tilespmem:s13], [sflag:$0x1] =	stream.linear.gather [hbm4b:s6+s4], $0x2710, $0x38;
	[tilespmem:$0x16200] =	vst v63  }
0x1a: {  	_ =	swait.ge [sflag:s10], $0x2710  }
0x1b: {  	[sflag:s10] =	ssyncset.done $0x0  }
0x1c: {  	[sflag:s10] =	ssyncadd.s32 $0xFFFFD8F0  }
0x1d: {  	[tilespmem:s14], [sflag:$0x1] =	stream.linear.gather [hbm4b:s7+s4], $0x2710, $0x38;
	[tilespmem:$0x16200] =	vst v63  }
0x1e: {  	_ =	swait.ge [sflag:s10], $0x2710  }
0x1f: {  	[sflag:s10] =	ssyncset.done $0x0  }
0x20: {  	s17 =	simm.s32 $0x0;
	[sflag:s10] =	ssyncadd.s32 $0xFFFFD8F0  }
0x21: {  	v3 =	vld [tilespmem:s17+$0x7680]  }
0x22: {  	v4 =	vld [tilespmem:s17+$0x9E00];
	_ =	sdelay $0x6  }
0x23: {  	v5 =	vld.idx.msk [tilespmem:v3+s4+$0x0], $0xffff  }
0x24: {  	v6 =	vld.idx.msk [tilespmem:v4+s4+$0x0], $0xffff;
	_ =	sdelay $0x1  }
0x25: {  	v7 =	vor.u32 s4, v0;
	_ =	sdelay $0x2  }
0x26: {  	v5 =	vsub.f32 v5, v6;
	_ =	sdelay $0x1  }
0x27: {  	[tilespmem:v7+s15+$0x0] =	vst.idx.msk $0xffff, v5  }
0x28: {  	v5 =	vld.idx.msk [tilespmem:v3+s11+$0x0], $0xffff  }
0x29: {  	v6 =	vld.idx.msk [tilespmem:v4+s11+$0x0], $0xffff;
	_ =	sdelay $0x1  }
0x2a: {  	v7 =	vor.u32 s4, v1;
	_ =	sdelay $0x2  }
0x2b: {  	v5 =	vsub.f32 v5, v6;
	_ =	sdelay $0x1  }
0x2c: {  	[tilespmem:v7+s15+$0x0] =	vst.idx.msk $0xffff, v5  }
0x2d: {  	v3 =	vld.idx.msk [tilespmem:v3+s12+$0x0], $0xffff  }
0x2e: {  	s17 =	simm.s32 $0x40;
	v5 =	vld.idx.msk [tilespmem:v4+s12+$0x0], $0xffff;
	v4 =	vor.u32 s4, v2  }
.LBB2_2:
0x2f: {  	_ =	sdelay $0x2  }
0x30: {  	p0 =	sne.s32 s17, $0x9C00;
	s18 =	smov.u32 s17;
	s17 =	sadd.s32 $0x40, s17  }
0x31: {  	v3 =	vsub.f32 v3, v5;
	_ =	sdelay $0x1  }
0x32: {  	s19 =	sshra.s32 s18, $0x2;
	[tilespmem:v4+s15+$0x0] =	vst.idx.msk $0xffff, v3  }
0x33: {  	v3 =	vld [tilespmem:s19+$0x7680]  }
0x34: {  	v4 =	vld [tilespmem:s19+$0x9E00];
	_ =	sdelay $0x6  }
0x35: {  	v5 =	vld.idx.msk [tilespmem:v3+s4+$0x0], $0xffff  }
0x36: {  	v6 =	vld.idx.msk [tilespmem:v4+s4+$0x0], $0xffff;
	_ =	sdelay $0x1  }
0x37: {  	v7 =	vor.u32 s18, v0;
	_ =	sdelay $0x3  }
0x38: {  	v5 =	vsub.f32 v5, v6;
	_ =	sdelay $0x1  }
0x39: {  	[tilespmem:v7+s15+$0x0] =	vst.idx.msk $0xffff, v5  }
0x3a: {  	v5 =	vld.idx.msk [tilespmem:v3+s11+$0x0], $0xffff  }
0x3b: {  	v6 =	vld.idx.msk [tilespmem:v4+s11+$0x0], $0xffff  }
0x3c: {  	v7 =	vor.u32 s18, v1;
	_ =	sdelay $0x4  }
.Ltmp0:
0x3d: {  	v5 =	vsub.f32 v5, v6;
	(pc) =	sbr.rel @p0 .LBB2_2-.Ltmp0, $4  }
0x3e: {  	_ = 	snop  }
0x3f: {  	[tilespmem:v7+s15+$0x0] =	vst.idx.msk $0xffff, v5  }
0x40: {  	v3 =	vld.idx.msk [tilespmem:v3+s12+$0x0], $0xffff  }
0x41: {  	v5 =	vld.idx.msk [tilespmem:v4+s12+$0x0], $0xffff;
	v4 =	vor.u32 s18, v2  }
0x42: {  	_ =	sdelay $0x3  }
0x43: {  	s16 =	sadd.s32 $0x1, s16;
	v3 =	vsub.f32 v3, v5  }
0x44: {  	p0 =	sne.s32 s16, s9  }
.Ltmp1:
0x45: {  	[tilespmem:v4+s15+$0x0] =	vst.idx.msk $0xffff, v3;
	(pc) =	sbr.rel @p0 .LBB2_1-.Ltmp1, $4  }
0x46: {  	[hbm4b:s8+s4] =	stream.linear.scatter [tilespmem:s15], [sflag:$0x1], $0x9C40, $0x38;
	[tilespmem:$0x16200] =	vst v63  }
0x47: {  	_ =	swait.ge [sflag:s10], $0x9C40  }
0x48: {  	[sflag:s10] =	ssyncset.done $0x0  }
0x49: {  	[sflag:s10] =	ssyncadd.s32 $0xFFFF63C0  }
0x4a: {  	_ =	sfence.sel $0x180000  }
0x4b: {  	[bflag:$0x0] =	sbarrier.arrive $0xFFFF  }
0x4c: {  	p0 =	sne.s32 s0, $0x0;
	_ =	strace $0x90000047  }
0x4d: {  	s0 =	sadd.s32 @!p0 $0x100000, s1;
	[bflag:$0x2] =	sbarrier.arrive $0xFFFF  }
0x4e: {  	[sflag:s0] =	ssyncadd.tile.s32 @!p0 $0x1;
	_ =	shalt  }
.Lfunc_end2:
_tile_overlayer_lowered:
.L_overlay_start_2:
0x4f: {  	(tag) =	ssettag $0x2  }
0x50: {  	s0 =	rddreg [dreg:$0x0];
	s2 =	stileid.u32  }
0x51: {  	s1 =	rddreg [dreg:$0x1];
	p0 =	sne.s32 s2, $0x0  }
0x52: {  	s3 =	rddreg [dreg:$0x2];
	[bflag:$0x3] =	sbarrier.arrive $0xFFFF;
	s2 =	simm.s32 @!p0 $0x1C01  }
0x53: {  	[timem:s3], [sflag:s2] =	dma.local @!p0 [hbm:s0], s1  }
0x54: {  	s0 =	simm.s32 @!p0 $0x1  }
0x55: {  	_ =	swait.ge @!p0 [sflag:s0], s1  }
0x56: {  	s1 =	ssub.s32 @!p0 $0x0, s1;
	[sflag:s0] =	ssyncset.done @!p0 $0x0  }
0x57: {  	[sflag:s0] =	ssyncadd.s32 @!p0 s1  }
0x58: {  	[bflag:$0x3] =	sbarrier.arrive $0xFFFF  }
0x59: {  	_ =	shalt  }

// kernel: kernel.13.cloned.1.call-start
scs
__scs_entry_jumppad:
0x0: {  	(pc) =	sbr.rel $0x88, $3  }
0x1: {  	(tag) =	ssettag $0x0;
	lr =	simm.s32 $0x1  }
0x2: {  	[smem:$0x3F8C] =	sst lr;
	_ =	strace $0xD0000000  }
0x3: {  	_ = 	snop  }
0x4: {  	_ = 	snop  }
0x5: {  	_ = 	snop  }
0x6: {  	_ = 	snop  }
0x7: {  	_ = 	snop  }
__scs_overlays_trampoline_lowered:
0x8: {  	[smem:$0x3F9B] =	sst s0  }
0x9: {  	[smem:$0x3F9C] =	sst s1  }
0xa: {  	[smem:$0x3F9D] =	sst s2  }
0xb: {  	[smem:$0x3F9E] =	sst s3  }
0xc: {  	[smem:$0x3F9F] =	sst s4  }
0xd: {  	[smem:$0x3FA0] =	sst s5  }
0xe: {  	[smem:$0x3FA1] =	sst s6  }
0xf: {  	[smem:$0x3FA2] =	sst s7  }
0x10: {  	[smem:$0x3FA3] =	sst s8  }
0x11: {  	[smem:$0x3FA4] =	sst s9;
	s0 =	simm.s32 @!p0 $0x0  }
0x12: {  	s1 =	sld [smem:$0x3F8A];
	s0 =	simm.s32 @p0 $0x1  }
0x13: {  	[smem:$0x3FA5] =	sst s0;
	s0 =	simm.s32 @!p1 $0x0  }
0x14: {  	s2 =	sld [smem:$0x3F89];
	s0 =	simm.s32 @p1 $0x1  }
0x15: {  	[smem:$0x3FA6] =	sst s0;
	s0 =	simm.s32 @!p2 $0x0  }
0x16: {  	s3 =	sld [smem:$0x3FDB];
	s0 =	simm.s32 @p2 $0x1  }
0x17: {  	s4 =	simm.s32 $0x1BF5;
	[smem:$0x3FA8] =	sst s0  }
0x18: {  	s0 =	sld [smem:$0x3F8B];
	_ =	swait.ge [sflag:s4], $0x0  }
0x19: {  	s7 =	sld [smem:$0x3F8C]  }
0x1a: {  	s8 =	sadd.s32 $0xFFFFE003, lr  }
0x1b: {  	s9 =	sadd.s32 $0xFFFFFEF7, lr;
	s5 =	simm.s32 $0xFFFFFFFF;
	p2 =	slt.u32 s8, $0xFFFFF086  }
0x1c: {  	p1 =	slt.u32 s9, $0xF7A;
	s5 =	simm.s32 @!p2 $0x0  }
0x1d: {  	s5 =	simm.s32 @p1 $0x1;
	p0 =	seq.s32 s7, s2  }
0x1e: {  	s7 =	smul.u32 @!p0 $0xF7A, s2;
	p2 =	seq.s32 @!p0 s5, $0x0  }
0x1f: {  	s9 =	smul.u32 $0xF7A, s1;
	s8 =	simm.s32 @!p0 $0x1BF5;
	p2 =	por !p2, p0  }
0x20: {  	[sflag:s8] =	ssyncset.s32 @!p0 $0xFFFFF086;
	s6 =	sadd.s32 @!p0 s3, s7;
	s7 =	simm.s32 @!p0 $0x108  }
0x21: {  	s3 =	sadd.s32 s3, s9;
	s6 =	sadd.s32 @!p0 $0x88, s6;
	s7 =	simm.s32 @p2 $0x1082  }
0x22: {  	[simem:s7], [sflag:s8] =	dma.local @!p0 [hbm:s6], $0xF7A  }
0x23: {  	s9 =	sor.u32 $0xD0000000, s2;
	s6 =	simm.s32 $0x108;
	_ =	swait.ge @!p0 [sflag:s8], $0x0  }
0x24: {  	s3 =	sadd.s32 $0x88, s3;
	s6 =	simm.s32 @!p1 $0x1082;
	[sflag:s4] =	ssyncset.s32 $0xFFFFF086  }
0x25: {  	[simem:s6], [sflag:s4] =	dma.local [hbm:s3], $0xF7A  }
0x26: {  	[smem:$0x3F8C] =	sst s1;
	(tag) =	ssettag s2;
	_ =	strace s9  }
0x27: {  	s1 =	sld [smem:$0x3F9C]  }
0x28: {  	s2 =	sld [smem:$0x3F9D]  }
0x29: {  	s4 =	sld [smem:$0x3F9F]  }
0x2a: {  	p0 =	seq.s32 s5, $0x0;
	s5 =	sld [smem:$0x3FA0]  }
0x2b: {  	s6 =	sld [smem:$0x3FA1]  }
0x2c: {  	s7 =	sld [smem:$0x3FA2]  }
0x2d: {  	s3 =	simm.s32 $0x108;
	s8 =	sld [smem:$0x3FA3]  }
0x2e: {  	s3 =	simm.s32 @!p0 $0x1082;
	s9 =	sld [smem:$0x3FA4]  }
0x2f: {  	lr =	sadd.s32 s0, s3;
	s0 =	sld [smem:$0x3F9B]  }
0x30: {  	s3 =	sld [smem:$0x3F9E]  }
0x31: {  	[smem:$0x3FA7] =	sst s10  }
0x32: {  	s10 =	sld [smem:$0x3FA5];
	_ =	sdelay $0x3  }
0x33: {  	p0 =	seq.s32 s10, $0x1;
	s10 =	sld [smem:$0x3FA7];
	_ =	sdelay $0x3  }
0x34: {  	[smem:$0x3FA7] =	sst s10  }
0x35: {  	s10 =	sld [smem:$0x3FA6];
	_ =	sdelay $0x3  }
0x36: {  	p1 =	seq.s32 s10, $0x1;
	s10 =	sld [smem:$0x3FA7];
	_ =	sdelay $0x3  }
0x37: {  	[smem:$0x3FA7] =	sst s10  }
0x38: {  	s10 =	sld [smem:$0x3FA8]  }
0x39: {  	_ = 	snop;
	(pc) =	sbr.ind lr, $3  }
0x3a: {  	_ = 	snop  }
0x3b: {  	_ = 	snop  }
0x3c: {  	p2 =	seq.s32 s10, $0x1;
	s10 =	sld [smem:$0x3FA7]  }
0x3d: {  	_ =	shalt  }
0x3e: {  	_ =	shalt  }
0x3f: {  	_ =	shalt  }
0x40: {  	_ =	shalt  }
0x41: {  	_ =	shalt  }
0x42: {  	_ =	shalt  }
0x43: {  	_ =	shalt  }
0x44: {  	_ =	shalt  }
0x45: {  	_ =	shalt  }
0x46: {  	_ =	shalt  }
0x47: {  	_ =	shalt  }
0x48: {  	_ =	shalt  }
0x49: {  	_ =	shalt  }
0x4a: {  	_ =	shalt  }
0x4b: {  	_ =	shalt  }
0x4c: {  	_ =	shalt  }
0x4d: {  	_ =	shalt  }
0x4e: {  	_ =	shalt  }
0x4f: {  	_ =	shalt  }
0x50: {  	_ =	shalt  }
0x51: {  	_ =	shalt  }
0x52: {  	_ =	shalt  }
0x53: {  	_ =	shalt  }
0x54: {  	_ =	shalt  }
0x55: {  	_ =	shalt  }
0x56: {  	_ =	shalt  }
0x57: {  	_ =	shalt  }
0x58: {  	_ =	shalt  }
0x59: {  	_ =	shalt  }
0x5a: {  	_ =	shalt  }
0x5b: {  	_ =	shalt  }
0x5c: {  	_ =	shalt  }
0x5d: {  	_ =	shalt  }
0x5e: {  	_ =	shalt  }
0x5f: {  	_ =	shalt  }
0x60: {  	_ =	shalt  }
0x61: {  	_ =	shalt  }
0x62: {  	_ =	shalt  }
0x63: {  	_ =	shalt  }
0x64: {  	_ =	shalt  }
0x65: {  	_ =	shalt  }
0x66: {  	_ =	shalt  }
0x67: {  	_ =	shalt  }
0x68: {  	_ =	shalt  }
0x69: {  	_ =	shalt  }
0x6a: {  	_ =	shalt  }
0x6b: {  	_ =	shalt  }
0x6c: {  	_ =	shalt  }
0x6d: {  	_ =	shalt  }
0x6e: {  	_ =	shalt  }
0x6f: {  	_ =	shalt  }
0x70: {  	_ =	shalt  }
0x71: {  	_ =	shalt  }
0x72: {  	_ =	shalt  }
0x73: {  	_ =	shalt  }
0x74: {  	_ =	shalt  }
0x75: {  	_ =	shalt  }
0x76: {  	_ =	shalt  }
0x77: {  	_ =	shalt  }
0x78: {  	_ =	shalt  }
0x79: {  	_ =	shalt  }
0x7a: {  	_ =	shalt  }
0x7b: {  	_ =	shalt  }
0x7c: {  	_ =	shalt  }
0x7d: {  	_ =	shalt  }
0x7e: {  	_ =	shalt  }
0x7f: {  	_ =	shalt  }
0x80: {  	_ =	shalt  }
0x81: {  	_ =	shalt  }
0x82: {  	_ =	shalt  }
0x83: {  	_ =	shalt  }
0x84: {  	_ =	shalt  }
0x85: {  	_ =	shalt  }
0x86: {  	_ =	shalt  }
0x87: {  	_ =	shalt  }
.Lfunc_end0:
.L_simem_size_0:
called_computation.1_lowered:
.L_overlay_start_0:
0x88: {  	s2 =	sld [smem:$0x3FD9]  }
0x89: {  	s3 =	sld [smem:$0x3FFE];
	_ =	sdelay $0x1  }
0x8a: {  	s1 =	srdreg.scid  }
0x8b: {  	s0 =	sand.u32 $0x1, s1  }
0x8c: {  	s15 =	sshll.u32 s0, $0xA;
	s2 =	sadd.s32 s3, s2  }
0x8d: {  	s2 =	sadd.s32 s2, s15  }
0x8e: {  	[smem:$0x3FB3] =	sst s2  }
0x8f: {  	_ = 	snop  }
0x90: {  	s2 =	sld [smem:$0x3FD0];
	_ =	sdelay $0x2  }
0x91: {  	s16 =	simm.s32 $0xB;
	s4 =	simm.s32 $0x10  }
0x92: {  	[smem:s4], [sflag:s16] =	dma.local [hbm:s2], $0x1  }
0x93: {  	_ =	swait.eq [sflag:s16], $0x1  }
0x94: {  	[sflag:s16] =	ssyncset.done $0x0  }
0x95: {  	[sflag:s16] =	ssyncadd.s32 $0xFFFFFFFF  }
0x96: {  	s17 =	sld [smem:$0x10];
	(tm) =	ssettm $0x1  }
0x97: {  	s18 =	sld [smem:$0x3FFB];
	_ =	sdelay $0x3  }
0x98: {  	_ =	strace s18  }
0x99: {  	s2 =	sld [smem:$0x3FFC];
	_ =	sdelay $0x3  }
0x9a: {  	_ =	strace s2  }
0x9b: {  	s2 =	sld [smem:$0x3FFD];
	_ =	sdelay $0x3  }
0x9c: {  	_ =	strace s2  }
0x9d: {  	_ =	strace $0x8FFFFFFF  }
0x9e: {  	s19 =	sld [smem:$0x3FDB];
	_ =	sdelay $0x1  }
0x9f: {  	s20 =	simm.s32 $_scs_section_size  }
0xa0: {  	s5 =	simm.s32 $_size__tile_overlayer_lowered;
	s6 =	simm.s32 $_tile_overlayer_lowered  }
0xa1: {  	s7 =	simm.s32 $0x1BFF;
	s21 =	sshll.u32 s6, $0x1;
	s4 =	sadd.s32 s20, s19  }
0xa2: {  	s22 =	simm.s32 $0x0;
	s5 =	sshll.u32 s5, $0x1;
	s6 =	sadd.s32 s21, s4  }
0xa3: {  	[timem:s22], [sflag:s7] =	dma.local [hbm:s6], s5  }
0xa4: {  	_ =	swait.ge [sflag:s7], s5  }
0xa5: {  	s5 =	ssub.s32 $0x0, s5;
	[sflag:s7] =	ssyncset.done $0x0  }
0xa6: {  	[sflag:s7] =	ssyncadd.s32 s5;
	_ =	sdelay $0x1  }
0xa7: {  	s23 =	simm.s32 $0x1B8B  }
0xa8: {  	_ =	swait.ge [sflag:s23], $0x1  }
0xa9: {  	[sflag:s23] =	ssyncset.done $0x0  }
0xaa: {  	[sflag:s23] =	ssyncadd.s32 $0xFFFFFFFF  }
0xab: {  	s5 =	sld [smem:$0x0]  }
0xac: {  	s6 =	sand.u32 $0xFFFFFFFE, s1  }
0xad: {  	p0 =	sne.s32 s1, s6  }
0xae: {  	s6 =	sshll.u32 @p0 s6, $0xE  }
0xaf: {  	s6 =	sadd.s32 @p0 $0x11B8D, s6;
	s7 =	sshll.u32 @p0 s5, $0x11  }
0xb0: {  	s6 =	sor.u32 @p0 s7, s6  }
0xb1: {  	[sflag:s6] =	ssyncadd.remote.s32 @p0 $0x1;
	_ =	sdelay $0x1  }
0xb2: {  	s6 =	simm.s32 @p0 $0x1B8D  }
0xb3: {  	_ =	swait.eq @p0 [sflag:s6], $0x1  }
0xb4: {  	[sflag:s6] =	ssyncadd.s32 @p0 $0xFFFFFFFF  }
0xb5: {  	s7 =	sshll.u32 @!p0 s1, $0xE  }
0xb6: {  	s7 =	sor.u32 @!p0 $0x4000, s7;
	s6 =	simm.s32 @!p0 $0x1B8D  }
0xb7: {  	s5 =	sshll.u32 @!p0 s5, $0x11;
	s7 =	sadd.s32 @!p0 $0x11B8D, s7;
	_ =	swait.eq @!p0 [sflag:s6], $0x1  }
0xb8: {  	s5 =	sor.u32 @!p0 s5, s7;
	[sflag:s6] =	ssyncadd.s32 @!p0 $0xFFFFFFFF  }
0xb9: {  	s25 =	simm.s32 $0x1B8E;
	s24 =	sld [smem:$0x3FFE];
	[sflag:s5] =	ssyncadd.remote.s32 @!p0 $0x1  }
0xba: {  	s26 =	simm.s32 $execute0_lowered;
	[smem:$0x3FD2] =	sst s25  }
0xbb: {  	s6 =	sshll.u32 s26, $0x1;
	_ =	strace $0x80000049;
	[dreg:$0x1] =	wrdreg $0xFFFFFFFF  }
0xbc: {  	s28 =	simm.s32 $_size_execute0_lowered;
	s4 =	sadd.s32 s4, s6;
	[dreg:$0x0] =	wrdreg $0x0  }
0xbd: {  	s6 =	sshll.u32 s28, $0x1;
	[dreg:$0x2] =	wrdreg s4  }
0xbe: {  	[dreg:$0x3] =	wrdreg s6  }
0xbf: {  	[dreg:$0x4] =	wrdreg $0xC0  }
0xc0: {  	_ =	task [dreg:s22], $0x5FFFF  }
0xc1: {  	[dreg:$0x1] =	wrdreg $0xFFFFFFFF  }
0xc2: {  	[dreg:$0x0] =	wrdreg $0x60  }
0xc3: {  	[dreg:$0x2] =	wrdreg s17  }
0xc4: {  	[dreg:$0x3] =	wrdreg s24  }
0xc5: {  	[dreg:$0x4] =	wrdreg $0xA  }
0xc6: {  	_ =	task.clear_ibuf [dreg:s22], $0x5FFFF;
	_ =	strace $0x90000049  }
0xc7: {  	s29 =	simm.s32 $0xA;
	_ =	strace $0x8000004B  }
0xc8: {  	_ =	swait.ge [sflag:s29], $0x1  }
0xc9: {  	[sflag:s29] =	ssyncadd.s32 $0xFFFFFFFF  }
0xca: {  	_ =	strace $0x9000004B  }
0xcb: {  	_ =	sfence  }
0xcc: {  	s30 =	sld [smem:$0x0];
	_ =	sdelay $0x2  }
0xcd: {  	s31 =	sshll.u32 s1, $0xD;
	s1 =	sshrl.u32 s1, $0x2  }
0xce: {  	s4 =	sand.u32 $0x4000, s31;
	s1 =	sadd.s32 s1, s30  }
0xcf: {  	s0 =	sor.u32 s4, s0;
	s1 =	sshll.u32 s1, $0x11  }
0xd0: {  	s0 =	sor.u32 s1, s0  }
0xd1: {  	s0 =	sadd.s32 $0x8F2B, s0  }
0xd2: {  	[sflag:s0] =	ssyncadd.remote.s32 $0x1  }
0xd3: {  	_ =	sfence.sel $0xFFFF  }
0xd4: {  	[dreg:$0x0] =	wrdreg $0xFFFFFFFF;
	(pc) =	sbr.abs _section_cstart, $3  }
0xd5: {  	[dreg:$0x1] =	wrdreg $0xFFFFFFFF  }
0xd6: {  	_ =	task.clear_ibuf [dreg:s22], $0x2FFFF;
	_ =	strace $0x9FFFFFFF  }
0xd7: {  	(tm) =	ssettm $0x7FFFFFFF  }
tec
execute0_lowered:
.L_overlay_start_1:
0x0: {  	(tag) =	ssettag $0x1  }
0x1: {  	s0 =	srdreg.scid;
	s2 =	rddreg [dreg:$0x0]  }
0x2: {  	s5 =	rddreg [dreg:$0x1];
	s3 =	simm.s32 $0x0;
	s14 =	simm.s32 $0x50  }
0x3: {  	s15 =	simm.s32 $0x4F00;
	s16 =	simm.s32 $0x7700;
	s17 =	simm.s32 $0x9F00  }
0x4: {  	s18 =	simm.s32 $0xC700;
	s19 =	simm.s32 $0x1;
	s20 =	simm.s32 $0x2  }
0x5: {  	s21 =	simm.s32 $0x0;
	s7 =	sand.u32 $0x1, s0;
	s0 =	stileid.u32  }
0x6: {  	[smem:$0x7FF] =	sst s3;
	s1 =	sshll.u32 s7, $0x4;
	s31 =	smul.u32 $0x271000, s7  }
0x7: {  	s4 =	sadd.s32 $0x3D200, s5;
	s13 =	smul.u32 $0x27100, s0;
	s6 =	sor.u32 s0, s1  }
0x8: {  	s10 =	sadd.s32 $0x64400, s5;
	s9 =	ssub.s32 $0x2, s7;
	s8 =	smul.u32 $0x2710, s6  }
0x9: {  	s11 =	sadd.s32 $0x546400, s5;
	s29 =	sshrl.u32 s9, $0x1;
	s6 =	smul.u32 $0x138800, s6  }
0xa: {  	s1 =	rddreg [dreg:$0x2];
	_ =	strace $0x8000004A;
	s9 =	ssub.s32 s9, s29  }
0xb: {  	s9 =	smax.u32 s9, $0x1;
	s8 =	sshrl.u32 s8, $0x3;
	s12 =	sshrl.u32 s6, $0x3  }
0xc: {  	s8 =	sadd.s32 s8, s5;
	s30 =	sadd.s32 $0x26C00, s12;
	s12 =	simm.s32 $0x3  }
0xd: {  	s5 =	sadd.s32 $0xBC00, s8;
	s6 =	sadd.s32 $0x1E00, s8;
	s7 =	sadd.s32 s10, s30  }
0xe: {  	s8 =	sadd.s32 s11, s30;
	s10 =	sadd.s32 s31, s10;
	s11 =	sadd.s32 s31, s11  }
0xf: {  	s10 =	sadd.s32 s13, s10;
	s11 =	sadd.s32 s13, s11;
	s13 =	simm.s32 $0x2780  }
.LBB2_1:
0x10: {  	[tilespmem:s3], [sflag:$0x3] =	stream.linear.gather [hbm4b:s5+s3], $0x2710, $0x38;
	[tilespmem:$0xEF00] =	vst v63  }
0x11: {  	_ =	swait.ge [sflag:s12], $0x2710  }
0x12: {  	[sflag:s12] =	ssyncset.done $0x0  }
0x13: {  	[sflag:s12] =	ssyncadd.s32 $0xFFFFD8F0  }
0x14: {  	[tilespmem:s13], [sflag:$0x3] =	stream.linear.gather [hbm4b:s6+s3], $0x2710, $0x38;
	[tilespmem:$0xEF00] =	vst v63  }
0x15: {  	_ =	swait.ge [sflag:s12], $0x2710  }
0x16: {  	[sflag:s12] =	ssyncset.done $0x0  }
0x17: {  	[sflag:s12] =	ssyncadd.s32 $0xFFFFD8F0  }
0x18: {  	[tilespmem:s15], [sflag:$0x1] =	stream.indirect.gather [hbm4b:s2+s14], $0x80, s3, s14, $0xb8;
	[tilespmem:$0xEF00] =	vst v63  }
0x19: {  	_ = 	snop  }
0x1a: {  	[tilespmem:s16], [sflag:$0x1] =	stream.indirect.gather [hbm4b:s4+s14], $0x80, s13, s14, $0xb8;
	[tilespmem:$0xEF00] =	vst v63  }
0x1b: {  	s22 =	simm.s32 $0x50  }
0x1c: {  	[tilespmem:s17], [sflag:$0x2] =	stream.indirect.gather [hbm4b:s2+s14], $0x80, s22, s14, $0xb8;
	[tilespmem:$0xEF00] =	vst v63  }
0x1d: {  	s25 =	simm.s32 $0x27D0  }
0x1e: {  	[tilespmem:s18], [sflag:$0x2] =	stream.indirect.gather [hbm4b:s4+s14], $0x80, s25, s14, $0xb8;
	[tilespmem:$0xEF00] =	vst v63  }
0x1f: {  	_ =	swait.ge [sflag:s19], $0x2800  }
0x20: {  	[sflag:s19] =	ssyncset.done $0x0  }
0x21: {  	[sflag:s19] =	ssyncadd.s32 $0xFFFFD800  }
0x22: {  	_ =	swait.ge [sflag:s19], $0x2800  }
0x23: {  	[sflag:s19] =	ssyncset.done $0x0  }
0x24: {  	[sflag:s19] =	ssyncadd.s32 $0xFFFFD800  }
0x25: {  	[hbm4b:s10+s3] =	stream.linear.scatter [tilespmem:s15], [sflag:$0x3], $0x2800, $0x38;
	[tilespmem:$0xEF00] =	vst v63  }
0x26: {  	_ =	swait.ge [sflag:s12], $0x2800  }
0x27: {  	[sflag:s12] =	ssyncset.done $0x0  }
0x28: {  	[sflag:s12] =	ssyncadd.s32 $0xFFFFD800  }
0x29: {  	[hbm4b:s11+s3] =	stream.linear.scatter [tilespmem:s16], [sflag:$0x3], $0x2800, $0x38;
	[tilespmem:$0xEF00] =	vst v63  }
0x2a: {  	_ =	swait.ge [sflag:s12], $0x2800  }
0x2b: {  	[sflag:s12] =	ssyncset.done $0x0  }
0x2c: {  	s26 =	simm.s32 $0xA0;
	[sflag:s12] =	ssyncadd.s32 $0xFFFFD800  }
0x2d: {  	[tilespmem:s15], [sflag:$0x1] =	stream.indirect.gather [hbm4b:s2+s14], $0x80, s26, s14, $0xb8;
	[tilespmem:$0xEF00] =	vst v63  }
0x2e: {  	s29 =	simm.s32 $0x2820  }
0x2f: {  	[tilespmem:s16], [sflag:$0x1] =	stream.indirect.gather [hbm4b:s4+s14], $0x80, s29, s14, $0xb8;
	[tilespmem:$0xEF00] =	vst v63  }
0x30: {  	_ =	swait.ge [sflag:s20], $0x2800  }
0x31: {  	[sflag:s20] =	ssyncset.done $0x0  }
0x32: {  	[sflag:s20] =	ssyncadd.s32 $0xFFFFD800  }
0x33: {  	_ =	swait.ge [sflag:s20], $0x2800  }
0x34: {  	[sflag:s20] =	ssyncset.done $0x0  }
0x35: {  	s30 =	sadd.s32 $0x500, s10;
	[sflag:s20] =	ssyncadd.s32 $0xFFFFD800  }
0x36: {  	[hbm4b:s30+s3] =	stream.linear.scatter [tilespmem:s17], [sflag:$0x3], $0x2800, $0x38;
	[tilespmem:$0xEF00] =	vst v63  }
0x37: {  	_ =	swait.ge [sflag:s12], $0x2800  }
0x38: {  	[sflag:s12] =	ssyncset.done $0x0  }
0x39: {  	s31 =	sadd.s32 $0x500, s11;
	[sflag:s12] =	ssyncadd.s32 $0xFFFFD800  }
0x3a: {  	[hbm4b:s31+s3] =	stream.linear.scatter [tilespmem:s18], [sflag:$0x3], $0x2800, $0x38;
	[tilespmem:$0xEF00] =	vst v63  }
0x3b: {  	s28 =	simm.s32 $0x500;
	s24 =	simm.s32 $0xA0;
	_ =	swait.ge [sflag:s12], $0x2800  }
0x3c: {  	s23 =	sadd.s32 $0xA00, s10;
	s22 =	sadd.s32 $0xA00, s11;
	[sflag:s12] =	ssyncset.done $0x0  }
.LBB2_2:
0x3d: {  	s29 =	sadd.s32 $0x50, s24  }
0x3e: {  	[sflag:s12] =	ssyncadd.s32 $0xFFFFD800;
	s26 =	smov.u32 s28;
	s25 =	sadd.s32 $0x280, s28  }
0x3f: {  	[tilespmem:s17], [sflag:$0x2] =	stream.indirect.gather [hbm4b:s2+s14], $0x80, s29, s14, $0xb8;
	[tilespmem:$0xEF00] =	vst v63  }
0x40: {  	p0 =	sne.s32 s28, $0x9880;
	s28 =	sadd.s32 $0x27D0, s24  }
0x41: {  	[tilespmem:s18], [sflag:$0x2] =	stream.indirect.gather [hbm4b:s4+s14], $0x80, s28, s14, $0xb8;
	[tilespmem:$0xEF00] =	vst v63  }
0x42: {  	_ =	swait.ge [sflag:s19], $0x2800  }
0x43: {  	[sflag:s19] =	ssyncset.done $0x0  }
0x44: {  	[sflag:s19] =	ssyncadd.s32 $0xFFFFD800  }
0x45: {  	_ =	swait.ge [sflag:s19], $0x2800  }
0x46: {  	[sflag:s19] =	ssyncset.done $0x0  }
0x47: {  	[sflag:s19] =	ssyncadd.s32 $0xFFFFD800  }
0x48: {  	[hbm4b:s23+s3] =	stream.linear.scatter [tilespmem:s15], [sflag:$0x3], $0x2800, $0x38;
	[tilespmem:$0xEF00] =	vst v63  }
0x49: {  	_ =	swait.ge [sflag:s12], $0x2800  }
0x4a: {  	[sflag:s12] =	ssyncset.done $0x0  }
0x4b: {  	[sflag:s12] =	ssyncadd.s32 $0xFFFFD800  }
0x4c: {  	[hbm4b:s22+s3] =	stream.linear.scatter [tilespmem:s16], [sflag:$0x3], $0x2800, $0x38;
	[tilespmem:$0xEF00] =	vst v63  }
0x4d: {  	_ =	swait.ge [sflag:s12], $0x2800  }
0x4e: {  	[sflag:s12] =	ssyncset.done $0x0  }
0x4f: {  	s28 =	sadd.s32 $0xA0, s24;
	[sflag:s12] =	ssyncadd.s32 $0xFFFFD800  }
0x50: {  	[tilespmem:s15], [sflag:$0x1] =	stream.indirect.gather [hbm4b:s2+s14], $0x80, s28, s14, $0xb8;
	[tilespmem:$0xEF00] =	vst v63  }
0x51: {  	s24 =	sadd.s32 $0x2820, s24  }
0x52: {  	[tilespmem:s16], [sflag:$0x1] =	stream.indirect.gather [hbm4b:s4+s14], $0x80, s24, s14, $0xb8;
	[tilespmem:$0xEF00] =	vst v63  }
0x53: {  	_ =	swait.ge [sflag:s20], $0x2800  }
0x54: {  	[sflag:s20] =	ssyncset.done $0x0  }
0x55: {  	[sflag:s20] =	ssyncadd.s32 $0xFFFFD800  }
0x56: {  	_ =	swait.ge [sflag:s20], $0x2800  }
0x57: {  	[sflag:s20] =	ssyncset.done $0x0  }
0x58: {  	s24 =	sadd.s32 $0x500, s23;
	[sflag:s20] =	ssyncadd.s32 $0xFFFFD800  }
0x59: {  	[hbm4b:s24+s3] =	stream.linear.scatter [tilespmem:s17], [sflag:$0x3], $0x2800, $0x38;
	[tilespmem:$0xEF00] =	vst v63  }
0x5a: {  	_ =	swait.ge [sflag:s12], $0x2800  }
.Ltmp0:
0x5b: {  	[sflag:s12] =	ssyncset.done $0x0;
	(pc) =	sbr.rel @p0 .LBB2_2-.Ltmp0, $4  }
0x5c: {  	s24 =	sadd.s32 $0x500, s22;
	[sflag:s12] =	ssyncadd.s32 $0xFFFFD800  }
0x5d: {  	[hbm4b:s24+s3] =	stream.linear.scatter [tilespmem:s18], [sflag:$0x3], $0x2800, $0x38;
	[tilespmem:$0xEF00] =	vst v63  }
0x5e: {  	s28 =	smov.u32 s25;
	s22 =	sadd.s32 $0xA00, s22;
	_ =	swait.ge [sflag:s12], $0x2800  }
0x5f: {  	s23 =	sadd.s32 $0xA00, s23;
	s24 =	sshra.s32 s26, $0x2;
	[sflag:s12] =	ssyncset.done $0x0  }
0x60: {  	s25 =	sadd.s32 $0x50, s24;
	[sflag:s12] =	ssyncadd.s32 $0xFFFFD800  }
0x61: {  	[tilespmem:s17], [sflag:$0x2] =	stream.indirect.gather [hbm4b:s2+s14], $0x80, s25, s14, $0xb8;
	[tilespmem:$0xEF00] =	vst v63  }
0x62: {  	s26 =	sadd.s32 $0x27D0, s24  }
0x63: {  	[tilespmem:s18], [sflag:$0x2] =	stream.indirect.gather [hbm4b:s4+s14], $0x80, s26, s14, $0xb8;
	[tilespmem:$0xEF00] =	vst v63  }
0x64: {  	_ =	swait.ge [sflag:s19], $0x2800  }
0x65: {  	[sflag:s19] =	ssyncset.done $0x0  }
0x66: {  	[sflag:s19] =	ssyncadd.s32 $0xFFFFD800  }
0x67: {  	_ =	swait.ge [sflag:s19], $0x2800  }
0x68: {  	[sflag:s19] =	ssyncset.done $0x0  }
0x69: {  	[sflag:s19] =	ssyncadd.s32 $0xFFFFD800  }
0x6a: {  	[hbm4b:s23+s3] =	stream.linear.scatter [tilespmem:s15], [sflag:$0x3], $0x2800, $0x38;
	[tilespmem:$0xEF00] =	vst v63  }
0x6b: {  	_ =	swait.ge [sflag:s12], $0x2800  }
0x6c: {  	[sflag:s12] =	ssyncset.done $0x0  }
0x6d: {  	[sflag:s12] =	ssyncadd.s32 $0xFFFFD800  }
0x6e: {  	[hbm4b:s22+s3] =	stream.linear.scatter [tilespmem:s16], [sflag:$0x3], $0x2800, $0x38;
	[tilespmem:$0xEF00] =	vst v63  }
0x6f: {  	_ =	swait.ge [sflag:s12], $0x2800  }
0x70: {  	[sflag:s12] =	ssyncset.done $0x0  }
0x71: {  	s28 =	sadd.s32 $0xA0, s24;
	[sflag:s12] =	ssyncadd.s32 $0xFFFFD800  }
0x72: {  	[tilespmem:s15], [sflag:$0x1] =	stream.indirect.gather [hbm4b:s2+s14], $0x80, s28, s14, $0xb8;
	[tilespmem:$0xEF00] =	vst v63  }
0x73: {  	s29 =	sadd.s32 $0x2820, s24  }
0x74: {  	[tilespmem:s16], [sflag:$0x1] =	stream.indirect.gather [hbm4b:s4+s14], $0x80, s29, s14, $0xb8;
	[tilespmem:$0xEF00] =	vst v63  }
0x75: {  	_ =	swait.ge [sflag:s20], $0x2800  }
0x76: {  	[sflag:s20] =	ssyncset.done $0x0  }
0x77: {  	[sflag:s20] =	ssyncadd.s32 $0xFFFFD800  }
0x78: {  	_ =	swait.ge [sflag:s20], $0x2800  }
0x79: {  	[sflag:s20] =	ssyncset.done $0x0  }
0x7a: {  	s30 =	sadd.s32 $0x500, s23;
	[sflag:s20] =	ssyncadd.s32 $0xFFFFD800  }
0x7b: {  	[hbm4b:s30+s3] =	stream.linear.scatter [tilespmem:s17], [sflag:$0x3], $0x2800, $0x38;
	[tilespmem:$0xEF00] =	vst v63  }
0x7c: {  	_ =	swait.ge [sflag:s12], $0x2800  }
0x7d: {  	[sflag:s12] =	ssyncset.done $0x0  }
0x7e: {  	s31 =	sadd.s32 $0x500, s22;
	[sflag:s12] =	ssyncadd.s32 $0xFFFFD800  }
0x7f: {  	[hbm4b:s31+s3] =	stream.linear.scatter [tilespmem:s18], [sflag:$0x3], $0x2800, $0x38;
	[tilespmem:$0xEF00] =	vst v63  }
0x80: {  	_ =	swait.ge [sflag:s12], $0x2800  }
0x81: {  	[sflag:s12] =	ssyncset.done $0x0  }
0x82: {  	[sflag:s12] =	ssyncadd.s32 $0xFFFFD800  }
0x83: {  	_ =	swait.ge [sflag:s19], $0x2800  }
0x84: {  	[sflag:s19] =	ssyncset.done $0x0  }
0x85: {  	[sflag:s19] =	ssyncadd.s32 $0xFFFFD800  }
0x86: {  	_ =	swait.ge [sflag:s19], $0x2800  }
0x87: {  	[sflag:s19] =	ssyncset.done $0x0  }
0x88: {  	[sflag:s19] =	ssyncadd.s32 $0xFFFFD800  }
0x89: {  	[hbm4b:s7+s3] =	stream.linear.scatter [tilespmem:s15], [sflag:$0x3], $0x2800, $0x38;
	[tilespmem:$0xEF00] =	vst v63  }
0x8a: {  	s21 =	sadd.s32 $0x1, s21;
	_ =	swait.ge [sflag:s12], $0x2800  }
0x8b: {  	p0 =	sne.s32 s21, s9;
	[sflag:s12] =	ssyncset.done $0x0  }
.Ltmp1:
0x8c: {  	[sflag:s12] =	ssyncadd.s32 $0xFFFFD800;
	(pc) =	sbr.rel @p0 .LBB2_1-.Ltmp1, $4  }
0x8d: {  	[hbm4b:s8+s3] =	stream.linear.scatter [tilespmem:s16], [sflag:$0x3], $0x2800, $0x38;
	[tilespmem:$0xEF00] =	vst v63  }
0x8e: {  	_ =	swait.ge [sflag:s12], $0x2800  }
0x8f: {  	[sflag:s12] =	ssyncset.done $0x0  }
0x90: {  	[sflag:s12] =	ssyncadd.s32 $0xFFFFD800  }
0x91: {  	_ =	sfence.sel $0x180000  }
0x92: {  	[bflag:$0x0] =	sbarrier.arrive $0xFFFF  }
0x93: {  	p0 =	sne.s32 s0, $0x0;
	_ =	strace $0x9000004A  }
0x94: {  	s0 =	sadd.s32 @!p0 $0x100000, s1;
	[bflag:$0x2] =	sbarrier.arrive $0xFFFF  }
0x95: {  	[sflag:s0] =	ssyncadd.tile.s32 @!p0 $0x1;
	_ =	shalt  }
.Lfunc_end2:
_tile_overlayer_lowered:
.L_overlay_start_2:
0x96: {  	(tag) =	ssettag $0x2  }
0x97: {  	s0 =	rddreg [dreg:$0x0];
	s2 =	stileid.u32  }
0x98: {  	s1 =	rddreg [dreg:$0x1];
	p0 =	sne.s32 s2, $0x0  }
0x99: {  	s3 =	rddreg [dreg:$0x2];
	[bflag:$0x3] =	sbarrier.arrive $0xFFFF;
	s2 =	simm.s32 @!p0 $0x1C03  }
0x9a: {  	[timem:s3], [sflag:s2] =	dma.local @!p0 [hbm:s0], s1  }
0x9b: {  	s0 =	simm.s32 @!p0 $0x3  }
0x9c: {  	_ =	swait.ge @!p0 [sflag:s0], s1  }
0x9d: {  	s1 =	ssub.s32 @!p0 $0x0, s1;
	[sflag:s0] =	ssyncset.done @!p0 $0x0  }
0x9e: {  	[sflag:s0] =	ssyncadd.s32 @!p0 s1  }
0x9f: {  	[bflag:$0x3] =	sbarrier.arrive $0xFFFF  }
0xa0: {  	_ =	shalt  }

// kernel: kernel.16.cloned.1.call-start
scs
__scs_entry_jumppad:
0x0: {  	(pc) =	sbr.rel $0x88, $3  }
0x1: {  	(tag) =	ssettag $0x0;
	lr =	simm.s32 $0x1  }
0x2: {  	[smem:$0x3F8C] =	sst lr;
	_ =	strace $0xD0000000  }
0x3: {  	_ = 	snop  }
0x4: {  	_ = 	snop  }
0x5: {  	_ = 	snop  }
0x6: {  	_ = 	snop  }
0x7: {  	_ = 	snop  }
__scs_overlays_trampoline_lowered:
0x8: {  	[smem:$0x3F9B] =	sst s0  }
0x9: {  	[smem:$0x3F9C] =	sst s1  }
0xa: {  	[smem:$0x3F9D] =	sst s2  }
0xb: {  	[smem:$0x3F9E] =	sst s3  }
0xc: {  	[smem:$0x3F9F] =	sst s4  }
0xd: {  	[smem:$0x3FA0] =	sst s5  }
0xe: {  	[smem:$0x3FA1] =	sst s6  }
0xf: {  	[smem:$0x3FA2] =	sst s7  }
0x10: {  	[smem:$0x3FA3] =	sst s8  }
0x11: {  	[smem:$0x3FA4] =	sst s9;
	s0 =	simm.s32 @!p0 $0x0  }
0x12: {  	s1 =	sld [smem:$0x3F8A];
	s0 =	simm.s32 @p0 $0x1  }
0x13: {  	[smem:$0x3FA5] =	sst s0;
	s0 =	simm.s32 @!p1 $0x0  }
0x14: {  	s2 =	sld [smem:$0x3F89];
	s0 =	simm.s32 @p1 $0x1  }
0x15: {  	[smem:$0x3FA6] =	sst s0;
	s0 =	simm.s32 @!p2 $0x0  }
0x16: {  	s3 =	sld [smem:$0x3FDB];
	s0 =	simm.s32 @p2 $0x1  }
0x17: {  	s4 =	simm.s32 $0x1BF5;
	[smem:$0x3FA8] =	sst s0  }
0x18: {  	s0 =	sld [smem:$0x3F8B];
	_ =	swait.ge [sflag:s4], $0x0  }
0x19: {  	s7 =	sld [smem:$0x3F8C]  }
0x1a: {  	s8 =	sadd.s32 $0xFFFFE003, lr  }
0x1b: {  	s9 =	sadd.s32 $0xFFFFFEF7, lr;
	s5 =	simm.s32 $0xFFFFFFFF;
	p2 =	slt.u32 s8, $0xFFFFF086  }
0x1c: {  	p1 =	slt.u32 s9, $0xF7A;
	s5 =	simm.s32 @!p2 $0x0  }
0x1d: {  	s5 =	simm.s32 @p1 $0x1;
	p0 =	seq.s32 s7, s2  }
0x1e: {  	s7 =	smul.u32 @!p0 $0xF7A, s2;
	p2 =	seq.s32 @!p0 s5, $0x0  }
0x1f: {  	s9 =	smul.u32 $0xF7A, s1;
	s8 =	simm.s32 @!p0 $0x1BF5;
	p2 =	por !p2, p0  }
0x20: {  	[sflag:s8] =	ssyncset.s32 @!p0 $0xFFFFF086;
	s6 =	sadd.s32 @!p0 s3, s7;
	s7 =	simm.s32 @!p0 $0x108  }
0x21: {  	s3 =	sadd.s32 s3, s9;
	s6 =	sadd.s32 @!p0 $0x88, s6;
	s7 =	simm.s32 @p2 $0x1082  }
0x22: {  	[simem:s7], [sflag:s8] =	dma.local @!p0 [hbm:s6], $0xF7A  }
0x23: {  	s9 =	sor.u32 $0xD0000000, s2;
	s6 =	simm.s32 $0x108;
	_ =	swait.ge @!p0 [sflag:s8], $0x0  }
0x24: {  	s3 =	sadd.s32 $0x88, s3;
	s6 =	simm.s32 @!p1 $0x1082;
	[sflag:s4] =	ssyncset.s32 $0xFFFFF086  }
0x25: {  	[simem:s6], [sflag:s4] =	dma.local [hbm:s3], $0xF7A  }
0x26: {  	[smem:$0x3F8C] =	sst s1;
	(tag) =	ssettag s2;
	_ =	strace s9  }
0x27: {  	s1 =	sld [smem:$0x3F9C]  }
0x28: {  	s2 =	sld [smem:$0x3F9D]  }
0x29: {  	s4 =	sld [smem:$0x3F9F]  }
0x2a: {  	p0 =	seq.s32 s5, $0x0;
	s5 =	sld [smem:$0x3FA0]  }
0x2b: {  	s6 =	sld [smem:$0x3FA1]  }
0x2c: {  	s7 =	sld [smem:$0x3FA2]  }
0x2d: {  	s3 =	simm.s32 $0x108;
	s8 =	sld [smem:$0x3FA3]  }
0x2e: {  	s3 =	simm.s32 @!p0 $0x1082;
	s9 =	sld [smem:$0x3FA4]  }
0x2f: {  	lr =	sadd.s32 s0, s3;
	s0 =	sld [smem:$0x3F9B]  }
0x30: {  	s3 =	sld [smem:$0x3F9E]  }
0x31: {  	[smem:$0x3FA7] =	sst s10  }
0x32: {  	s10 =	sld [smem:$0x3FA5];
	_ =	sdelay $0x3  }
0x33: {  	p0 =	seq.s32 s10, $0x1;
	s10 =	sld [smem:$0x3FA7];
	_ =	sdelay $0x3  }
0x34: {  	[smem:$0x3FA7] =	sst s10  }
0x35: {  	s10 =	sld [smem:$0x3FA6];
	_ =	sdelay $0x3  }
0x36: {  	p1 =	seq.s32 s10, $0x1;
	s10 =	sld [smem:$0x3FA7];
	_ =	sdelay $0x3  }
0x37: {  	[smem:$0x3FA7] =	sst s10  }
0x38: {  	s10 =	sld [smem:$0x3FA8]  }
0x39: {  	_ = 	snop;
	(pc) =	sbr.ind lr, $3  }
0x3a: {  	_ = 	snop  }
0x3b: {  	_ = 	snop  }
0x3c: {  	p2 =	seq.s32 s10, $0x1;
	s10 =	sld [smem:$0x3FA7]  }
0x3d: {  	_ =	shalt  }
0x3e: {  	_ =	shalt  }
0x3f: {  	_ =	shalt  }
0x40: {  	_ =	shalt  }
0x41: {  	_ =	shalt  }
0x42: {  	_ =	shalt  }
0x43: {  	_ =	shalt  }
0x44: {  	_ =	shalt  }
0x45: {  	_ =	shalt  }
0x46: {  	_ =	shalt  }
0x47: {  	_ =	shalt  }
0x48: {  	_ =	shalt  }
0x49: {  	_ =	shalt  }
0x4a: {  	_ =	shalt  }
0x4b: {  	_ =	shalt  }
0x4c: {  	_ =	shalt  }
0x4d: {  	_ =	shalt  }
0x4e: {  	_ =	shalt  }
0x4f: {  	_ =	shalt  }
0x50: {  	_ =	shalt  }
0x51: {  	_ =	shalt  }
0x52: {  	_ =	shalt  }
0x53: {  	_ =	shalt  }
0x54: {  	_ =	shalt  }
0x55: {  	_ =	shalt  }
0x56: {  	_ =	shalt  }
0x57: {  	_ =	shalt  }
0x58: {  	_ =	shalt  }
0x59: {  	_ =	shalt  }
0x5a: {  	_ =	shalt  }
0x5b: {  	_ =	shalt  }
0x5c: {  	_ =	shalt  }
0x5d: {  	_ =	shalt  }
0x5e: {  	_ =	shalt  }
0x5f: {  	_ =	shalt  }
0x60: {  	_ =	shalt  }
0x61: {  	_ =	shalt  }
0x62: {  	_ =	shalt  }
0x63: {  	_ =	shalt  }
0x64: {  	_ =	shalt  }
0x65: {  	_ =	shalt  }
0x66: {  	_ =	shalt  }
0x67: {  	_ =	shalt  }
0x68: {  	_ =	shalt  }
0x69: {  	_ =	shalt  }
0x6a: {  	_ =	shalt  }
0x6b: {  	_ =	shalt  }
0x6c: {  	_ =	shalt  }
0x6d: {  	_ =	shalt  }
0x6e: {  	_ =	shalt  }
0x6f: {  	_ =	shalt  }
0x70: {  	_ =	shalt  }
0x71: {  	_ =	shalt  }
0x72: {  	_ =	shalt  }
0x73: {  	_ =	shalt  }
0x74: {  	_ =	shalt  }
0x75: {  	_ =	shalt  }
0x76: {  	_ =	shalt  }
0x77: {  	_ =	shalt  }
0x78: {  	_ =	shalt  }
0x79: {  	_ =	shalt  }
0x7a: {  	_ =	shalt  }
0x7b: {  	_ =	shalt  }
0x7c: {  	_ =	shalt  }
0x7d: {  	_ =	shalt  }
0x7e: {  	_ =	shalt  }
0x7f: {  	_ =	shalt  }
0x80: {  	_ =	shalt  }
0x81: {  	_ =	shalt  }
0x82: {  	_ =	shalt  }
0x83: {  	_ =	shalt  }
0x84: {  	_ =	shalt  }
0x85: {  	_ =	shalt  }
0x86: {  	_ =	shalt  }
0x87: {  	_ =	shalt  }
.Lfunc_end0:
.L_simem_size_0:
called_computation.2_lowered:
.L_overlay_start_0:
0x88: {  	s2 =	sld [smem:$0x3FD9]  }
0x89: {  	s3 =	sld [smem:$0x3FFE];
	_ =	sdelay $0x1  }
0x8a: {  	s1 =	srdreg.scid  }
0x8b: {  	s0 =	sand.u32 $0x1, s1  }
0x8c: {  	s17 =	sshll.u32 s0, $0xA;
	s2 =	sadd.s32 s3, s2  }
0x8d: {  	s2 =	sadd.s32 s2, s17  }
0x8e: {  	[smem:$0x3FB3] =	sst s2  }
0x8f: {  	_ = 	snop  }
0x90: {  	(tm) =	ssettm $0x1  }
0x91: {  	s18 =	sld [smem:$0x3FFB];
	_ =	sdelay $0x3  }
0x92: {  	_ =	strace s18  }
0x93: {  	s2 =	sld [smem:$0x3FFC];
	_ =	sdelay $0x3  }
0x94: {  	_ =	strace s2  }
0x95: {  	s2 =	sld [smem:$0x3FFD];
	_ =	sdelay $0x3  }
0x96: {  	_ =	strace s2  }
0x97: {  	_ =	strace $0x8FFFFFFF  }
0x98: {  	s19 =	sld [smem:$0x3FDB];
	_ =	sdelay $0x1  }
0x99: {  	s20 =	simm.s32 $_scs_section_size  }
0x9a: {  	s4 =	simm.s32 $_size__tile_overlayer_lowered;
	s5 =	simm.s32 $_tile_overlayer_lowered  }
0x9b: {  	s6 =	simm.s32 $0x1BFF;
	s21 =	sshll.u32 s5, $0x1;
	s3 =	sadd.s32 s20, s19  }
0x9c: {  	s22 =	simm.s32 $0x0;
	s4 =	sshll.u32 s4, $0x1;
	s5 =	sadd.s32 s21, s3  }
0x9d: {  	[timem:s22], [sflag:s6] =	dma.local [hbm:s5], s4  }
0x9e: {  	_ =	swait.ge [sflag:s6], s4  }
0x9f: {  	s4 =	ssub.s32 $0x0, s4;
	[sflag:s6] =	ssyncset.done $0x0  }
0xa0: {  	[sflag:s6] =	ssyncadd.s32 s4;
	_ =	sdelay $0x1  }
0xa1: {  	s23 =	simm.s32 $0x1B8B  }
0xa2: {  	_ =	swait.ge [sflag:s23], $0x1  }
0xa3: {  	[sflag:s23] =	ssyncset.done $0x0  }
0xa4: {  	[sflag:s23] =	ssyncadd.s32 $0xFFFFFFFF  }
0xa5: {  	s4 =	sld [smem:$0x0]  }
0xa6: {  	s5 =	sand.u32 $0xFFFFFFFE, s1  }
0xa7: {  	p0 =	sne.s32 s1, s5  }
0xa8: {  	s5 =	sshll.u32 @p0 s5, $0xE  }
0xa9: {  	s5 =	sadd.s32 @p0 $0x11B8D, s5;
	s6 =	sshll.u32 @p0 s4, $0x11  }
0xaa: {  	s5 =	sor.u32 @p0 s6, s5  }
0xab: {  	[sflag:s5] =	ssyncadd.remote.s32 @p0 $0x1;
	_ =	sdelay $0x1  }
0xac: {  	s5 =	simm.s32 @p0 $0x1B8D  }
0xad: {  	_ =	swait.eq @p0 [sflag:s5], $0x1  }
0xae: {  	[sflag:s5] =	ssyncadd.s32 @p0 $0xFFFFFFFF  }
0xaf: {  	s6 =	sshll.u32 @!p0 s1, $0xE  }
0xb0: {  	s6 =	sor.u32 @!p0 $0x4000, s6;
	s5 =	simm.s32 @!p0 $0x1B8D  }
0xb1: {  	s4 =	sshll.u32 @!p0 s4, $0x11;
	s6 =	sadd.s32 @!p0 $0x11B8D, s6;
	_ =	swait.eq @!p0 [sflag:s5], $0x1  }
0xb2: {  	s4 =	sor.u32 @!p0 s4, s6;
	[sflag:s5] =	ssyncadd.s32 @!p0 $0xFFFFFFFF  }
0xb3: {  	s25 =	simm.s32 $0x1B8E;
	s24 =	sld [smem:$0x3FFE];
	[sflag:s4] =	ssyncadd.remote.s32 @!p0 $0x1  }
0xb4: {  	s26 =	simm.s32 $execute0_lowered;
	[smem:$0x3FD2] =	sst s25  }
0xb5: {  	s5 =	sshll.u32 s26, $0x1;
	_ =	strace $0x8000004F;
	[dreg:$0x1] =	wrdreg $0xFFFFFFFF  }
0xb6: {  	s28 =	simm.s32 $_size_execute0_lowered;
	s3 =	sadd.s32 s3, s5;
	[dreg:$0x0] =	wrdreg $0x0  }
0xb7: {  	s5 =	sshll.u32 s28, $0x1;
	[dreg:$0x2] =	wrdreg s3  }
0xb8: {  	[dreg:$0x3] =	wrdreg s5  }
0xb9: {  	[dreg:$0x4] =	wrdreg $0xC0  }
0xba: {  	_ =	task [dreg:s22], $0x5FFFF  }
0xbb: {  	[dreg:$0x1] =	wrdreg $0xFFFFFFFF  }
0xbc: {  	[dreg:$0x0] =	wrdreg $0x60  }
0xbd: {  	[dreg:$0x2] =	wrdreg s24  }
0xbe: {  	[dreg:$0x3] =	wrdreg $0x51000  }
0xbf: {  	[dreg:$0x4] =	wrdreg $0x9  }
0xc0: {  	_ =	task.clear_ibuf [dreg:s22], $0x5FFFF;
	_ =	strace $0x9000004F  }
0xc1: {  	s29 =	simm.s32 $0x9;
	_ =	strace $0x80000051  }
0xc2: {  	_ =	swait.ge [sflag:s29], $0x1  }
0xc3: {  	[sflag:s29] =	ssyncadd.s32 $0xFFFFFFFF  }
0xc4: {  	_ =	strace $0x90000051  }
0xc5: {  	_ =	sfence  }
0xc6: {  	s30 =	sld [smem:$0x0];
	_ =	sdelay $0x2  }
0xc7: {  	s31 =	sshll.u32 s1, $0xD;
	s1 =	sshrl.u32 s1, $0x2  }
0xc8: {  	s4 =	sand.u32 $0x4000, s31;
	s1 =	sadd.s32 s1, s30  }
0xc9: {  	s0 =	sor.u32 s4, s0;
	s1 =	sshll.u32 s1, $0x11  }
0xca: {  	s0 =	sor.u32 s1, s0  }
0xcb: {  	s0 =	sadd.s32 $0x8F2B, s0  }
0xcc: {  	[sflag:s0] =	ssyncadd.remote.s32 $0x1  }
0xcd: {  	_ =	sfence.sel $0xFFFF  }
0xce: {  	[dreg:$0x0] =	wrdreg $0xFFFFFFFF;
	(pc) =	sbr.abs _section_cstart, $3  }
0xcf: {  	[dreg:$0x1] =	wrdreg $0xFFFFFFFF  }
0xd0: {  	_ =	task.clear_ibuf [dreg:s22], $0x2FFFF;
	_ =	strace $0x9FFFFFFF  }
0xd1: {  	(tm) =	ssettm $0x7FFFFFFF  }
tec
execute0_lowered:
.L_overlay_start_1:
0x0: {  	(tag) =	ssettag $0x1  }
0x1: {  	s5 =	rddreg [dreg:$0x0]  }
0x2: {  	s2 =	rddreg [dreg:$0x1]  }
0x3: {  	s0 =	rddreg [dreg:$0x2];
	s1 =	stileid.u32  }
0x4: {  	s4 =	srdreg.scid;
	s6 =	smul.u32 $0x14000, s1  }
0x5: {  	s3 =	simm.s32 $0x0;
	s18 =	simm.s32 $0x2900;
	s12 =	smul.u32 $0x50000, s1  }
0x6: {  	s8 =	sand.u32 $0x1, s4;
	[smem:$0x7FF] =	sst s3;
	s16 =	smul.u32 $0x2710, s1  }
0x7: {  	s10 =	sadd.s32 $0x18CE400, s5;
	s4 =	sadd.s32 $0xBC00, s5;
	s17 =	smul.u32 $0x27100, s1  }
0x8: {  	s25 =	sshll.u32 s1, $0x6;
	s7 =	smul.u32 $0x140000, s8;
	_ =	strace $0x80000050  }
0x9: {  	s20 =	sshll.u32 s8, $0x4;
	s11 =	ssub.s32 $0x2, s8;
	s24 =	smul.u32 $0x27100, s8  }
0xa: {  	s26 =	smul.u32 $0x271000, s8;
	s9 =	sshrl.u32 s6, $0x3;
	s21 =	sshrl.u32 s11, $0x1  }
0xb: {  	s23 =	sshrl.u32 s12, $0x2;
	s6 =	sadd.s32 s6, s7;
	s19 =	sadd.s32 s9, s5  }
0xc: {  	s9 =	sor.u32 s1, s20;
	s11 =	ssub.s32 s11, s21;
	s14 =	sadd.s32 s23, s2  }
0xd: {  	s12 =	sadd.s32 s16, s24;
	s28 =	sadd.s32 s26, s10;
	s16 =	simm.s32 $0x100  }
0xe: {  	s20 =	simm.s32 $0x50;
	s21 =	simm.s32 $0x2;
	s22 =	smul.u32 $0x2710, s9  }
0xf: {  	s6 =	sshrl.u32 s6, $0x3;
	s9 =	smul.u32 $0x27100, s9;
	s29 =	sadd.s32 $0x50, s12  }
0x10: {  	s30 =	sadd.s32 s17, s28;
	s12 =	sadd.s32 $0xA0, s12;
	s14 =	sshrl.u32 s14, $0x3  }
0x11: {  	s17 =	simm.s32 $0x80;
	s13 =	sadd.s32 s6, s5;
	s5 =	sadd.s32 $0x3CC00, s19  }
0x12: {  	s6 =	sor.u32 $0x1C03, s25;
	s31 =	sshrl.u32 s29, $0x3;
	s19 =	simm.s32 $0x1  }
0x13: {  	s15 =	sshrl.u32 s22, $0x3;
	s8 =	sadd.s32 s10, s9;
	s9 =	sadd.s32 $0x64C00, s13  }
0x14: {  	s10 =	smax.u32 s11, $0x1;
	s11 =	sadd.s32 $0xA00, s30;
	s13 =	sadd.s32 s31, s4  }
0x15: {  	s22 =	simm.s32 $0x0;
	s7 =	sadd.s32 s4, s15;
	s15 =	simm.s32 $0x3  }
.LBB2_1:
0x16: {  	[spmem:s14], [sflag:s6] =	dma.local [hbm:s5], $0x2800  }
0x17: {  	_ =	swait.ge [sflag:s15], $0x2800  }
0x18: {  	[sflag:s15] =	ssyncset.done $0x0  }
0x19: {  	[sflag:s15] =	ssyncadd.s32 $0xFFFFD800  }
0x1a: {  	[bflag:$0x0] =	sbarrier.arrive $0xFFFF  }
0x1b: {  	[tilespmem:s3], [sflag:$0x1] =	stream.linear.gather [hbm4b:s7+s3], $0x50, $0x38;
	[tilespmem:$0x19100] =	vst v63  }
0x1c: {  	_ = 	snop  }
0x1d: {  	[tilespmem:s16], [sflag:$0x1] =	stream.linear.gather [hbm4b:s8+s3], $0x2800, $0x38;
	[tilespmem:$0x19100] =	vst v63  }
0x1e: {  	s23 =	sadd.s32 $0x0, s13  }
0x1f: {  	[tilespmem:s17], [sflag:$0x2] =	stream.linear.gather [hbm4b:s23+s3], $0x50, $0x38;
	[tilespmem:$0x19100] =	vst v63  }
0x20: {  	s30 =	sadd.s32 $0xFFFFFB00, s11  }
0x21: {  	[tilespmem:s18], [sflag:$0x2] =	stream.linear.gather [hbm4b:s30+s3], $0x2800, $0x38;
	[tilespmem:$0x19100] =	vst v63  }
0x22: {  	_ =	swait.ge [sflag:s19], $0x50  }
0x23: {  	[sflag:s19] =	ssyncset.done $0x0  }
0x24: {  	[sflag:s19] =	ssyncadd.s32 $0xFFFFFFB0  }
0x25: {  	_ =	swait.ge [sflag:s19], $0x2800  }
0x26: {  	[sflag:s19] =	ssyncset.done $0x0  }
0x27: {  	[sflag:s19] =	ssyncadd.s32 $0xFFFFD800  }
0x28: {  	[spmem:s2] =	stream.indirect.scatter.add.f32 [tilespmem:s16], [sflag:$0x3], $0x80, s3, s20, $0xb8;
	[tilespmem:$0x19100] =	vst v63  }
0x29: {  	_ =	swait.ge [sflag:s15], $0x2800  }
0x2a: {  	s31 =	sshrl.u32 s12, $0x3;
	[sflag:s15] =	ssyncset.done $0x0  }
0x2b: {  	s23 =	sadd.s32 s4, s31;
	[sflag:s15] =	ssyncadd.s32 $0xFFFFD800  }
0x2c: {  	[tilespmem:s3], [sflag:$0x1] =	stream.linear.gather [hbm4b:s23+s3], $0x50, $0x38;
	[tilespmem:$0x19100] =	vst v63  }
0x2d: {  	_ = 	snop  }
0x2e: {  	[tilespmem:s16], [sflag:$0x1] =	stream.linear.gather [hbm4b:s11+s3], $0x2800, $0x38;
	[tilespmem:$0x19100] =	vst v63  }
0x2f: {  	_ =	swait.ge [sflag:s21], $0x50  }
0x30: {  	[sflag:s21] =	ssyncset.done $0x0  }
0x31: {  	[sflag:s21] =	ssyncadd.s32 $0xFFFFFFB0  }
0x32: {  	_ =	swait.ge [sflag:s21], $0x2800  }
0x33: {  	[sflag:s21] =	ssyncset.done $0x0  }
0x34: {  	[sflag:s21] =	ssyncadd.s32 $0xFFFFD800  }
0x35: {  	[spmem:s2] =	stream.indirect.scatter.add.f32 [tilespmem:s18], [sflag:$0x3], $0x80, s17, s20, $0xb8;
	[tilespmem:$0x19100] =	vst v63  }
0x36: {  	s25 =	simm.s32 $0x14;
	s26 =	simm.s32 $0x28;
	_ =	swait.ge [sflag:s15], $0x2800  }
0x37: {  	s24 =	sadd.s32 $0xA0, s12;
	s23 =	sadd.s32 $0xA00, s11;
	[sflag:s15] =	ssyncset.done $0x0  }
.LBB2_2:
0x38: {  	s28 =	sadd.s32 s25, s13  }
0x39: {  	[sflag:s15] =	ssyncadd.s32 $0xFFFFD800;
	s25 =	smov.u32 s26;
	s29 =	sadd.s32 $0x14, s26  }
0x3a: {  	[tilespmem:s17], [sflag:$0x2] =	stream.linear.gather [hbm4b:s28+s3], $0x50, $0x38;
	[tilespmem:$0x19100] =	vst v63  }
0x3b: {  	p0 =	sne.s32 s26, $0x4C4;
	s26 =	sadd.s32 $0xFFFFFB00, s23  }
0x3c: {  	[tilespmem:s18], [sflag:$0x2] =	stream.linear.gather [hbm4b:s26+s3], $0x2800, $0x38;
	[tilespmem:$0x19100] =	vst v63  }
0x3d: {  	_ =	swait.ge [sflag:s19], $0x50  }
0x3e: {  	[sflag:s19] =	ssyncset.done $0x0  }
0x3f: {  	[sflag:s19] =	ssyncadd.s32 $0xFFFFFFB0  }
0x40: {  	_ =	swait.ge [sflag:s19], $0x2800  }
0x41: {  	[sflag:s19] =	ssyncset.done $0x0  }
0x42: {  	[sflag:s19] =	ssyncadd.s32 $0xFFFFD800  }
0x43: {  	[spmem:s2] =	stream.indirect.scatter.add.f32 [tilespmem:s16], [sflag:$0x3], $0x80, s3, s20, $0xb8;
	[tilespmem:$0x19100] =	vst v63  }
0x44: {  	_ =	swait.ge [sflag:s15], $0x2800  }
0x45: {  	s26 =	sshrl.u32 s24, $0x3;
	[sflag:s15] =	ssyncset.done $0x0  }
0x46: {  	s26 =	sadd.s32 s4, s26;
	[sflag:s15] =	ssyncadd.s32 $0xFFFFD800  }
0x47: {  	[tilespmem:s3], [sflag:$0x1] =	stream.linear.gather [hbm4b:s26+s3], $0x50, $0x38;
	[tilespmem:$0x19100] =	vst v63  }
0x48: {  	_ = 	snop  }
0x49: {  	[tilespmem:s16], [sflag:$0x1] =	stream.linear.gather [hbm4b:s23+s3], $0x2800, $0x38;
	[tilespmem:$0x19100] =	vst v63  }
0x4a: {  	_ =	swait.ge [sflag:s21], $0x50  }
0x4b: {  	[sflag:s21] =	ssyncset.done $0x0  }
0x4c: {  	[sflag:s21] =	ssyncadd.s32 $0xFFFFFFB0  }
0x4d: {  	_ =	swait.ge [sflag:s21], $0x2800  }
.Ltmp0:
0x4e: {  	[sflag:s21] =	ssyncset.done $0x0;
	(pc) =	sbr.rel @p0 .LBB2_2-.Ltmp0, $4  }
0x4f: {  	[sflag:s21] =	ssyncadd.s32 $0xFFFFD800  }
0x50: {  	[spmem:s2] =	stream.indirect.scatter.add.f32 [tilespmem:s18], [sflag:$0x3], $0x80, s17, s20, $0xb8;
	[tilespmem:$0x19100] =	vst v63  }
0x51: {  	s24 =	sadd.s32 $0xA0, s24;
	_ =	swait.ge [sflag:s15], $0x2800  }
0x52: {  	s26 =	smov.u32 s29;
	s23 =	sadd.s32 $0xA00, s23;
	[sflag:s15] =	ssyncset.done $0x0  }
0x53: {  	s25 =	sadd.s32 s25, s13;
	[sflag:s15] =	ssyncadd.s32 $0xFFFFD800  }
0x54: {  	[tilespmem:s17], [sflag:$0x2] =	stream.linear.gather [hbm4b:s25+s3], $0x50, $0x38;
	[tilespmem:$0x19100] =	vst v63  }
0x55: {  	s31 =	sadd.s32 $0xFFFFFB00, s23  }
0x56: {  	[tilespmem:s18], [sflag:$0x2] =	stream.linear.gather [hbm4b:s31+s3], $0x2800, $0x38;
	[tilespmem:$0x19100] =	vst v63  }
0x57: {  	_ =	swait.ge [sflag:s19], $0x50  }
0x58: {  	[sflag:s19] =	ssyncset.done $0x0  }
0x59: {  	[sflag:s19] =	ssyncadd.s32 $0xFFFFFFB0  }
0x5a: {  	_ =	swait.ge [sflag:s19], $0x2800  }
0x5b: {  	[sflag:s19] =	ssyncset.done $0x0  }
0x5c: {  	[sflag:s19] =	ssyncadd.s32 $0xFFFFD800  }
0x5d: {  	[spmem:s2] =	stream.indirect.scatter.add.f32 [tilespmem:s16], [sflag:$0x3], $0x80, s3, s20, $0xb8;
	[tilespmem:$0x19100] =	vst v63  }
0x5e: {  	_ =	swait.ge [sflag:s15], $0x2800  }
0x5f: {  	s24 =	sshrl.u32 s24, $0x3;
	[sflag:s15] =	ssyncset.done $0x0  }
0x60: {  	s24 =	sadd.s32 s4, s24;
	[sflag:s15] =	ssyncadd.s32 $0xFFFFD800  }
0x61: {  	[tilespmem:s3], [sflag:$0x1] =	stream.linear.gather [hbm4b:s24+s3], $0x50, $0x38;
	[tilespmem:$0x19100] =	vst v63  }
0x62: {  	_ = 	snop  }
0x63: {  	[tilespmem:s16], [sflag:$0x1] =	stream.linear.gather [hbm4b:s23+s3], $0x2800, $0x38;
	[tilespmem:$0x19100] =	vst v63  }
0x64: {  	_ =	swait.ge [sflag:s21], $0x50  }
0x65: {  	[sflag:s21] =	ssyncset.done $0x0  }
0x66: {  	[sflag:s21] =	ssyncadd.s32 $0xFFFFFFB0  }
0x67: {  	_ =	swait.ge [sflag:s21], $0x2800  }
0x68: {  	[sflag:s21] =	ssyncset.done $0x0  }
0x69: {  	[sflag:s21] =	ssyncadd.s32 $0xFFFFD800  }
0x6a: {  	[spmem:s2] =	stream.indirect.scatter.add.f32 [tilespmem:s18], [sflag:$0x3], $0x80, s17, s20, $0xb8;
	[tilespmem:$0x19100] =	vst v63  }
0x6b: {  	_ =	swait.ge [sflag:s15], $0x2800  }
0x6c: {  	[sflag:s15] =	ssyncset.done $0x0  }
0x6d: {  	[sflag:s15] =	ssyncadd.s32 $0xFFFFD800  }
0x6e: {  	_ =	swait.ge [sflag:s19], $0x50  }
0x6f: {  	[sflag:s19] =	ssyncset.done $0x0  }
0x70: {  	[sflag:s19] =	ssyncadd.s32 $0xFFFFFFB0  }
0x71: {  	_ =	swait.ge [sflag:s19], $0x2800  }
0x72: {  	[sflag:s19] =	ssyncset.done $0x0  }
0x73: {  	[sflag:s19] =	ssyncadd.s32 $0xFFFFD800  }
0x74: {  	[spmem:s2] =	stream.indirect.scatter.add.f32 [tilespmem:s16], [sflag:$0x3], $0x80, s3, s20, $0xb8;
	[tilespmem:$0x19100] =	vst v63  }
0x75: {  	_ =	swait.ge [sflag:s15], $0x2800  }
0x76: {  	s22 =	sadd.s32 $0x1, s22;
	[sflag:s15] =	ssyncset.done $0x0  }
0x77: {  	p0 =	sne.s32 s22, s10;
	[sflag:s15] =	ssyncadd.s32 $0xFFFFD800  }
.Ltmp1:
0x78: {  	[bflag:$0x0] =	sbarrier.arrive $0xFFFF;
	(pc) =	sbr.rel @p0 .LBB2_1-.Ltmp1, $4  }
0x79: {  	[hbm:s9], [sflag:s6] =	dma.local [spmem:s14], $0x2800  }
0x7a: {  	_ =	swait.ge [sflag:s15], $0x2800  }
0x7b: {  	[sflag:s15] =	ssyncset.done $0x0  }
0x7c: {  	[sflag:s15] =	ssyncadd.s32 $0xFFFFD800  }
0x7d: {  	_ =	sfence.sel $0x180000  }
0x7e: {  	[bflag:$0x0] =	sbarrier.arrive $0xFFFF  }
0x7f: {  	p0 =	sne.s32 s1, $0x0;
	_ =	strace $0x90000050  }
0x80: {  	s0 =	sadd.s32 @!p0 $0x100000, s0;
	[bflag:$0x2] =	sbarrier.arrive $0xFFFF  }
0x81: {  	[sflag:s0] =	ssyncadd.tile.s32 @!p0 $0x1;
	_ =	shalt  }
.Lfunc_end2:
_tile_overlayer_lowered:
.L_overlay_start_2:
0x82: {  	(tag) =	ssettag $0x2  }
0x83: {  	s0 =	rddreg [dreg:$0x0];
	s2 =	stileid.u32  }
0x84: {  	s1 =	rddreg [dreg:$0x1];
	p0 =	sne.s32 s2, $0x0  }
0x85: {  	s3 =	rddreg [dreg:$0x2];
	[bflag:$0x3] =	sbarrier.arrive $0xFFFF;
	s2 =	simm.s32 @!p0 $0x1C03  }
0x86: {  	[timem:s3], [sflag:s2] =	dma.local @!p0 [hbm:s0], s1  }
0x87: {  	s0 =	simm.s32 @!p0 $0x3  }
0x88: {  	_ =	swait.ge @!p0 [sflag:s0], s1  }
0x89: {  	s1 =	ssub.s32 @!p0 $0x0, s1;
	[sflag:s0] =	ssyncset.done @!p0 $0x0  }
0x8a: {  	[sflag:s0] =	ssyncadd.s32 @!p0 s1  }
0x8b: {  	[bflag:$0x3] =	sbarrier.arrive $0xFFFF  }
0x8c: {  	_ =	shalt  }

// kernel: kernel.19.cloned.1.call-start
scs
__scs_entry_jumppad:
0x0: {  	(pc) =	sbr.rel $0x88, $3  }
0x1: {  	(tag) =	ssettag $0x0;
	lr =	simm.s32 $0x1  }
0x2: {  	[smem:$0x3F8C] =	sst lr;
	_ =	strace $0xD0000000  }
0x3: {  	_ = 	snop  }
0x4: {  	_ = 	snop  }
0x5: {  	_ = 	snop  }
0x6: {  	_ = 	snop  }
0x7: {  	_ = 	snop  }
__scs_overlays_trampoline_lowered:
0x8: {  	[smem:$0x3F9B] =	sst s0  }
0x9: {  	[smem:$0x3F9C] =	sst s1  }
0xa: {  	[smem:$0x3F9D] =	sst s2  }
0xb: {  	[smem:$0x3F9E] =	sst s3  }
0xc: {  	[smem:$0x3F9F] =	sst s4  }
0xd: {  	[smem:$0x3FA0] =	sst s5  }
0xe: {  	[smem:$0x3FA1] =	sst s6  }
0xf: {  	[smem:$0x3FA2] =	sst s7  }
0x10: {  	[smem:$0x3FA3] =	sst s8  }
0x11: {  	[smem:$0x3FA4] =	sst s9;
	s0 =	simm.s32 @!p0 $0x0  }
0x12: {  	s1 =	sld [smem:$0x3F8A];
	s0 =	simm.s32 @p0 $0x1  }
0x13: {  	[smem:$0x3FA5] =	sst s0;
	s0 =	simm.s32 @!p1 $0x0  }
0x14: {  	s2 =	sld [smem:$0x3F89];
	s0 =	simm.s32 @p1 $0x1  }
0x15: {  	[smem:$0x3FA6] =	sst s0;
	s0 =	simm.s32 @!p2 $0x0  }
0x16: {  	s3 =	sld [smem:$0x3FDB];
	s0 =	simm.s32 @p2 $0x1  }
0x17: {  	s4 =	simm.s32 $0x1BF5;
	[smem:$0x3FA8] =	sst s0  }
0x18: {  	s0 =	sld [smem:$0x3F8B];
	_ =	swait.ge [sflag:s4], $0x0  }
0x19: {  	s7 =	sld [smem:$0x3F8C]  }
0x1a: {  	s8 =	sadd.s32 $0xFFFFE003, lr  }
0x1b: {  	s9 =	sadd.s32 $0xFFFFFEF7, lr;
	s5 =	simm.s32 $0xFFFFFFFF;
	p2 =	slt.u32 s8, $0xFFFFF086  }
0x1c: {  	p1 =	slt.u32 s9, $0xF7A;
	s5 =	simm.s32 @!p2 $0x0  }
0x1d: {  	s5 =	simm.s32 @p1 $0x1;
	p0 =	seq.s32 s7, s2  }
0x1e: {  	s7 =	smul.u32 @!p0 $0xF7A, s2;
	p2 =	seq.s32 @!p0 s5, $0x0  }
0x1f: {  	s9 =	smul.u32 $0xF7A, s1;
	s8 =	simm.s32 @!p0 $0x1BF5;
	p2 =	por !p2, p0  }
0x20: {  	[sflag:s8] =	ssyncset.s32 @!p0 $0xFFFFF086;
	s6 =	sadd.s32 @!p0 s3, s7;
	s7 =	simm.s32 @!p0 $0x108  }
0x21: {  	s3 =	sadd.s32 s3, s9;
	s6 =	sadd.s32 @!p0 $0x88, s6;
	s7 =	simm.s32 @p2 $0x1082  }
0x22: {  	[simem:s7], [sflag:s8] =	dma.local @!p0 [hbm:s6], $0xF7A  }
0x23: {  	s9 =	sor.u32 $0xD0000000, s2;
	s6 =	simm.s32 $0x108;
	_ =	swait.ge @!p0 [sflag:s8], $0x0  }
0x24: {  	s3 =	sadd.s32 $0x88, s3;
	s6 =	simm.s32 @!p1 $0x1082;
	[sflag:s4] =	ssyncset.s32 $0xFFFFF086  }
0x25: {  	[simem:s6], [sflag:s4] =	dma.local [hbm:s3], $0xF7A  }
0x26: {  	[smem:$0x3F8C] =	sst s1;
	(tag) =	ssettag s2;
	_ =	strace s9  }
0x27: {  	s1 =	sld [smem:$0x3F9C]  }
0x28: {  	s2 =	sld [smem:$0x3F9D]  }
0x29: {  	s4 =	sld [smem:$0x3F9F]  }
0x2a: {  	p0 =	seq.s32 s5, $0x0;
	s5 =	sld [smem:$0x3FA0]  }
0x2b: {  	s6 =	sld [smem:$0x3FA1]  }
0x2c: {  	s7 =	sld [smem:$0x3FA2]  }
0x2d: {  	s3 =	simm.s32 $0x108;
	s8 =	sld [smem:$0x3FA3]  }
0x2e: {  	s3 =	simm.s32 @!p0 $0x1082;
	s9 =	sld [smem:$0x3FA4]  }
0x2f: {  	lr =	sadd.s32 s0, s3;
	s0 =	sld [smem:$0x3F9B]  }
0x30: {  	s3 =	sld [smem:$0x3F9E]  }
0x31: {  	[smem:$0x3FA7] =	sst s10  }
0x32: {  	s10 =	sld [smem:$0x3FA5];
	_ =	sdelay $0x3  }
0x33: {  	p0 =	seq.s32 s10, $0x1;
	s10 =	sld [smem:$0x3FA7];
	_ =	sdelay $0x3  }
0x34: {  	[smem:$0x3FA7] =	sst s10  }
0x35: {  	s10 =	sld [smem:$0x3FA6];
	_ =	sdelay $0x3  }
0x36: {  	p1 =	seq.s32 s10, $0x1;
	s10 =	sld [smem:$0x3FA7];
	_ =	sdelay $0x3  }
0x37: {  	[smem:$0x3FA7] =	sst s10  }
0x38: {  	s10 =	sld [smem:$0x3FA8]  }
0x39: {  	_ = 	snop;
	(pc) =	sbr.ind lr, $3  }
0x3a: {  	_ = 	snop  }
0x3b: {  	_ = 	snop  }
0x3c: {  	p2 =	seq.s32 s10, $0x1;
	s10 =	sld [smem:$0x3FA7]  }
0x3d: {  	_ =	shalt  }
0x3e: {  	_ =	shalt  }
0x3f: {  	_ =	shalt  }
0x40: {  	_ =	shalt  }
0x41: {  	_ =	shalt  }
0x42: {  	_ =	shalt  }
0x43: {  	_ =	shalt  }
0x44: {  	_ =	shalt  }
0x45: {  	_ =	shalt  }
0x46: {  	_ =	shalt  }
0x47: {  	_ =	shalt  }
0x48: {  	_ =	shalt  }
0x49: {  	_ =	shalt  }
0x4a: {  	_ =	shalt  }
0x4b: {  	_ =	shalt  }
0x4c: {  	_ =	shalt  }
0x4d: {  	_ =	shalt  }
0x4e: {  	_ =	shalt  }
0x4f: {  	_ =	shalt  }
0x50: {  	_ =	shalt  }
0x51: {  	_ =	shalt  }
0x52: {  	_ =	shalt  }
0x53: {  	_ =	shalt  }
0x54: {  	_ =	shalt  }
0x55: {  	_ =	shalt  }
0x56: {  	_ =	shalt  }
0x57: {  	_ =	shalt  }
0x58: {  	_ =	shalt  }
0x59: {  	_ =	shalt  }
0x5a: {  	_ =	shalt  }
0x5b: {  	_ =	shalt  }
0x5c: {  	_ =	shalt  }
0x5d: {  	_ =	shalt  }
0x5e: {  	_ =	shalt  }
0x5f: {  	_ =	shalt  }
0x60: {  	_ =	shalt  }
0x61: {  	_ =	shalt  }
0x62: {  	_ =	shalt  }
0x63: {  	_ =	shalt  }
0x64: {  	_ =	shalt  }
0x65: {  	_ =	shalt  }
0x66: {  	_ =	shalt  }
0x67: {  	_ =	shalt  }
0x68: {  	_ =	shalt  }
0x69: {  	_ =	shalt  }
0x6a: {  	_ =	shalt  }
0x6b: {  	_ =	shalt  }
0x6c: {  	_ =	shalt  }
0x6d: {  	_ =	shalt  }
0x6e: {  	_ =	shalt  }
0x6f: {  	_ =	shalt  }
0x70: {  	_ =	shalt  }
0x71: {  	_ =	shalt  }
0x72: {  	_ =	shalt  }
0x73: {  	_ =	shalt  }
0x74: {  	_ =	shalt  }
0x75: {  	_ =	shalt  }
0x76: {  	_ =	shalt  }
0x77: {  	_ =	shalt  }
0x78: {  	_ =	shalt  }
0x79: {  	_ =	shalt  }
0x7a: {  	_ =	shalt  }
0x7b: {  	_ =	shalt  }
0x7c: {  	_ =	shalt  }
0x7d: {  	_ =	shalt  }
0x7e: {  	_ =	shalt  }
0x7f: {  	_ =	shalt  }
0x80: {  	_ =	shalt  }
0x81: {  	_ =	shalt  }
0x82: {  	_ =	shalt  }
0x83: {  	_ =	shalt  }
0x84: {  	_ =	shalt  }
0x85: {  	_ =	shalt  }
0x86: {  	_ =	shalt  }
0x87: {  	_ =	shalt  }
.Lfunc_end0:
.L_simem_size_0:
called_computation.3_lowered:
.L_overlay_start_0:
0x88: {  	s2 =	sld [smem:$0x3FD9]  }
0x89: {  	s3 =	sld [smem:$0x3FFE];
	_ =	sdelay $0x1  }
0x8a: {  	s1 =	srdreg.scid  }
0x8b: {  	s0 =	sand.u32 $0x1, s1  }
0x8c: {  	s14 =	sshll.u32 s0, $0xA;
	s2 =	sadd.s32 s3, s2  }
0x8d: {  	s2 =	sadd.s32 s2, s14  }
0x8e: {  	[smem:$0x3FB3] =	sst s2  }
0x8f: {  	_ = 	snop  }
0x90: {  	s2 =	sld [smem:$0x3FD0];
	_ =	sdelay $0x2  }
0x91: {  	s15 =	simm.s32 $0xB;
	s4 =	simm.s32 $0x10  }
0x92: {  	[smem:s4], [sflag:s15] =	dma.local [hbm:s2], $0x1  }
0x93: {  	_ =	swait.eq [sflag:s15], $0x1  }
0x94: {  	[sflag:s15] =	ssyncset.done $0x0  }
0x95: {  	[sflag:s15] =	ssyncadd.s32 $0xFFFFFFFF  }
0x96: {  	s16 =	sld [smem:$0x10];
	(tm) =	ssettm $0x1  }
0x97: {  	s17 =	sld [smem:$0x3FFB];
	_ =	sdelay $0x3  }
0x98: {  	_ =	strace s17  }
0x99: {  	s3 =	sld [smem:$0x3FFC];
	_ =	sdelay $0x3  }
0x9a: {  	_ =	strace s3  }
0x9b: {  	s3 =	sld [smem:$0x3FFD];
	_ =	sdelay $0x3  }
0x9c: {  	_ =	strace s3  }
0x9d: {  	_ =	strace $0x8FFFFFFF  }
0x9e: {  	s18 =	sld [smem:$0x3FDB];
	_ =	sdelay $0x1  }
0x9f: {  	s19 =	simm.s32 $_scs_section_size  }
0xa0: {  	s5 =	simm.s32 $_size__tile_overlayer_lowered;
	s6 =	simm.s32 $_tile_overlayer_lowered  }
0xa1: {  	s22 =	simm.s32 $0x1BFF;
	s21 =	sshll.u32 s6, $0x1;
	s3 =	sadd.s32 s19, s18  }
0xa2: {  	s7 =	simm.s32 $0x0;
	s20 =	sshll.u32 s5, $0x1;
	s5 =	sadd.s32 s21, s3  }
0xa3: {  	[timem:s7], [sflag:s22] =	dma.local [hbm:s5], s20  }
0xa4: {  	_ =	swait.ge [sflag:s22], s20  }
0xa5: {  	s4 =	ssub.s32 $0x0, s20;
	[sflag:s22] =	ssyncset.done $0x0  }
0xa6: {  	[sflag:s22] =	ssyncadd.s32 s4;
	_ =	sdelay $0x1  }
0xa7: {  	s23 =	simm.s32 $0x1B8B  }
0xa8: {  	_ =	swait.ge [sflag:s23], $0x1  }
0xa9: {  	[sflag:s23] =	ssyncset.done $0x0  }
0xaa: {  	s25 =	simm.s32 $0x1B8E;
	s24 =	sld [smem:$0x3FFE];
	[sflag:s23] =	ssyncadd.s32 $0xFFFFFFFF  }
0xab: {  	s26 =	simm.s32 $execute0_lowered;
	[smem:$0x3FD2] =	sst s25  }
0xac: {  	s5 =	sshll.u32 s26, $0x1;
	_ =	strace $0x8000004C;
	[dreg:$0x1] =	wrdreg $0xFFFFFFFF  }
0xad: {  	s28 =	simm.s32 $_size_execute0_lowered;
	s3 =	sadd.s32 s3, s5;
	[dreg:$0x0] =	wrdreg $0x0  }
0xae: {  	s5 =	sshll.u32 s28, $0x1;
	[dreg:$0x2] =	wrdreg s3  }
0xaf: {  	[dreg:$0x3] =	wrdreg s5  }
0xb0: {  	[dreg:$0x4] =	wrdreg $0xC0  }
0xb1: {  	_ =	task [dreg:s7], $0x5FFFF  }
0xb2: {  	[dreg:$0x1] =	wrdreg $0xFFFFFFFF  }
0xb3: {  	[dreg:$0x0] =	wrdreg $0x60  }
0xb4: {  	[dreg:$0x2] =	wrdreg s16  }
0xb5: {  	[dreg:$0x3] =	wrdreg s24  }
0xb6: {  	[dreg:$0x4] =	wrdreg $0xA  }
0xb7: {  	_ =	task.clear_ibuf [dreg:s7], $0x5FFFF;
	_ =	strace $0x9000004C  }
0xb8: {  	s29 =	simm.s32 $0xA;
	_ =	strace $0x8000004E  }
0xb9: {  	_ =	swait.ge [sflag:s29], $0x1  }
0xba: {  	[sflag:s29] =	ssyncadd.s32 $0xFFFFFFFF  }
0xbb: {  	_ =	strace $0x9000004E  }
0xbc: {  	_ =	sfence  }
0xbd: {  	s30 =	sld [smem:$0x0];
	_ =	sdelay $0x2  }
0xbe: {  	s31 =	sshll.u32 s1, $0xD;
	s1 =	sshrl.u32 s1, $0x2  }
0xbf: {  	s3 =	sand.u32 $0x4000, s31;
	s1 =	sadd.s32 s1, s30  }
0xc0: {  	s0 =	sor.u32 s3, s0;
	s1 =	sshll.u32 s1, $0x11  }
0xc1: {  	s0 =	sor.u32 s1, s0  }
0xc2: {  	s0 =	sadd.s32 $0x8F2B, s0  }
0xc3: {  	[sflag:s0] =	ssyncadd.remote.s32 $0x1  }
0xc4: {  	_ =	sfence.sel $0xFFFF  }
0xc5: {  	[dreg:$0x0] =	wrdreg $0xFFFFFFFF;
	(pc) =	sbr.abs _section_cstart, $3  }
0xc6: {  	[dreg:$0x1] =	wrdreg $0xFFFFFFFF  }
0xc7: {  	_ =	task.clear_ibuf [dreg:s7], $0x2FFFF;
	_ =	strace $0x9FFFFFFF  }
0xc8: {  	(tm) =	ssettm $0x7FFFFFFF  }
0xc9: {  	_ =	shalt  }
tec
execute0_lowered:
.L_overlay_start_1:
0x0: {  	(tag) =	ssettag $0x1  }
0x1: {  	s2 =	rddreg [dreg:$0x0]  }
0x2: {  	s0 =	srdreg.scid;
	s6 =	rddreg [dreg:$0x1];
	s3 =	simm.s32 $0x0  }
0x3: {  	s13 =	simm.s32 $0x80;
	s14 =	simm.s32 $0x280;
	s15 =	simm.s32 $0x1  }
0x4: {  	s16 =	simm.s32 $0x400;
	s17 =	simm.s32 $0x2;
	s18 =	simm.s32 $0x3  }
0x5: {  	s19 =	simm.s32 $0x0;
	s4 =	sand.u32 $0x1, s0;
	s0 =	stileid.u32  }
0x6: {  	[smem:$0x7FF] =	sst s3;
	s1 =	sshll.u32 s4, $0x4;
	s8 =	smul.u32 $0x27100, s4  }
0x7: {  	v0 =	vlaneseq.u32;
	s9 =	ssub.s32 $0x2, s4;
	s10 =	smul.u32 $0x2710, s0;
	s4 =	sadd.s32 $0xBC00, s6  }
0x8: {  	v0 =	vmul.u32 $0x4, v0;
	s5 =	sor.u32 s0, s1;
	s1 =	rddreg [dreg:$0x2];
	_ =	strace $0x8000004D  }
0x9: {  	s29 =	sshrl.u32 s9, $0x1;
	s7 =	smul.u32 $0x1388, s5;
	s10 =	sadd.s32 s10, s8  }
0xa: {  	v1 =	vimm.f32 $0.0e+00;
	v2 =	vor.u32 $0x1, v0;
	v3 =	vor.u32 $0x2, v0;
	s5 =	smul.u32 $0x2710, s5;
	s9 =	ssub.s32 s9, s29;
	s12 =	sadd.s32 $0x50, s10  }
0xb: {  	v4 =	vor.u32 $0x40, v0;
	v5 =	vor.u32 $0x41, v0;
	v6 =	vor.u32 $0x42, v0;
	s8 =	smax.u32 s9, $0x1;
	s9 =	sadd.s32 $0xA0, s10;
	s11 =	sadd.s32 s7, s6  }
0xc: {  	v7 =	vor.u32 $0x80, v0;
	v8 =	vor.u32 $0x81, v0;
	v9 =	vor.u32 $0x82, v0;
	s5 =	sshrl.u32 s5, $0x3;
	s6 =	sadd.s32 s2, s7;
	s30 =	sshrl.u32 s12, $0x1  }
0xd: {  	v10 =	vor.u32 $0xC0, v0;
	v11 =	vor.u32 $0xC1, v0;
	v12 =	vor.u32 $0xC2, v0;
	s31 =	sshrl.u32 s12, $0x3;
	s12 =	simm.s32 $0x100;
	s5 =	sadd.s32 s4, s5  }
0xe: {  	v13 =	vor.u32 $0x100, v0;
	v14 =	vor.u32 $0x101, v0;
	v15 =	vor.u32 $0x102, v0;
	s7 =	sadd.s32 $0x15A00, s11;
	s10 =	sadd.s32 s30, s2;
	s11 =	sadd.s32 s31, s4  }
.LBB2_1:
0xf: {  	s20 =	simm.s32 $0x40;
	s21 =	simm.s32 $0x0  }
.LBB2_2:
0x10: {  	p0 =	sne.s32 s20, $0x270C0;
	[tilespmem:s21+$0x400] =	vst v1;
	s21 =	smov.u32 s20;
	s20 =	sadd.s32 $0x40, s20  }
.Ltmp0:
0x11: {  	(pc) =	sbr.rel @p0 .LBB2_2-.Ltmp0, $2  }
0x12: {  	_ =	sdelay $0x2  }
0x13: {  	s21 =	sshra.s32 s21, $0x2  }
0x14: {  	[tilespmem:s21+$0x400] =	vst v1;
	s20 =	simm.s32 $0x0  }
0x15: {  	[tilespmem:s20], [sflag:$0x1] =	stream.linear.gather [hbm4b:s5+s20], $0x50, $0x38;
	[tilespmem:$0xA080] =	vst v63  }
0x16: {  	s21 =	smov.u32 s10;
	s22 =	smov.u32 s9  }
0x17: {  	[tilespmem:s12], [sflag:$0x1] =	stream.linear.gather [hbm4b:s6+s20], $0x140, $0x38;
	[tilespmem:$0xA080] =	vst v63  }
.LBB2_4:
0x18: {  	s23 =	sadd.s32 s20, s11  }
0x19: {  	[tilespmem:s13], [sflag:$0x2] =	stream.linear.gather [hbm4b:s23+s3], $0x50, $0x38;
	[tilespmem:$0xA080] =	vst v63  }
0x1a: {  	_ = 	snop  }
0x1b: {  	[tilespmem:s14], [sflag:$0x2] =	stream.linear.gather [hbm4b:s21+s3], $0x140, $0x38;
	[tilespmem:$0xA080] =	vst v63  }
0x1c: {  	_ =	swait.ge [sflag:s15], $0x50  }
0x1d: {  	[sflag:s15] =	ssyncset.done $0x0  }
0x1e: {  	[sflag:s15] =	ssyncadd.s32 $0xFFFFFFB0  }
0x1f: {  	_ =	swait.ge [sflag:s15], $0x140  }
0x20: {  	[sflag:s15] =	ssyncset.done $0x0  }
0x21: {  	[sflag:s15] =	ssyncadd.s32 $0xFFFFFEC0  }
0x22: {  	v16 =	vld [tilespmem:$0x0];
	_ =	sdelay $0x4  }
0x23: {  	v17 =	vld.idx.msk [tilespmem:v0+s12+$0x0], $0xffff;
	v16 =	vshll.u32 v16, $0x2;
	_ =	sdelay $0x4  }
0x24: {  	[tilespmem:v16+s16+$0x0] =	vst.idx.add.f32.msk $0xffff, v17  }
0x25: {  	v18 =	vor.u32 $0x1, v16;
	v17 =	vld.idx.msk [tilespmem:v2+s12+$0x0], $0xffff;
	_ =	sdelay $0x4  }
0x26: {  	[tilespmem:v18+s16+$0x0] =	vst.idx.add.f32.msk $0xffff, v17  }
0x27: {  	v16 =	vor.u32 $0x2, v16;
	v17 =	vld.idx.msk [tilespmem:v3+s12+$0x0], $0xffff;
	_ =	sdelay $0x4  }
0x28: {  	[tilespmem:v16+s16+$0x0] =	vst.idx.add.f32.msk $0xffff, v17  }
0x29: {  	v16 =	vld [tilespmem:$0x10];
	_ =	sdelay $0x4  }
0x2a: {  	v17 =	vld.idx.msk [tilespmem:v4+s12+$0x0], $0xffff;
	v16 =	vshll.u32 v16, $0x2;
	_ =	sdelay $0x4  }
0x2b: {  	[tilespmem:v16+s16+$0x0] =	vst.idx.add.f32.msk $0xffff, v17  }
0x2c: {  	v55 =	vor.u32 $0x1, v16;
	v17 =	vld.idx.msk [tilespmem:v5+s12+$0x0], $0xffff;
	_ =	sdelay $0x4  }
0x2d: {  	[tilespmem:v55+s16+$0x0] =	vst.idx.add.f32.msk $0xffff, v17  }
0x2e: {  	v16 =	vor.u32 $0x2, v16;
	v17 =	vld.idx.msk [tilespmem:v6+s12+$0x0], $0xffff;
	_ =	sdelay $0x4  }
0x2f: {  	[tilespmem:v16+s16+$0x0] =	vst.idx.add.f32.msk $0xffff, v17  }
0x30: {  	v16 =	vld [tilespmem:$0x20];
	_ =	sdelay $0x4  }
0x31: {  	v17 =	vld.idx.msk [tilespmem:v7+s12+$0x0], $0xffff;
	v16 =	vshll.u32 v16, $0x2;
	_ =	sdelay $0x4  }
0x32: {  	[tilespmem:v16+s16+$0x0] =	vst.idx.add.f32.msk $0xffff, v17  }
0x33: {  	v56 =	vor.u32 $0x1, v16;
	v17 =	vld.idx.msk [tilespmem:v8+s12+$0x0], $0xffff;
	_ =	sdelay $0x4  }
0x34: {  	[tilespmem:v56+s16+$0x0] =	vst.idx.add.f32.msk $0xffff, v17  }
0x35: {  	v16 =	vor.u32 $0x2, v16;
	v17 =	vld.idx.msk [tilespmem:v9+s12+$0x0], $0xffff;
	_ =	sdelay $0x4  }
0x36: {  	[tilespmem:v16+s16+$0x0] =	vst.idx.add.f32.msk $0xffff, v17  }
0x37: {  	v16 =	vld [tilespmem:$0x30];
	_ =	sdelay $0x4  }
0x38: {  	v17 =	vld.idx.msk [tilespmem:v10+s12+$0x0], $0xffff;
	v16 =	vshll.u32 v16, $0x2;
	_ =	sdelay $0x4  }
0x39: {  	[tilespmem:v16+s16+$0x0] =	vst.idx.add.f32.msk $0xffff, v17  }
0x3a: {  	v57 =	vor.u32 $0x1, v16;
	v17 =	vld.idx.msk [tilespmem:v11+s12+$0x0], $0xffff;
	_ =	sdelay $0x4  }
0x3b: {  	[tilespmem:v57+s16+$0x0] =	vst.idx.add.f32.msk $0xffff, v17  }
0x3c: {  	v16 =	vor.u32 $0x2, v16;
	v17 =	vld.idx.msk [tilespmem:v12+s12+$0x0], $0xffff;
	_ =	sdelay $0x4  }
0x3d: {  	[tilespmem:v16+s16+$0x0] =	vst.idx.add.f32.msk $0xffff, v17  }
0x3e: {  	v16 =	vld [tilespmem:$0x40];
	_ =	sdelay $0x4  }
0x3f: {  	v17 =	vld.idx.msk [tilespmem:v13+s12+$0x0], $0xffff;
	v16 =	vshll.u32 v16, $0x2;
	_ =	sdelay $0x4  }
0x40: {  	[tilespmem:v16+s16+$0x0] =	vst.idx.add.f32.msk $0xffff, v17  }
0x41: {  	v58 =	vor.u32 $0x1, v16;
	v17 =	vld.idx.msk [tilespmem:v14+s12+$0x0], $0xffff;
	_ =	sdelay $0x4  }
0x42: {  	[tilespmem:v58+s16+$0x0] =	vst.idx.add.f32.msk $0xffff, v17  }
0x43: {  	v16 =	vor.u32 $0x2, v16;
	v17 =	vld.idx.msk [tilespmem:v15+s12+$0x0], $0xffff;
	_ =	sdelay $0x3  }
0x44: {  	s30 =	sshrl.u32 s22, $0x3  }
0x45: {  	s31 =	sshrl.u32 s22, $0x1;
	s23 =	sadd.s32 s4, s30;
	[tilespmem:v16+s16+$0x0] =	vst.idx.add.f32.msk $0xffff, v17  }
0x46: {  	[tilespmem:s3], [sflag:$0x1] =	stream.linear.gather [hbm4b:s23+s3], $0x50, $0x38;
	[tilespmem:$0xA080] =	vst v63  }
0x47: {  	s23 =	sand.u32 $0x1FFFFFF8, s31  }
0x48: {  	s23 =	sadd.s32 s2, s23  }
0x49: {  	[tilespmem:s12], [sflag:$0x1] =	stream.linear.gather [hbm4b:s23+s3], $0x140, $0x38;
	[tilespmem:$0xA080] =	vst v63  }
0x4a: {  	_ =	swait.ge [sflag:s17], $0x50  }
0x4b: {  	[sflag:s17] =	ssyncset.done $0x0  }
0x4c: {  	[sflag:s17] =	ssyncadd.s32 $0xFFFFFFB0  }
0x4d: {  	_ =	swait.ge [sflag:s17], $0x140  }
0x4e: {  	[sflag:s17] =	ssyncset.done $0x0  }
0x4f: {  	[sflag:s17] =	ssyncadd.s32 $0xFFFFFEC0  }
0x50: {  	v16 =	vld [tilespmem:$0x80];
	_ =	sdelay $0x4  }
0x51: {  	v17 =	vld.idx.msk [tilespmem:v0+s14+$0x0], $0xffff;
	v16 =	vshll.u32 v16, $0x2;
	_ =	sdelay $0x4  }
0x52: {  	[tilespmem:v16+s16+$0x0] =	vst.idx.add.f32.msk $0xffff, v17  }
0x53: {  	v59 =	vor.u32 $0x1, v16;
	v17 =	vld.idx.msk [tilespmem:v2+s14+$0x0], $0xffff;
	_ =	sdelay $0x4  }
0x54: {  	[tilespmem:v59+s16+$0x0] =	vst.idx.add.f32.msk $0xffff, v17  }
0x55: {  	v16 =	vor.u32 $0x2, v16;
	v17 =	vld.idx.msk [tilespmem:v3+s14+$0x0], $0xffff;
	_ =	sdelay $0x4  }
0x56: {  	[tilespmem:v16+s16+$0x0] =	vst.idx.add.f32.msk $0xffff, v17  }
0x57: {  	v16 =	vld [tilespmem:$0x90];
	_ =	sdelay $0x4  }
0x58: {  	v17 =	vld.idx.msk [tilespmem:v4+s14+$0x0], $0xffff;
	v16 =	vshll.u32 v16, $0x2;
	_ =	sdelay $0x4  }
0x59: {  	[tilespmem:v16+s16+$0x0] =	vst.idx.add.f32.msk $0xffff, v17  }
0x5a: {  	v60 =	vor.u32 $0x1, v16;
	v17 =	vld.idx.msk [tilespmem:v5+s14+$0x0], $0xffff;
	_ =	sdelay $0x4  }
0x5b: {  	[tilespmem:v60+s16+$0x0] =	vst.idx.add.f32.msk $0xffff, v17  }
0x5c: {  	v16 =	vor.u32 $0x2, v16;
	v17 =	vld.idx.msk [tilespmem:v6+s14+$0x0], $0xffff;
	_ =	sdelay $0x4  }
0x5d: {  	[tilespmem:v16+s16+$0x0] =	vst.idx.add.f32.msk $0xffff, v17  }
0x5e: {  	v16 =	vld [tilespmem:$0xA0];
	_ =	sdelay $0x4  }
0x5f: {  	v17 =	vld.idx.msk [tilespmem:v7+s14+$0x0], $0xffff;
	v16 =	vshll.u32 v16, $0x2;
	_ =	sdelay $0x4  }
0x60: {  	[tilespmem:v16+s16+$0x0] =	vst.idx.add.f32.msk $0xffff, v17  }
0x61: {  	v61 =	vor.u32 $0x1, v16;
	v17 =	vld.idx.msk [tilespmem:v8+s14+$0x0], $0xffff;
	_ =	sdelay $0x4  }
0x62: {  	[tilespmem:v61+s16+$0x0] =	vst.idx.add.f32.msk $0xffff, v17  }
0x63: {  	v16 =	vor.u32 $0x2, v16;
	v17 =	vld.idx.msk [tilespmem:v9+s14+$0x0], $0xffff;
	_ =	sdelay $0x4  }
0x64: {  	[tilespmem:v16+s16+$0x0] =	vst.idx.add.f32.msk $0xffff, v17  }
0x65: {  	v16 =	vld [tilespmem:$0xB0];
	_ =	sdelay $0x4  }
0x66: {  	v17 =	vld.idx.msk [tilespmem:v10+s14+$0x0], $0xffff;
	v16 =	vshll.u32 v16, $0x2;
	_ =	sdelay $0x4  }
0x67: {  	[tilespmem:v16+s16+$0x0] =	vst.idx.add.f32.msk $0xffff, v17  }
0x68: {  	v62 =	vor.u32 $0x1, v16;
	v17 =	vld.idx.msk [tilespmem:v11+s14+$0x0], $0xffff;
	_ =	sdelay $0x4  }
0x69: {  	[tilespmem:v62+s16+$0x0] =	vst.idx.add.f32.msk $0xffff, v17  }
0x6a: {  	v16 =	vor.u32 $0x2, v16;
	v17 =	vld.idx.msk [tilespmem:v12+s14+$0x0], $0xffff;
	_ =	sdelay $0x4  }
0x6b: {  	[tilespmem:v16+s16+$0x0] =	vst.idx.add.f32.msk $0xffff, v17  }
0x6c: {  	v16 =	vld [tilespmem:$0xC0];
	_ =	sdelay $0x4  }
0x6d: {  	v17 =	vld.idx.msk [tilespmem:v13+s14+$0x0], $0xffff;
	v16 =	vshll.u32 v16, $0x2;
	_ =	sdelay $0x4  }
0x6e: {  	[tilespmem:v16+s16+$0x0] =	vst.idx.add.f32.msk $0xffff, v17  }
0x6f: {  	v63 =	vor.u32 $0x1, v16;
	v17 =	vld.idx.msk [tilespmem:v14+s14+$0x0], $0xffff;
	_ =	sdelay $0x4  }
0x70: {  	[tilespmem:v63+s16+$0x0] =	vst.idx.add.f32.msk $0xffff, v17  }
0x71: {  	p0 =	sne.s32 s20, $0x4C4;
	v16 =	vor.u32 $0x2, v16;
	v17 =	vld.idx.msk [tilespmem:v15+s14+$0x0], $0xffff  }
.Ltmp1:
0x72: {  	_ = 	snop;
	(pc) =	sbr.rel @p0 .LBB2_4-.Ltmp1, $2  }
0x73: {  	_ =	sdelay $0x2  }
0x74: {  	s22 =	sadd.s32 $0xA0, s22;
	s20 =	sadd.s32 $0x14, s20;
	s21 =	sadd.s32 $0x50, s21;
	[tilespmem:v16+s16+$0x0] =	vst.idx.add.f32.msk $0xffff, v17  }
0x75: {  	_ =	swait.ge [sflag:s15], $0x50  }
0x76: {  	[sflag:s15] =	ssyncset.done $0x0  }
0x77: {  	[sflag:s15] =	ssyncadd.s32 $0xFFFFFFB0  }
0x78: {  	_ =	swait.ge [sflag:s15], $0x140  }
0x79: {  	[sflag:s15] =	ssyncset.done $0x0  }
0x7a: {  	[sflag:s15] =	ssyncadd.s32 $0xFFFFFEC0  }
0x7b: {  	v16 =	vld [tilespmem:$0x0];
	_ =	sdelay $0x4  }
0x7c: {  	v17 =	vld.idx.msk [tilespmem:v0+s12+$0x0], $0xffff;
	v16 =	vshll.u32 v16, $0x2;
	_ =	sdelay $0x4  }
0x7d: {  	[tilespmem:v16+s16+$0x0] =	vst.idx.add.f32.msk $0xffff, v17  }
0x7e: {  	v18 =	vor.u32 $0x1, v16;
	v17 =	vld.idx.msk [tilespmem:v2+s12+$0x0], $0xffff;
	_ =	sdelay $0x4  }
0x7f: {  	[tilespmem:v18+s16+$0x0] =	vst.idx.add.f32.msk $0xffff, v17  }
0x80: {  	v16 =	vor.u32 $0x2, v16;
	v17 =	vld.idx.msk [tilespmem:v3+s12+$0x0], $0xffff;
	_ =	sdelay $0x4  }
0x81: {  	[tilespmem:v16+s16+$0x0] =	vst.idx.add.f32.msk $0xffff, v17  }
0x82: {  	v16 =	vld [tilespmem:$0x10];
	_ =	sdelay $0x4  }
0x83: {  	v17 =	vld.idx.msk [tilespmem:v4+s12+$0x0], $0xffff;
	v16 =	vshll.u32 v16, $0x2;
	_ =	sdelay $0x4  }
0x84: {  	[tilespmem:v16+s16+$0x0] =	vst.idx.add.f32.msk $0xffff, v17  }
0x85: {  	v60 =	vor.u32 $0x1, v16;
	v17 =	vld.idx.msk [tilespmem:v5+s12+$0x0], $0xffff;
	_ =	sdelay $0x4  }
0x86: {  	[tilespmem:v60+s16+$0x0] =	vst.idx.add.f32.msk $0xffff, v17  }
0x87: {  	v16 =	vor.u32 $0x2, v16;
	v17 =	vld.idx.msk [tilespmem:v6+s12+$0x0], $0xffff;
	_ =	sdelay $0x4  }
0x88: {  	[tilespmem:v16+s16+$0x0] =	vst.idx.add.f32.msk $0xffff, v17  }
0x89: {  	v16 =	vld [tilespmem:$0x20];
	_ =	sdelay $0x4  }
0x8a: {  	v17 =	vld.idx.msk [tilespmem:v7+s12+$0x0], $0xffff;
	v16 =	vshll.u32 v16, $0x2;
	_ =	sdelay $0x4  }
0x8b: {  	[tilespmem:v16+s16+$0x0] =	vst.idx.add.f32.msk $0xffff, v17  }
0x8c: {  	v61 =	vor.u32 $0x1, v16;
	v17 =	vld.idx.msk [tilespmem:v8+s12+$0x0], $0xffff;
	_ =	sdelay $0x4  }
0x8d: {  	[tilespmem:v61+s16+$0x0] =	vst.idx.add.f32.msk $0xffff, v17  }
0x8e: {  	v16 =	vor.u32 $0x2, v16;
	v17 =	vld.idx.msk [tilespmem:v9+s12+$0x0], $0xffff;
	_ =	sdelay $0x4  }
0x8f: {  	[tilespmem:v16+s16+$0x0] =	vst.idx.add.f32.msk $0xffff, v17  }
0x90: {  	v16 =	vld [tilespmem:$0x30];
	_ =	sdelay $0x4  }
0x91: {  	v17 =	vld.idx.msk [tilespmem:v10+s12+$0x0], $0xffff;
	v16 =	vshll.u32 v16, $0x2;
	_ =	sdelay $0x4  }
0x92: {  	[tilespmem:v16+s16+$0x0] =	vst.idx.add.f32.msk $0xffff, v17  }
0x93: {  	v62 =	vor.u32 $0x1, v16;
	v17 =	vld.idx.msk [tilespmem:v11+s12+$0x0], $0xffff;
	_ =	sdelay $0x4  }
0x94: {  	[tilespmem:v62+s16+$0x0] =	vst.idx.add.f32.msk $0xffff, v17  }
0x95: {  	v16 =	vor.u32 $0x2, v16;
	v17 =	vld.idx.msk [tilespmem:v12+s12+$0x0], $0xffff;
	_ =	sdelay $0x4  }
0x96: {  	[tilespmem:v16+s16+$0x0] =	vst.idx.add.f32.msk $0xffff, v17  }
0x97: {  	v16 =	vld [tilespmem:$0x40];
	_ =	sdelay $0x4  }
0x98: {  	v17 =	vld.idx.msk [tilespmem:v13+s12+$0x0], $0xffff;
	v16 =	vshll.u32 v16, $0x2;
	_ =	sdelay $0x4  }
0x99: {  	[tilespmem:v16+s16+$0x0] =	vst.idx.add.f32.msk $0xffff, v17  }
0x9a: {  	v63 =	vor.u32 $0x1, v16;
	v17 =	vld.idx.msk [tilespmem:v14+s12+$0x0], $0xffff;
	_ =	sdelay $0x4  }
0x9b: {  	[tilespmem:v63+s16+$0x0] =	vst.idx.add.f32.msk $0xffff, v17  }
0x9c: {  	v16 =	vor.u32 $0x2, v16;
	v17 =	vld.idx.msk [tilespmem:v15+s12+$0x0], $0xffff;
	_ =	sdelay $0x2  }
0x9d: {  	s19 =	sadd.s32 $0x1, s19  }
0x9e: {  	p0 =	sne.s32 s19, s8  }
.Ltmp2:
0x9f: {  	[tilespmem:v16+s16+$0x0] =	vst.idx.add.f32.msk $0xffff, v17;
	(pc) =	sbr.rel @p0 .LBB2_1-.Ltmp2, $4  }
0xa0: {  	[hbm4b:s7+s3] =	stream.linear.scatter [tilespmem:s16], [sflag:$0x3], $0x9C40, $0x38;
	[tilespmem:$0xA080] =	vst v63  }
0xa1: {  	_ =	swait.ge [sflag:s18], $0x9C40  }
0xa2: {  	[sflag:s18] =	ssyncset.done $0x0  }
0xa3: {  	[sflag:s18] =	ssyncadd.s32 $0xFFFF63C0  }
0xa4: {  	_ =	sfence.sel $0x180000  }
0xa5: {  	[bflag:$0x0] =	sbarrier.arrive $0xFFFF  }
0xa6: {  	p0 =	sne.s32 s0, $0x0;
	_ =	strace $0x9000004D  }
0xa7: {  	s0 =	sadd.s32 @!p0 $0x100000, s1;
	[bflag:$0x2] =	sbarrier.arrive $0xFFFF  }
0xa8: {  	[sflag:s0] =	ssyncadd.tile.s32 @!p0 $0x1;
	_ =	shalt  }
.Lfunc_end2:
_tile_overlayer_lowered:
.L_overlay_start_2:
0xa9: {  	(tag) =	ssettag $0x2  }
0xaa: {  	s0 =	rddreg [dreg:$0x0];
	s2 =	stileid.u32  }
0xab: {  	s1 =	rddreg [dreg:$0x1];
	p0 =	sne.s32 s2, $0x0  }
0xac: {  	s3 =	rddreg [dreg:$0x2];
	[bflag:$0x3] =	sbarrier.arrive $0xFFFF;
	s2 =	simm.s32 @!p0 $0x1C03  }
0xad: {  	[timem:s3], [sflag:s2] =	dma.local @!p0 [hbm:s0], s1  }
0xae: {  	s0 =	simm.s32 @!p0 $0x3  }
0xaf: {  	_ =	swait.ge @!p0 [sflag:s0], s1  }
0xb0: {  	s1 =	ssub.s32 @!p0 $0x0, s1;
	[sflag:s0] =	ssyncset.done @!p0 $0x0  }
0xb1: {  	[sflag:s0] =	ssyncadd.s32 @!p0 s1  }
0xb2: {  	[bflag:$0x3] =	sbarrier.arrive $0xFFFF  }
0xb3: {  	_ =	shalt  }

</sc_bundles>
